<compile_context>
chip_gen: v7x
topology: tpu7x:2x2x1
jax: 0.10.2.dev20260603
libtpu: 0.0.44.dev20260713+nightly
codegen_flags: <defaults>
</compile_context>

<pallas_src>
import functools

import jax
import jax.numpy as jnp
from jax import lax
from jax.experimental import pallas as pl
from jax.experimental.pallas import tpu as pltpu
from jax.experimental.pallas import tpu_sc as plsc

D_MODEL = 1024
NHEAD = 16
NUM_POINTS = 4
DH = D_MODEL // NHEAD
P2 = NHEAD * NUM_POINTS * 2

_NW = 32


def _valproj_body(f_ref, fn_ref, w_ref, b_ref, o_ref):
    LT = f_ref.shape[0]
    for b in range(f_ref.shape[1]):
        x = (lax.dot_general(f_ref[:, b, :], w_ref[...], (((1,), (1,)), ((), ())),
                             preferred_element_type=jnp.float32)
             + b_ref[...]).astype(jnp.bfloat16)
        xn = (lax.dot_general(fn_ref[:, b, :], w_ref[...], (((1,), (1,)), ((), ())),
                              preferred_element_type=jnp.float32)
              + b_ref[...]).astype(jnp.bfloat16)
        xs = jnp.concatenate([x[1:], xn[0:1]], axis=0)
        for h in range(NHEAD):
            o_ref[b, h] = jnp.concatenate(
                [x[:, h * DH:(h + 1) * DH], xs[:, h * DH:(h + 1) * DH]], axis=1)


def _value_proj(features, W_val, b_val):
    L, B, E = features.shape
    D = W_val.shape[0]
    LT = 512
    nblk = L // LT
    return pl.pallas_call(
        _valproj_body,
        grid=(nblk,),
        in_specs=[
            pl.BlockSpec((LT, B, E), lambda i: (i, 0, 0)),
            pl.BlockSpec((8, B, E), lambda i: (((i + 1) % nblk) * (LT // 8), 0, 0)),
            pl.BlockSpec((D, E), lambda i: (0, 0)),
            pl.BlockSpec((1, D), lambda i: (0, 0)),
        ],
        out_specs=pl.BlockSpec((B, NHEAD, LT, 2 * DH), lambda i: (0, 0, i, 0)),
        out_shape=jax.ShapeDtypeStruct((B, NHEAD, L, 2 * DH), jnp.bfloat16),
    )(features, features, W_val, b_val.reshape(1, D))


def _sampling_body(L, B, q_ref, bp_ref, wo_ref, bo_ref, wa_ref, ba_ref,
                   i_ref, w_ref):
    QT = q_ref.shape[0]
    R = B * QT
    q = jnp.concatenate([q_ref[:, b, :] for b in range(B)], axis=0)
    off = lax.dot_general(q, wo_ref[...], (((1,), (1,)), ((), ())),
                          preferred_element_type=jnp.float32) + bo_ref[...]
    logit = lax.dot_general(q, wa_ref[...], (((1,), (1,)), ((), ())),
                            preferred_element_type=jnp.float32) + ba_ref[...]
    m = jnp.max(logit, axis=-1, keepdims=True)
    e = jnp.exp(logit - m)
    gi = lax.broadcasted_iota(jnp.int32, (P2, P2), 0) // 8
    gj = lax.broadcasted_iota(jnp.int32, (P2, P2), 1) // 8
    G = (gi == gj).astype(jnp.float32)
    s = lax.dot_general(e, G, (((1,), (0,)), ((), ())),
                        preferred_element_type=jnp.float32)
    attn = e / s

    center = jnp.concatenate([bp_ref[b][:, 0:1] for b in range(B)], axis=0)
    width = jnp.concatenate([bp_ref[b][:, 1:2] for b in range(B)], axis=0)
    col = lax.broadcasted_iota(jnp.int32, (R, P2), 1)
    base = jnp.where(col % 2 == 0, center - 0.5 * width, center + 0.5 * width)
    loc = jnp.clip(base + off * width * 0.5, 0.0, 1.0)
    xp = loc * L - 0.5
    x0 = jnp.floor(xp)
    wf1 = xp - x0
    wf0 = 1.0 - wf1
    i0 = x0.astype(jnp.int32)
    i1 = i0 + 1
    v0 = ((i0 >= 0) & (i0 < L)).astype(jnp.float32)
    v1 = ((i1 >= 0) & (i1 < L)).astype(jnp.float32)
    r0 = jnp.clip(i0, 0, L - 1)
    h_col = col // 8
    b_row = lax.broadcasted_iota(jnp.int32, (R, P2), 0) // QT
    fidx = (b_row * NHEAD + h_col) * L + r0
    g0 = attn * wf0 * v0
    g1 = attn * wf1 * v1
    neg = (i0 < 0).astype(jnp.float32)
    wlo = g0 + neg * g1
    whi = (1.0 - neg) * g1
    for b in range(B):
        lo, hi = b * QT, (b + 1) * QT
        i_ref[:, b, :] = fidx[lo:hi]
        w_ref[:, b, 0:P2] = wlo[lo:hi]
        w_ref[:, b, P2:2 * P2] = whi[lo:hi]


def _sampling(pro_features, boundary_points, W_off, b_off, W_attn, b_attn, L):
    Nq, B, D = pro_features.shape
    QT = 256
    return pl.pallas_call(
        functools.partial(_sampling_body, L, B),
        grid=(Nq // QT,),
        in_specs=[
            pl.BlockSpec((QT, B, D), lambda i: (i, 0, 0)),
            pl.BlockSpec((B, QT, 2), lambda i: (0, i, 0)),
            pl.BlockSpec((P2, D), lambda i: (0, 0)),
            pl.BlockSpec((1, P2), lambda i: (0, 0)),
            pl.BlockSpec((P2, D), lambda i: (0, 0)),
            pl.BlockSpec((1, P2), lambda i: (0, 0)),
        ],
        out_specs=[pl.BlockSpec((QT, B, P2), lambda i: (i, 0, 0)),
                   pl.BlockSpec((QT, B, 2 * P2), lambda i: (i, 0, 0))],
        out_shape=[jax.ShapeDtypeStruct((Nq, B, P2), jnp.int32),
                   jax.ShapeDtypeStruct((Nq, B, 2 * P2), jnp.float32)],
    )(pro_features, boundary_points, W_off, b_off.reshape(1, P2),
      W_attn, b_attn.reshape(1, P2))


def _make_sc_sample(nout8):
    ent_i = P2
    ent_w = 2 * P2
    rows8_per_w = nout8 // _NW
    nchunk = rows8_per_w // 8
    went_i = nchunk * ent_i
    went_w = nchunk * ent_w
    mesh = plsc.VectorSubcoreMesh(core_axis_name="c", subcore_axis_name="s")

    @functools.partial(
        pl.kernel,
        mesh=mesh,
        out_type=jax.ShapeDtypeStruct((nout8, 2 * DH), jnp.float32),
        compiler_params=pltpu.CompilerParams(use_tc_tiling_on_sc=False),
        scratch_types=[
            pltpu.VMEM((went_i,), jnp.int32),
            pltpu.VMEM((went_w,), jnp.float32),
            pltpu.VMEM((ent_i, 2 * DH), jnp.bfloat16),
            pltpu.VMEM((ent_i, 2 * DH), jnp.bfloat16),
            pltpu.VMEM((8, 2 * DH), jnp.float32),
            pltpu.VMEM((8, 2 * DH), jnp.float32),
            pltpu.SemaphoreType.DMA,
            pltpu.SemaphoreType.DMA,
            pltpu.SemaphoreType.DMA,
            pltpu.SemaphoreType.DMA,
        ],
    )
    def sc_sample(tbl_hbm, idx_hbm, wt_hbm, out_hbm,
                  idx_all, wt_all, rows0_v, rows1_v, out0_v, out1_v,
                  gsem0, gsem1, osem0, osem1):
        wid = lax.axis_index("s") * 2 + lax.axis_index("c")
        cbase = wid * nchunk

        pltpu.sync_copy(idx_hbm.at[pl.ds(cbase * ent_i, went_i)], idx_all)
        pltpu.sync_copy(wt_hbm.at[pl.ds(cbase * ent_w, went_w)], wt_all)

        def g_start(i, rows_v, gsem):
            pltpu.async_copy(
                tbl_hbm.at[idx_all.at[pl.ds(i * ent_i, ent_i)]], rows_v, gsem)

        def g_wait(i, rows_v, gsem):
            pltpu.make_async_copy(
                tbl_hbm.at[idx_all.at[pl.ds(i * ent_i, ent_i)]], rows_v,
                gsem).wait()

        def o_start(i, out_v, osem):
            pltpu.async_copy(
                out_v, out_hbm.at[pl.ds((cbase + i) * 8, 8)], osem)

        def o_wait(i, out_v, osem):
            pltpu.make_async_copy(
                out_v, out_hbm.at[pl.ds((cbase + i) * 8, 8)], osem).wait()

        def compute(i, rows_v, out_v):
            coff = i * ent_w

            def row_pair(hh, carry):
                w0vec = wt_all[pl.ds(coff + hh * 16, 16)]
                w1vec = wt_all[pl.ds(coff + P2 + hh * 16, 16)]
                for half in range(2):
                    rb = (hh * 2 + half) * 8
                    acc = [jnp.zeros((32,), jnp.float32) for _ in range(2)]
                    for k in range(8):
                        w0 = w0vec[half * 8 + k]
                        w1 = w1vec[half * 8 + k]
                        for c in range(2):
                            v0 = rows_v[rb + k,
                                        pl.ds(c * 32, 32)].astype(jnp.float32)
                            v1 = rows_v[rb + k,
                                        pl.ds(DH + c * 32, 32)].astype(jnp.float32)
                            acc[c] = acc[c] + w0 * v0 + w1 * v1
                    for c in range(2):
                        out_v[hh, pl.ds(half * DH + c * 32, 16)] = acc[c][0:16]
                        out_v[hh, pl.ds(half * DH + c * 32 + 16, 16)] = (
                            acc[c][16:32])
                return carry

            lax.fori_loop(0, NHEAD // 2, row_pair, 0)

        g_start(0, rows0_v, gsem0)

        def pair_body(cp, carry):
            i0, i1 = 2 * cp, 2 * cp + 1
            g_start(i1, rows1_v, gsem1)
            g_wait(i0, rows0_v, gsem0)

            @pl.when(cp > 0)
            def _():
                o_wait(i0, out0_v, osem0)
            compute(i0, rows0_v, out0_v)
            o_start(i0, out0_v, osem0)

            @pl.when(i1 + 1 < nchunk)
            def _():
                g_start(i1 + 1, rows0_v, gsem0)
            g_wait(i1, rows1_v, gsem1)

            @pl.when(cp > 0)
            def _():
                o_wait(i1, out1_v, osem1)
            compute(i1, rows1_v, out1_v)
            o_start(i1, out1_v, osem1)
            return carry

        lax.fori_loop(0, nchunk // 2, pair_body, 0)
        o_wait(nchunk - 2, out0_v, osem0)
        o_wait(nchunk - 1, out1_v, osem1)

    return sc_sample


def _outproj_body(x_ref, w_ref, b_ref, o_ref):
    o_ref[...] = lax.dot_general(x_ref[...], w_ref[...], (((1,), (1,)), ((), ())),
                                 preferred_element_type=jnp.float32) + b_ref[...]


def _out_proj(x, W_out, b_out):
    N, D = x.shape
    RT = 512
    return pl.pallas_call(
        _outproj_body,
        grid=(N // RT,),
        in_specs=[
            pl.BlockSpec((RT, D), lambda i: (i, 0)),
            pl.BlockSpec((D, D), lambda i: (0, 0)),
            pl.BlockSpec((1, D), lambda i: (0, 0)),
        ],
        out_specs=pl.BlockSpec((RT, D), lambda i: (i, 0)),
        out_shape=jax.ShapeDtypeStruct((N, D), jnp.float32),
    )(x, W_out, b_out.reshape(1, D))


def kernel(pro_features, features, boundary_points, window_size,
           W_off, b_off, W_attn, b_attn, W_val, b_val, W_out, b_out):
    Nq, B, D = pro_features.shape
    L = features.shape[0]

    tbl4 = _value_proj(features, W_val, b_val)
    tbl = tbl4.reshape(B * NHEAD * L, 2 * DH)

    idx, wt = _sampling(
        pro_features, boundary_points, W_off, b_off, W_attn, b_attn, L)
    nout8 = Nq * B * NHEAD // 2
    sampled = _make_sc_sample(nout8)(
        tbl, idx.reshape(-1), wt.reshape(-1))

    out = _out_proj(sampled.reshape(Nq * B, D), W_out, b_out)
    return out.reshape(Nq, B, D)

# --- scband reference (transcript-rebuilt; emitter-appended) ---
"""Pipeline reference for scband-boundary-deformation-32100585570630 (READ-ONLY COPY).

The authoritative reference and input builder live on the scoring server;
editing this copy changes nothing except your own understanding.
"""

import jax, jax.numpy as jnp
import numpy as np

D_MODEL = 1024
NHEAD = 16
NUM_POINTS = 4


def bilinear_sampling(value, locs):
    # value: [L, B, NH, dh]; locs: [B, Nq, NH, Np, 1] in [-1, 1]
    L, B, NH, dh = value.shape
    _, Nq, _, Np, _ = locs.shape
    v = jnp.transpose(value, (1, 2, 3, 0)).reshape(B * NH, dh, L)
    x = jnp.transpose(locs[..., 0], (0, 2, 1, 3)).reshape(B * NH, Nq * Np)
    # torch grid_sample align_corners=False pixel mapping (H=1 row contributes weight 1)
    xp = ((x + 1.0) * L - 1.0) / 2.0
    x0 = jnp.floor(xp)
    w1 = xp - x0
    w0 = 1.0 - w1
    i0 = x0.astype(jnp.int32)
    i1 = i0 + 1

    def gath(idx):
        valid = ((idx >= 0) & (idx < L)).astype(v.dtype)
        idxc = jnp.clip(idx, 0, L - 1)
        g = jnp.take_along_axis(v, jnp.broadcast_to(idxc[:, None, :], (B * NH, dh, Nq * Np)), axis=2)
        return g * valid[:, None, :]

    out = gath(i0) * w0[:, None, :] + gath(i1) * w1[:, None, :]
    out = out.reshape(B, NH, dh, Nq, Np)
    return jnp.transpose(out, (0, 3, 1, 4, 2))  # [B, Nq, NH, Np, dh]


def _forward(pro_features, features, boundary_points, W_off, b_off, W_attn, b_attn, W_val, b_val, W_out, b_out):
    Nq, B, D = pro_features.shape
    L = features.shape[0]
    dh = D // NHEAD
    value = (features @ W_val.T + b_val).reshape(L, B, NHEAD, dh)
    query = jnp.transpose(pro_features, (1, 0, 2))  # [B, Nq, D]
    offsets = (query @ W_off.T + b_off).reshape(B, Nq, NHEAD, NUM_POINTS * 2, 1)
    attn = (query @ W_attn.T + b_attn).reshape(B, Nq, NHEAD, NUM_POINTS * 2)
    attn = jax.nn.softmax(attn, axis=-1)[..., None]
    center = boundary_points[..., 0]
    width = boundary_points[..., 1]
    base = jnp.stack([center - 0.5 * width, center + 0.5 * width], axis=-1)[:, :, None, :, None]
    base = jnp.tile(base, (1, 1, NHEAD, NUM_POINTS, 1))  # [B, Nq, NH, 2*Np, 1]
    sampling_locs = base + offsets * width[:, :, None, None, None] * 0.5
    grid = jnp.clip(sampling_locs, 0.0, 1.0) * 2.0 - 1.0
    sampled = bilinear_sampling(value, grid)
    out = (sampled * attn).sum(-2).reshape(B, Nq, D)
    out = jnp.transpose(out, (1, 0, 2))
    return out @ W_out.T + b_out


def setup_inputs(seed: int = 0):
    key = jax.random.key(seed)
    ks = jax.random.split(key, 8)
    Nq, B, L = 1024, 2, 4096
    D = D_MODEL
    P2 = NHEAD * NUM_POINTS * 2
    pro_features = jax.random.normal(ks[0], (Nq, B, D), jnp.float32)
    features = jax.random.normal(ks[1], (L, B, 2 * D), jnp.float32)
    boundary_points = jax.random.uniform(ks[2], (B, Nq, 2), jnp.float32)
    W_off = jax.random.normal(ks[3], (P2, D), jnp.float32) * 0.02
    b_off = jax.random.normal(ks[4], (P2,), jnp.float32) * 0.02
    W_attn = jax.random.normal(ks[5], (P2, D), jnp.float32) * 0.02
    b_attn = jnp.zeros((P2,), jnp.float32)
    W_val = jax.random.normal(ks[6], (D, 2 * D), jnp.float32) * (1.0 / np.sqrt(2 * D))
    b_val = jnp.zeros((D,), jnp.float32)
    W_out = jax.random.normal(ks[7], (D, D), jnp.float32) * (1.0 / np.sqrt(D))
    b_out = jnp.zeros((D,), jnp.float32)
    return {"pro_features": pro_features, "features": features, "boundary_points": boundary_points, "window_size": 4096, "W_off": W_off, "b_off": b_off, "W_attn": W_attn, "b_attn": b_attn, "W_val": W_val, "b_val": b_val, "W_out": W_out, "b_out": b_out}


def reference(pro_features, features, boundary_points, window_size, W_off, b_off, W_attn, b_attn, W_val, b_val, W_out, b_out):
    # window_size is accepted by the torch forward but unused
    return _forward(pro_features, features, boundary_points, W_off, b_off, W_attn, b_attn, W_val, b_val, W_out, b_out)

if __name__ == "__main__":
    import jax
    _d = setup_inputs()
    print(jax.jit(kernel)(*tuple(_d.values())))

</pallas_src>

<mosaic_0001>
#map = affine_map<(d0, d1) -> (0, 0)>
#map1 = affine_map<(d0, d1) -> (0)>
module attributes {stable_mosaic.version = 14 : i64} {
  func.func @sc_sample(%arg0: i32, %arg1: i32, %arg2: memref<131072x128xbf16, #tpu.memory_space<hbm>>, %arg3: memref<262144xi32, #tpu.memory_space<hbm>>, %arg4: memref<524288xf32, #tpu.memory_space<hbm>>, %arg5: memref<16384x128xf32, #tpu.memory_space<hbm>>, %arg6: memref<8192xi32, #tpu.memory_space<vmem>>, %arg7: memref<16384xf32, #tpu.memory_space<vmem>>, %arg8: memref<128x128xbf16, #tpu.memory_space<vmem>>, %arg9: memref<128x128xbf16, #tpu.memory_space<vmem>>, %arg10: memref<8x128xf32, #tpu.memory_space<vmem>>, %arg11: memref<8x128xf32, #tpu.memory_space<vmem>>, %arg12: memref<!tpu.dma_semaphore, #tpu.memory_space<semaphore_mem>>, %arg13: memref<!tpu.dma_semaphore, #tpu.memory_space<semaphore_mem>>, %arg14: memref<!tpu.dma_semaphore, #tpu.memory_space<semaphore_mem>>, %arg15: memref<!tpu.dma_semaphore, #tpu.memory_space<semaphore_mem>>) attributes {dimension_semantics = [#tpu.dimension_semantics<core_parallel>, #tpu.dimension_semantics<subcore_parallel>], iteration_bounds = array<i64: 2, 16>, scalar_prefetch = 0 : i64, scratch_operands = 10 : i64, tpu.core_type = #tpu.core_type<sc_vector_subcore>, window_params = [{transform_indices = #map}, {transform_indices = #map1}, {transform_indices = #map1}, {transform_indices = #map}]} {
    %mul3A = arith.constant 2 : i32
    %mul3A_0 = arith.muli %arg1, %mul3A : i32
    %add3A = arith.addi %mul3A_0, %arg0 : i32
    %mul3A_1 = arith.constant 64 : i32
    %mul3A_2 = arith.muli %add3A, %mul3A_1 : i32
    %mul3A_3 = arith.constant 128 : i32
    %mul3A_4 = arith.muli %mul3A_2, %mul3A_3 : i32
    "tpu.region"() ({
      %run_scoped3A = tpu.sem_alloc : memref<!tpu.dma_semaphore, #tpu.memory_space<semaphore_mem>>
      %dma_start3A_31 = tpu.memref_slice %arg3[%mul3A_4] : memref<262144xi32, #tpu.memory_space<hbm>> -> memref<8192xi32, #tpu.memory_space<hbm>>
      %dma_start3A_32 = tpu.memref_slice %arg3[%mul3A_4] : memref<262144xi32, #tpu.memory_space<hbm>> -> memref<8192xi32, #tpu.memory_space<hbm>>
      tpu.enqueue_dma source(%dma_start3A_32 : memref<8192xi32, #tpu.memory_space<hbm>>) target(%arg6 : memref<8192xi32, #tpu.memory_space<vmem>>) target_semaphore(%run_scoped3A : memref<!tpu.dma_semaphore, #tpu.memory_space<semaphore_mem>>)
      %dma_wait3A_33 = tpu.memref_slice %arg3[%mul3A_4] : memref<262144xi32, #tpu.memory_space<hbm>> -> memref<8192xi32, #tpu.memory_space<hbm>>
      %dma_wait3A_34 = tpu.memref_slice %arg3[%mul3A_4] : memref<262144xi32, #tpu.memory_space<hbm>> -> memref<8192xi32, #tpu.memory_space<hbm>>
      tpu.wait_dma2 semaphore(%run_scoped3A : memref<!tpu.dma_semaphore, #tpu.memory_space<semaphore_mem>>) src(%dma_wait3A_34 : memref<8192xi32, #tpu.memory_space<hbm>>) dst(%arg6 : memref<8192xi32, #tpu.memory_space<vmem>>)
      tpu.yield
    }) : () -> ()
    %mul3A_5 = arith.constant 256 : i32
    %mul3A_6 = arith.muli %mul3A_2, %mul3A_5 : i32
    "tpu.region"() ({
      %run_scoped3A = tpu.sem_alloc : memref<!tpu.dma_semaphore, #tpu.memory_space<semaphore_mem>>
      %dma_start3A_31 = tpu.memref_slice %arg4[%mul3A_6] : memref<524288xf32, #tpu.memory_space<hbm>> -> memref<16384xf32, #tpu.memory_space<hbm>>
      %dma_start3A_32 = tpu.memref_slice %arg4[%mul3A_6] : memref<524288xf32, #tpu.memory_space<hbm>> -> memref<16384xf32, #tpu.memory_space<hbm>>
      tpu.enqueue_dma source(%dma_start3A_32 : memref<16384xf32, #tpu.memory_space<hbm>>) target(%arg7 : memref<16384xf32, #tpu.memory_space<vmem>>) target_semaphore(%run_scoped3A : memref<!tpu.dma_semaphore, #tpu.memory_space<semaphore_mem>>)
      %dma_wait3A_33 = tpu.memref_slice %arg4[%mul3A_6] : memref<524288xf32, #tpu.memory_space<hbm>> -> memref<16384xf32, #tpu.memory_space<hbm>>
      %dma_wait3A_34 = tpu.memref_slice %arg4[%mul3A_6] : memref<524288xf32, #tpu.memory_space<hbm>> -> memref<16384xf32, #tpu.memory_space<hbm>>
      tpu.wait_dma2 semaphore(%run_scoped3A : memref<!tpu.dma_semaphore, #tpu.memory_space<semaphore_mem>>) src(%dma_wait3A_34 : memref<16384xf32, #tpu.memory_space<hbm>>) dst(%arg7 : memref<16384xf32, #tpu.memory_space<vmem>>)
      tpu.yield
    }) : () -> ()
    %dma_start3A = arith.constant 0 : i32
    %dma_start3A_7 = tpu.memref_slice %arg6[%dma_start3A] : memref<8192xi32, #tpu.memory_space<vmem>> -> memref<128xi32, #tpu.memory_space<vmem>>
    %dma_start3A_8 = arith.constant 0 : i32
    %dma_start3A_9 = arith.constant 0 : i32
    %dma_start3A_10 = tpu.memref_slice %arg2[%dma_start3A_8, %dma_start3A_9] : memref<131072x128xbf16, #tpu.memory_space<hbm>> -> memref<131072x128xbf16, #tpu.memory_space<hbm>>
    tpu.enqueue_indirect_dma source(%dma_start3A_10 : memref<131072x128xbf16, #tpu.memory_space<hbm>>) target(%arg8 : memref<128x128xbf16, #tpu.memory_space<vmem>>) offsets(%dma_start3A_7 : memref<128xi32, #tpu.memory_space<vmem>>) semaphore(%arg12 : memref<!tpu.dma_semaphore, #tpu.memory_space<semaphore_mem>>)
    %scan3A = arith.constant 0 : i32
    %scan3A_11 = arith.constant 0 : i32
    %scan3A_12 = arith.constant 32 : i32
    %scan3A_13 = arith.addi %scan3A_11, %scan3A_12 : i32
    %scan3A_14 = arith.constant 1 : i32
    scf.for %scan3A_31 = %scan3A_11 to %scan3A_13 step %scan3A_14  : i32 {
      %mul3A_32 = arith.constant 2 : i32
      %mul3A_33 = arith.muli %mul3A_32, %scan3A_31 : i32
      %mul3A_34 = arith.constant 2 : i32
      %mul3A_35 = arith.muli %mul3A_34, %scan3A_31 : i32
      %add3A_36 = arith.constant 1 : i32
      %add3A_37 = arith.addi %mul3A_35, %add3A_36 : i32
      %mul3A_38 = arith.constant 128 : i32
      %mul3A_39 = arith.muli %add3A_37, %mul3A_38 : i32
      %dma_start3A_40 = tpu.memref_slice %arg6[%mul3A_39] : memref<8192xi32, #tpu.memory_space<vmem>> -> memref<128xi32, #tpu.memory_space<vmem>>
      %dma_start3A_41 = arith.constant 0 : i32
      %dma_start3A_42 = arith.constant 0 : i32
      %dma_start3A_43 = tpu.memref_slice %arg2[%dma_start3A_41, %dma_start3A_42] : memref<131072x128xbf16, #tpu.memory_space<hbm>> -> memref<131072x128xbf16, #tpu.memory_space<hbm>>
      tpu.enqueue_indirect_dma source(%dma_start3A_43 : memref<131072x128xbf16, #tpu.memory_space<hbm>>) target(%arg9 : memref<128x128xbf16, #tpu.memory_space<vmem>>) offsets(%dma_start3A_40 : memref<128xi32, #tpu.memory_space<vmem>>) semaphore(%arg13 : memref<!tpu.dma_semaphore, #tpu.memory_space<semaphore_mem>>)
      %mul3A_44 = arith.constant 128 : i32
      %mul3A_45 = arith.muli %mul3A_33, %mul3A_44 : i32
      %dma_wait3A_46 = tpu.memref_slice %arg6[%mul3A_45] : memref<8192xi32, #tpu.memory_space<vmem>> -> memref<128xi32, #tpu.memory_space<vmem>>
      %dma_wait3A_47 = arith.constant 0 : i32
      %dma_wait3A_48 = arith.constant 0 : i32
      %dma_wait3A_49 = tpu.memref_slice %arg2[%dma_wait3A_47, %dma_wait3A_48] : memref<131072x128xbf16, #tpu.memory_space<hbm>> -> memref<131072x128xbf16, #tpu.memory_space<hbm>>
      tpu.wait_indirect_dma semaphore(%arg12 : memref<!tpu.dma_semaphore, #tpu.memory_space<semaphore_mem>>) src(%dma_wait3A_49 : memref<131072x128xbf16, #tpu.memory_space<hbm>>) dst(%arg8 : memref<128x128xbf16, #tpu.memory_space<vmem>>)
      %gt3A = arith.constant 0 : i32
      %gt3A_50 = arith.cmpi sgt, %scan3A_31, %gt3A : i32
      %convert_element_type3A = arith.extui %gt3A_50 : i1 to i32
      %cond3A = arith.constant 0 : i32
      %cond3A_51 = arith.cmpi ne, %convert_element_type3A, %cond3A : i32
      scf.if %cond3A_51 {
        %add3A_99 = arith.addi %mul3A_2, %mul3A_33 : i32
        %mul3A_100 = arith.constant 8 : i32
        %mul3A_101 = arith.muli %add3A_99, %mul3A_100 : i32
        %dma_wait3A_102 = arith.constant 0 : i32
        %dma_wait3A_103 = tpu.memref_slice %arg5[%mul3A_101, %dma_wait3A_102] : memref<16384x128xf32, #tpu.memory_space<hbm>> -> memref<8x128xf32, #tpu.memory_space<hbm>>
        %dma_wait3A_104 = arith.constant 0 : i32
        %dma_wait3A_105 = tpu.memref_slice %arg5[%mul3A_101, %dma_wait3A_104] : memref<16384x128xf32, #tpu.memory_space<hbm>> -> memref<8x128xf32, #tpu.memory_space<hbm>>
        tpu.wait_dma2 semaphore(%arg14 : memref<!tpu.dma_semaphore, #tpu.memory_space<semaphore_mem>>) src(%arg10 : memref<8x128xf32, #tpu.memory_space<vmem>>) dst(%dma_wait3A_105 : memref<8x128xf32, #tpu.memory_space<hbm>>)
      } else {
      }
      %mul3A_52 = arith.constant 256 : i32
      %mul3A_53 = arith.muli %mul3A_33, %mul3A_52 : i32
      %scan3A_54 = arith.constant 0 : i32
      %scan3A_55 = arith.constant 0 : i32
      %scan3A_56 = arith.constant 8 : i32
      %scan3A_57 = arith.addi %scan3A_55, %scan3A_56 : i32
      %scan3A_58 = arith.constant 1 : i32
      scf.for %scan3A_99 = %scan3A_55 to %scan3A_57 step %scan3A_58  : i32 {
        %mul3A_100 = arith.constant 16 : i32
        %mul3A_101 = arith.muli %scan3A_99, %mul3A_100 : i32
        %add3A_102 = arith.addi %mul3A_53, %mul3A_101 : i32
        %get3A = arith.index_cast %add3A_102 : i32 to index
        %get3A_103 = tpu.vector_load %arg7[%get3A] {strides = array<i32>} : memref<16384xf32, #tpu.memory_space<vmem>>, vector<16xf32>,
        %get3A_104 = vector.shape_cast %get3A_103 : vector<16xf32> to vector<16xf32>
        %add3A_105 = arith.constant 128 : i32
        %add3A_106 = arith.addi %mul3A_53, %add3A_105 : i32
        %mul3A_107 = arith.constant 16 : i32
        %mul3A_108 = arith.muli %scan3A_99, %mul3A_107 : i32
        %add3A_109 = arith.addi %add3A_106, %mul3A_108 : i32
        %get3A_110 = arith.index_cast %add3A_109 : i32 to index
        %get3A_111 = tpu.vector_load %arg7[%get3A_110] {strides = array<i32>} : memref<16384xf32, #tpu.memory_space<vmem>>, vector<16xf32>,
        %get3A_112 = vector.shape_cast %get3A_111 : vector<16xf32> to vector<16xf32>
        %mul3A_113 = arith.constant 2 : i32
        %mul3A_114 = arith.muli %scan3A_99, %mul3A_113 : i32
        %add3A_115 = arith.constant 0 : i32
        %add3A_116 = arith.addi %mul3A_114, %add3A_115 : i32
        %mul3A_117 = arith.constant 8 : i32
        %mul3A_118 = arith.muli %add3A_116, %mul3A_117 : i32
        %broadcast_in_dim3A = arith.constant 0.000000e+00 : f32
        %broadcast_in_dim3A_119 = vector.broadcast %broadcast_in_dim3A : f32 to vector<32xf32>
        %broadcast_in_dim3A_120 = arith.constant 0.000000e+00 : f32
        %broadcast_in_dim3A_121 = vector.broadcast %broadcast_in_dim3A_120 : f32 to vector<32xf32>
        %slice3A = vector.extract_strided_slice %get3A_104 {offsets = [0], sizes = [1], strides = [1]} : vector<16xf32> to vector<1xf32>
        %squeeze3A = vector.extract %slice3A[0] : f32 from vector<1xf32>
        %slice3A_122 = vector.extract_strided_slice %get3A_112 {offsets = [0], sizes = [1], strides = [1]} : vector<16xf32> to vector<1xf32>
        %squeeze3A_123 = vector.extract %slice3A_122[0] : f32 from vector<1xf32>
        %add3A_124 = arith.constant 0 : i32
        %add3A_125 = arith.addi %mul3A_118, %add3A_124 : i32
        %get3A_126 = arith.index_cast %add3A_125 : i32 to index
        %get3A_127 = arith.constant 0 : index
        %get3A_128 = tpu.vector_load %arg8[%get3A_126, %get3A_127] {strides = array<i32>} : memref<128x128xbf16, #tpu.memory_space<vmem>>, vector<1x32xbf16>,
        %get3A_129 = vector.shape_cast %get3A_128 : vector<1x32xbf16> to vector<32xbf16>
        %convert_element_type3A_130 = arith.extf %get3A_129 : vector<32xbf16> to vector<32xf32>
        %add3A_131 = arith.constant 0 : i32
        %add3A_132 = arith.addi %mul3A_118, %add3A_131 : i32
        %get3A_133 = arith.index_cast %add3A_132 : i32 to index
        %get3A_134 = arith.constant 64 : index
        %get3A_135 = tpu.vector_load %arg8[%get3A_133, %get3A_134] {strides = array<i32>} : memref<128x128xbf16, #tpu.memory_space<vmem>>, vector<1x32xbf16>,
        %get3A_136 = vector.shape_cast %get3A_135 : vector<1x32xbf16> to vector<32xbf16>
        %convert_element_type3A_137 = arith.extf %get3A_136 : vector<32xbf16> to vector<32xf32>
        %mul3A_138 = vector.broadcast %squeeze3A : f32 to vector<32xf32>
        %mul3A_139 = arith.mulf %mul3A_138, %convert_element_type3A_130 : vector<32xf32>
        %add3A_140 = arith.addf %broadcast_in_dim3A_119, %mul3A_139 : vector<32xf32>
        %mul3A_141 = vector.broadcast %squeeze3A_123 : f32 to vector<32xf32>
        %mul3A_142 = arith.mulf %mul3A_141, %convert_element_type3A_137 : vector<32xf32>
        %add3A_143 = arith.addf %add3A_140, %mul3A_142 : vector<32xf32>
        %add3A_144 = arith.constant 0 : i32
        %add3A_145 = arith.addi %mul3A_118, %add3A_144 : i32
        %get3A_146 = arith.index_cast %add3A_145 : i32 to index
        %get3A_147 = arith.constant 32 : index
        %get3A_148 = tpu.vector_load %arg8[%get3A_146, %get3A_147] {strides = array<i32>} : memref<128x128xbf16, #tpu.memory_space<vmem>>, vector<1x32xbf16>,
        %get3A_149 = vector.shape_cast %get3A_148 : vector<1x32xbf16> to vector<32xbf16>
        %convert_element_type3A_150 = arith.extf %get3A_149 : vector<32xbf16> to vector<32xf32>
        %add3A_151 = arith.constant 0 : i32
        %add3A_152 = arith.addi %mul3A_118, %add3A_151 : i32
        %get3A_153 = arith.index_cast %add3A_152 : i32 to index
        %get3A_154 = arith.constant 96 : index
        %get3A_155 = tpu.vector_load %arg8[%get3A_153, %get3A_154] {strides = array<i32>} : memref<128x128xbf16, #tpu.memory_space<vmem>>, vector<1x32xbf16>,
        %get3A_156 = vector.shape_cast %get3A_155 : vector<1x32xbf16> to vector<32xbf16>
        %convert_element_type3A_157 = arith.extf %get3A_156 : vector<32xbf16> to vector<32xf32>
        %mul3A_158 = vector.broadcast %squeeze3A : f32 to vector<32xf32>
        %mul3A_159 = arith.mulf %mul3A_158, %convert_element_type3A_150 : vector<32xf32>
        %add3A_160 = arith.addf %broadcast_in_dim3A_121, %mul3A_159 : vector<32xf32>
        %mul3A_161 = vector.broadcast %squeeze3A_123 : f32 to vector<32xf32>
        %mul3A_162 = arith.mulf %mul3A_161, %convert_element_type3A_157 : vector<32xf32>
        %add3A_163 = arith.addf %add3A_160, %mul3A_162 : vector<32xf32>
        %slice3A_164 = vector.extract_strided_slice %get3A_104 {offsets = [1], sizes = [1], strides = [1]} : vector<16xf32> to vector<1xf32>
        %squeeze3A_165 = vector.extract %slice3A_164[0] : f32 from vector<1xf32>
        %slice3A_166 = vector.extract_strided_slice %get3A_112 {offsets = [1], sizes = [1], strides = [1]} : vector<16xf32> to vector<1xf32>
        %squeeze3A_167 = vector.extract %slice3A_166[0] : f32 from vector<1xf32>
        %add3A_168 = arith.constant 1 : i32
        %add3A_169 = arith.addi %mul3A_118, %add3A_168 : i32
        %get3A_170 = arith.index_cast %add3A_169 : i32 to index
        %get3A_171 = arith.constant 0 : index
        %get3A_172 = tpu.vector_load %arg8[%get3A_170, %get3A_171] {strides = array<i32>} : memref<128x128xbf16, #tpu.memory_space<vmem>>, vector<1x32xbf16>,
        %get3A_173 = vector.shape_cast %get3A_172 : vector<1x32xbf16> to vector<32xbf16>
        %convert_element_type3A_174 = arith.extf %get3A_173 : vector<32xbf16> to vector<32xf32>
        %add3A_175 = arith.constant 1 : i32
        %add3A_176 = arith.addi %mul3A_118, %add3A_175 : i32
        %get3A_177 = arith.index_cast %add3A_176 : i32 to index
        %get3A_178 = arith.constant 64 : index
        %get3A_179 = tpu.vector_load %arg8[%get3A_177, %get3A_178] {strides = array<i32>} : memref<128x128xbf16, #tpu.memory_space<vmem>>, vector<1x32xbf16>,
        %get3A_180 = vector.shape_cast %get3A_179 : vector<1x32xbf16> to vector<32xbf16>
        %convert_element_type3A_181 = arith.extf %get3A_180 : vector<32xbf16> to vector<32xf32>
        %mul3A_182 = vector.broadcast %squeeze3A_165 : f32 to vector<32xf32>
        %mul3A_183 = arith.mulf %mul3A_182, %convert_element_type3A_174 : vector<32xf32>
        %add3A_184 = arith.addf %add3A_143, %mul3A_183 : vector<32xf32>
        %mul3A_185 = vector.broadcast %squeeze3A_167 : f32 to vector<32xf32>
        %mul3A_186 = arith.mulf %mul3A_185, %convert_element_type3A_181 : vector<32xf32>
        %add3A_187 = arith.addf %add3A_184, %mul3A_186 : vector<32xf32>
        %add3A_188 = arith.constant 1 : i32
        %add3A_189 = arith.addi %mul3A_118, %add3A_188 : i32
        %get3A_190 = arith.index_cast %add3A_189 : i32 to index
        %get3A_191 = arith.constant 32 : index
        %get3A_192 = tpu.vector_load %arg8[%get3A_190, %get3A_191] {strides = array<i32>} : memref<128x128xbf16, #tpu.memory_space<vmem>>, vector<1x32xbf16>,
        %get3A_193 = vector.shape_cast %get3A_192 : vector<1x32xbf16> to vector<32xbf16>
        %convert_element_type3A_194 = arith.extf %get3A_193 : vector<32xbf16> to vector<32xf32>
        %add3A_195 = arith.constant 1 : i32
        %add3A_196 = arith.addi %mul3A_118, %add3A_195 : i32
        %get3A_197 = arith.index_cast %add3A_196 : i32 to index
        %get3A_198 = arith.constant 96 : index
        %get3A_199 = tpu.vector_load %arg8[%get3A_197, %get3A_198] {strides = array<i32>} : memref<128x128xbf16, #tpu.memory_space<vmem>>, vector<1x32xbf16>,
        %get3A_200 = vector.shape_cast %get3A_199 : vector<1x32xbf16> to vector<32xbf16>
        %convert_element_type3A_201 = arith.extf %get3A_200 : vector<32xbf16> to vector<32xf32>
        %mul3A_202 = vector.broadcast %squeeze3A_165 : f32 to vector<32xf32>
        %mul3A_203 = arith.mulf %mul3A_202, %convert_element_type3A_194 : vector<32xf32>
        %add3A_204 = arith.addf %add3A_163, %mul3A_203 : vector<32xf32>
        %mul3A_205 = vector.broadcast %squeeze3A_167 : f32 to vector<32xf32>
        %mul3A_206 = arith.mulf %mul3A_205, %convert_element_type3A_201 : vector<32xf32>
        %add3A_207 = arith.addf %add3A_204, %mul3A_206 : vector<32xf32>
        %slice3A_208 = vector.extract_strided_slice %get3A_104 {offsets = [2], sizes = [1], strides = [1]} : vector<16xf32> to vector<1xf32>
        %squeeze3A_209 = vector.extract %slice3A_208[0] : f32 from vector<1xf32>
        %slice3A_210 = vector.extract_strided_slice %get3A_112 {offsets = [2], sizes = [1], strides = [1]} : vector<16xf32> to vector<1xf32>
        %squeeze3A_211 = vector.extract %slice3A_210[0] : f32 from vector<1xf32>
        %add3A_212 = arith.constant 2 : i32
        %add3A_213 = arith.addi %mul3A_118, %add3A_212 : i32
        %get3A_214 = arith.index_cast %add3A_213 : i32 to index
        %get3A_215 = arith.constant 0 : index
        %get3A_216 = tpu.vector_load %arg8[%get3A_214, %get3A_215] {strides = array<i32>} : memref<128x128xbf16, #tpu.memory_space<vmem>>, vector<1x32xbf16>,
        %get3A_217 = vector.shape_cast %get3A_216 : vector<1x32xbf16> to vector<32xbf16>
        %convert_element_type3A_218 = arith.extf %get3A_217 : vector<32xbf16> to vector<32xf32>
        %add3A_219 = arith.constant 2 : i32
        %add3A_220 = arith.addi %mul3A_118, %add3A_219 : i32
        %get3A_221 = arith.index_cast %add3A_220 : i32 to index
        %get3A_222 = arith.constant 64 : index
        %get3A_223 = tpu.vector_load %arg8[%get3A_221, %get3A_222] {strides = array<i32>} : memref<128x128xbf16, #tpu.memory_space<vmem>>, vector<1x32xbf16>,
        %get3A_224 = vector.shape_cast %get3A_223 : vector<1x32xbf16> to vector<32xbf16>
        %convert_element_type3A_225 = arith.extf %get3A_224 : vector<32xbf16> to vector<32xf32>
        %mul3A_226 = vector.broadcast %squeeze3A_209 : f32 to vector<32xf32>
        %mul3A_227 = arith.mulf %mul3A_226, %convert_element_type3A_218 : vector<32xf32>
        %add3A_228 = arith.addf %add3A_187, %mul3A_227 : vector<32xf32>
        %mul3A_229 = vector.broadcast %squeeze3A_211 : f32 to vector<32xf32>
        %mul3A_230 = arith.mulf %mul3A_229, %convert_element_type3A_225 : vector<32xf32>
        %add3A_231 = arith.addf %add3A_228, %mul3A_230 : vector<32xf32>
        %add3A_232 = arith.constant 2 : i32
        %add3A_233 = arith.addi %mul3A_118, %add3A_232 : i32
        %get3A_234 = arith.index_cast %add3A_233 : i32 to index
        %get3A_235 = arith.constant 32 : index
        %get3A_236 = tpu.vector_load %arg8[%get3A_234, %get3A_235] {strides = array<i32>} : memref<128x128xbf16, #tpu.memory_space<vmem>>, vector<1x32xbf16>,
        %get3A_237 = vector.shape_cast %get3A_236 : vector<1x32xbf16> to vector<32xbf16>
        %convert_element_type3A_238 = arith.extf %get3A_237 : vector<32xbf16> to vector<32xf32>
        %add3A_239 = arith.constant 2 : i32
        %add3A_240 = arith.addi %mul3A_118, %add3A_239 : i32
        %get3A_241 = arith.index_cast %add3A_240 : i32 to index
        %get3A_242 = arith.constant 96 : index
        %get3A_243 = tpu.vector_load %arg8[%get3A_241, %get3A_242] {strides = array<i32>} : memref<128x128xbf16, #tpu.memory_space<vmem>>, vector<1x32xbf16>,
        %get3A_244 = vector.shape_cast %get3A_243 : vector<1x32xbf16> to vector<32xbf16>
        %convert_element_type3A_245 = arith.extf %get3A_244 : vector<32xbf16> to vector<32xf32>
        %mul3A_246 = vector.broadcast %squeeze3A_209 : f32 to vector<32xf32>
        %mul3A_247 = arith.mulf %mul3A_246, %convert_element_type3A_238 : vector<32xf32>
        %add3A_248 = arith.addf %add3A_207, %mul3A_247 : vector<32xf32>
        %mul3A_249 = vector.broadcast %squeeze3A_211 : f32 to vector<32xf32>
        %mul3A_250 = arith.mulf %mul3A_249, %convert_element_type3A_245 : vector<32xf32>
        %add3A_251 = arith.addf %add3A_248, %mul3A_250 : vector<32xf32>
        %slice3A_252 = vector.extract_strided_slice %get3A_104 {offsets = [3], sizes = [1], strides = [1]} : vector<16xf32> to vector<1xf32>
        %squeeze3A_253 = vector.extract %slice3A_252[0] : f32 from vector<1xf32>
        %slice3A_254 = vector.extract_strided_slice %get3A_112 {offsets = [3], sizes = [1], strides = [1]} : vector<16xf32> to vector<1xf32>
        %squeeze3A_255 = vector.extract %slice3A_254[0] : f32 from vector<1xf32>
        %add3A_256 = arith.constant 3 : i32
        %add3A_257 = arith.addi %mul3A_118, %add3A_256 : i32
        %get3A_258 = arith.index_cast %add3A_257 : i32 to index
        %get3A_259 = arith.constant 0 : index
        %get3A_260 = tpu.vector_load %arg8[%get3A_258, %get3A_259] {strides = array<i32>} : memref<128x128xbf16, #tpu.memory_space<vmem>>, vector<1x32xbf16>,
        %get3A_261 = vector.shape_cast %get3A_260 : vector<1x32xbf16> to vector<32xbf16>
        %convert_element_type3A_262 = arith.extf %get3A_261 : vector<32xbf16> to vector<32xf32>
        %add3A_263 = arith.constant 3 : i32
        %add3A_264 = arith.addi %mul3A_118, %add3A_263 : i32
        %get3A_265 = arith.index_cast %add3A_264 : i32 to index
        %get3A_266 = arith.constant 64 : index
        %get3A_267 = tpu.vector_load %arg8[%get3A_265, %get3A_266] {strides = array<i32>} : memref<128x128xbf16, #tpu.memory_space<vmem>>, vector<1x32xbf16>,
        %get3A_268 = vector.shape_cast %get3A_267 : vector<1x32xbf16> to vector<32xbf16>
        %convert_element_type3A_269 = arith.extf %get3A_268 : vector<32xbf16> to vector<32xf32>
        %mul3A_270 = vector.broadcast %squeeze3A_253 : f32 to vector<32xf32>
        %mul3A_271 = arith.mulf %mul3A_270, %convert_element_type3A_262 : vector<32xf32>
        %add3A_272 = arith.addf %add3A_231, %mul3A_271 : vector<32xf32>
        %mul3A_273 = vector.broadcast %squeeze3A_255 : f32 to vector<32xf32>
        %mul3A_274 = arith.mulf %mul3A_273, %convert_element_type3A_269 : vector<32xf32>
        %add3A_275 = arith.addf %add3A_272, %mul3A_274 : vector<32xf32>
        %add3A_276 = arith.constant 3 : i32
        %add3A_277 = arith.addi %mul3A_118, %add3A_276 : i32
        %get3A_278 = arith.index_cast %add3A_277 : i32 to index
        %get3A_279 = arith.constant 32 : index
        %get3A_280 = tpu.vector_load %arg8[%get3A_278, %get3A_279] {strides = array<i32>} : memref<128x128xbf16, #tpu.memory_space<vmem>>, vector<1x32xbf16>,
        %get3A_281 = vector.shape_cast %get3A_280 : vector<1x32xbf16> to vector<32xbf16>
        %convert_element_type3A_282 = arith.extf %get3A_281 : vector<32xbf16> to vector<32xf32>
        %add3A_283 = arith.constant 3 : i32
        %add3A_284 = arith.addi %mul3A_118, %add3A_283 : i32
        %get3A_285 = arith.index_cast %add3A_284 : i32 to index
        %get3A_286 = arith.constant 96 : index
        %get3A_287 = tpu.vector_load %arg8[%get3A_285, %get3A_286] {strides = array<i32>} : memref<128x128xbf16, #tpu.memory_space<vmem>>, vector<1x32xbf16>,
        %get3A_288 = vector.shape_cast %get3A_287 : vector<1x32xbf16> to vector<32xbf16>
        %convert_element_type3A_289 = arith.extf %get3A_288 : vector<32xbf16> to vector<32xf32>
        %mul3A_290 = vector.broadcast %squeeze3A_253 : f32 to vector<32xf32>
        %mul3A_291 = arith.mulf %mul3A_290, %convert_element_type3A_282 : vector<32xf32>
        %add3A_292 = arith.addf %add3A_251, %mul3A_291 : vector<32xf32>
        %mul3A_293 = vector.broadcast %squeeze3A_255 : f32 to vector<32xf32>
        %mul3A_294 = arith.mulf %mul3A_293, %convert_element_type3A_289 : vector<32xf32>
        %add3A_295 = arith.addf %add3A_292, %mul3A_294 : vector<32xf32>
        %slice3A_296 = vector.extract_strided_slice %get3A_104 {offsets = [4], sizes = [1], strides = [1]} : vector<16xf32> to vector<1xf32>
        %squeeze3A_297 = vector.extract %slice3A_296[0] : f32 from vector<1xf32>
        %slice3A_298 = vector.extract_strided_slice %get3A_112 {offsets = [4], sizes = [1], strides = [1]} : vector<16xf32> to vector<1xf32>
        %squeeze3A_299 = vector.extract %slice3A_298[0] : f32 from vector<1xf32>
        %add3A_300 = arith.constant 4 : i32
        %add3A_301 = arith.addi %mul3A_118, %add3A_300 : i32
        %get3A_302 = arith.index_cast %add3A_301 : i32 to index
        %get3A_303 = arith.constant 0 : index
        %get3A_304 = tpu.vector_load %arg8[%get3A_302, %get3A_303] {strides = array<i32>} : memref<128x128xbf16, #tpu.memory_space<vmem>>, vector<1x32xbf16>,
        %get3A_305 = vector.shape_cast %get3A_304 : vector<1x32xbf16> to vector<32xbf16>
        %convert_element_type3A_306 = arith.extf %get3A_305 : vector<32xbf16> to vector<32xf32>
        %add3A_307 = arith.constant 4 : i32
        %add3A_308 = arith.addi %mul3A_118, %add3A_307 : i32
        %get3A_309 = arith.index_cast %add3A_308 : i32 to index
        %get3A_310 = arith.constant 64 : index
        %get3A_311 = tpu.vector_load %arg8[%get3A_309, %get3A_310] {strides = array<i32>} : memref<128x128xbf16, #tpu.memory_space<vmem>>, vector<1x32xbf16>,
        %get3A_312 = vector.shape_cast %get3A_311 : vector<1x32xbf16> to vector<32xbf16>
        %convert_element_type3A_313 = arith.extf %get3A_312 : vector<32xbf16> to vector<32xf32>
        %mul3A_314 = vector.broadcast %squeeze3A_297 : f32 to vector<32xf32>
        %mul3A_315 = arith.mulf %mul3A_314, %convert_element_type3A_306 : vector<32xf32>
        %add3A_316 = arith.addf %add3A_275, %mul3A_315 : vector<32xf32>
        %mul3A_317 = vector.broadcast %squeeze3A_299 : f32 to vector<32xf32>
        %mul3A_318 = arith.mulf %mul3A_317, %convert_element_type3A_313 : vector<32xf32>
        %add3A_319 = arith.addf %add3A_316, %mul3A_318 : vector<32xf32>
        %add3A_320 = arith.constant 4 : i32
        %add3A_321 = arith.addi %mul3A_118, %add3A_320 : i32
        %get3A_322 = arith.index_cast %add3A_321 : i32 to index
        %get3A_323 = arith.constant 32 : index
        %get3A_324 = tpu.vector_load %arg8[%get3A_322, %get3A_323] {strides = array<i32>} : memref<128x128xbf16, #tpu.memory_space<vmem>>, vector<1x32xbf16>,
        %get3A_325 = vector.shape_cast %get3A_324 : vector<1x32xbf16> to vector<32xbf16>
        %convert_element_type3A_326 = arith.extf %get3A_325 : vector<32xbf16> to vector<32xf32>
        %add3A_327 = arith.constant 4 : i32
        %add3A_328 = arith.addi %mul3A_118, %add3A_327 : i32
        %get3A_329 = arith.index_cast %add3A_328 : i32 to index
        %get3A_330 = arith.constant 96 : index
        %get3A_331 = tpu.vector_load %arg8[%get3A_329, %get3A_330] {strides = array<i32>} : memref<128x128xbf16, #tpu.memory_space<vmem>>, vector<1x32xbf16>,
        %get3A_332 = vector.shape_cast %get3A_331 : vector<1x32xbf16> to vector<32xbf16>
        %convert_element_type3A_333 = arith.extf %get3A_332 : vector<32xbf16> to vector<32xf32>
        %mul3A_334 = vector.broadcast %squeeze3A_297 : f32 to vector<32xf32>
        %mul3A_335 = arith.mulf %mul3A_334, %convert_element_type3A_326 : vector<32xf32>
        %add3A_336 = arith.addf %add3A_295, %mul3A_335 : vector<32xf32>
        %mul3A_337 = vector.broadcast %squeeze3A_299 : f32 to vector<32xf32>
        %mul3A_338 = arith.mulf %mul3A_337, %convert_element_type3A_333 : vector<32xf32>
        %add3A_339 = arith.addf %add3A_336, %mul3A_338 : vector<32xf32>
        %slice3A_340 = vector.extract_strided_slice %get3A_104 {offsets = [5], sizes = [1], strides = [1]} : vector<16xf32> to vector<1xf32>
        %squeeze3A_341 = vector.extract %slice3A_340[0] : f32 from vector<1xf32>
        %slice3A_342 = vector.extract_strided_slice %get3A_112 {offsets = [5], sizes = [1], strides = [1]} : vector<16xf32> to vector<1xf32>
        %squeeze3A_343 = vector.extract %slice3A_342[0] : f32 from vector<1xf32>
        %add3A_344 = arith.constant 5 : i32
        %add3A_345 = arith.addi %mul3A_118, %add3A_344 : i32
        %get3A_346 = arith.index_cast %add3A_345 : i32 to index
        %get3A_347 = arith.constant 0 : index
        %get3A_348 = tpu.vector_load %arg8[%get3A_346, %get3A_347] {strides = array<i32>} : memref<128x128xbf16, #tpu.memory_space<vmem>>, vector<1x32xbf16>,
        %get3A_349 = vector.shape_cast %get3A_348 : vector<1x32xbf16> to vector<32xbf16>
        %convert_element_type3A_350 = arith.extf %get3A_349 : vector<32xbf16> to vector<32xf32>
        %add3A_351 = arith.constant 5 : i32
        %add3A_352 = arith.addi %mul3A_118, %add3A_351 : i32
        %get3A_353 = arith.index_cast %add3A_352 : i32 to index
        %get3A_354 = arith.constant 64 : index
        %get3A_355 = tpu.vector_load %arg8[%get3A_353, %get3A_354] {strides = array<i32>} : memref<128x128xbf16, #tpu.memory_space<vmem>>, vector<1x32xbf16>,
        %get3A_356 = vector.shape_cast %get3A_355 : vector<1x32xbf16> to vector<32xbf16>
        %convert_element_type3A_357 = arith.extf %get3A_356 : vector<32xbf16> to vector<32xf32>
        %mul3A_358 = vector.broadcast %squeeze3A_341 : f32 to vector<32xf32>
        %mul3A_359 = arith.mulf %mul3A_358, %convert_element_type3A_350 : vector<32xf32>
        %add3A_360 = arith.addf %add3A_319, %mul3A_359 : vector<32xf32>
        %mul3A_361 = vector.broadcast %squeeze3A_343 : f32 to vector<32xf32>
        %mul3A_362 = arith.mulf %mul3A_361, %convert_element_type3A_357 : vector<32xf32>
        %add3A_363 = arith.addf %add3A_360, %mul3A_362 : vector<32xf32>
        %add3A_364 = arith.constant 5 : i32
        %add3A_365 = arith.addi %mul3A_118, %add3A_364 : i32
        %get3A_366 = arith.index_cast %add3A_365 : i32 to index
        %get3A_367 = arith.constant 32 : index
        %get3A_368 = tpu.vector_load %arg8[%get3A_366, %get3A_367] {strides = array<i32>} : memref<128x128xbf16, #tpu.memory_space<vmem>>, vector<1x32xbf16>,
        %get3A_369 = vector.shape_cast %get3A_368 : vector<1x32xbf16> to vector<32xbf16>
        %convert_element_type3A_370 = arith.extf %get3A_369 : vector<32xbf16> to vector<32xf32>
        %add3A_371 = arith.constant 5 : i32
        %add3A_372 = arith.addi %mul3A_118, %add3A_371 : i32
        %get3A_373 = arith.index_cast %add3A_372 : i32 to index
        %get3A_374 = arith.constant 96 : index
        %get3A_375 = tpu.vector_load %arg8[%get3A_373, %get3A_374] {strides = array<i32>} : memref<128x128xbf16, #tpu.memory_space<vmem>>, vector<1x32xbf16>,
        %get3A_376 = vector.shape_cast %get3A_375 : vector<1x32xbf16> to vector<32xbf16>
        %convert_element_type3A_377 = arith.extf %get3A_376 : vector<32xbf16> to vector<32xf32>
        %mul3A_378 = vector.broadcast %squeeze3A_341 : f32 to vector<32xf32>
        %mul3A_379 = arith.mulf %mul3A_378, %convert_element_type3A_370 : vector<32xf32>
        %add3A_380 = arith.addf %add3A_339, %mul3A_379 : vector<32xf32>
        %mul3A_381 = vector.broadcast %squeeze3A_343 : f32 to vector<32xf32>
        %mul3A_382 = arith.mulf %mul3A_381, %convert_element_type3A_377 : vector<32xf32>
        %add3A_383 = arith.addf %add3A_380, %mul3A_382 : vector<32xf32>
        %slice3A_384 = vector.extract_strided_slice %get3A_104 {offsets = [6], sizes = [1], strides = [1]} : vector<16xf32> to vector<1xf32>
        %squeeze3A_385 = vector.extract %slice3A_384[0] : f32 from vector<1xf32>
        %slice3A_386 = vector.extract_strided_slice %get3A_112 {offsets = [6], sizes = [1], strides = [1]} : vector<16xf32> to vector<1xf32>
        %squeeze3A_387 = vector.extract %slice3A_386[0] : f32 from vector<1xf32>
        %add3A_388 = arith.constant 6 : i32
        %add3A_389 = arith.addi %mul3A_118, %add3A_388 : i32
        %get3A_390 = arith.index_cast %add3A_389 : i32 to index
        %get3A_391 = arith.constant 0 : index
        %get3A_392 = tpu.vector_load %arg8[%get3A_390, %get3A_391] {strides = array<i32>} : memref<128x128xbf16, #tpu.memory_space<vmem>>, vector<1x32xbf16>,
        %get3A_393 = vector.shape_cast %get3A_392 : vector<1x32xbf16> to vector<32xbf16>
        %convert_element_type3A_394 = arith.extf %get3A_393 : vector<32xbf16> to vector<32xf32>
        %add3A_395 = arith.constant 6 : i32
        %add3A_396 = arith.addi %mul3A_118, %add3A_395 : i32
        %get3A_397 = arith.index_cast %add3A_396 : i32 to index
        %get3A_398 = arith.constant 64 : index
        %get3A_399 = tpu.vector_load %arg8[%get3A_397, %get3A_398] {strides = array<i32>} : memref<128x128xbf16, #tpu.memory_space<vmem>>, vector<1x32xbf16>,
        %get3A_400 = vector.shape_cast %get3A_399 : vector<1x32xbf16> to vector<32xbf16>
        %convert_element_type3A_401 = arith.extf %get3A_400 : vector<32xbf16> to vector<32xf32>
        %mul3A_402 = vector.broadcast %squeeze3A_385 : f32 to vector<32xf32>
        %mul3A_403 = arith.mulf %mul3A_402, %convert_element_type3A_394 : vector<32xf32>
        %add3A_404 = arith.addf %add3A_363, %mul3A_403 : vector<32xf32>
        %mul3A_405 = vector.broadcast %squeeze3A_387 : f32 to vector<32xf32>
        %mul3A_406 = arith.mulf %mul3A_405, %convert_element_type3A_401 : vector<32xf32>
        %add3A_407 = arith.addf %add3A_404, %mul3A_406 : vector<32xf32>
        %add3A_408 = arith.constant 6 : i32
        %add3A_409 = arith.addi %mul3A_118, %add3A_408 : i32
        %get3A_410 = arith.index_cast %add3A_409 : i32 to index
        %get3A_411 = arith.constant 32 : index
        %get3A_412 = tpu.vector_load %arg8[%get3A_410, %get3A_411] {strides = array<i32>} : memref<128x128xbf16, #tpu.memory_space<vmem>>, vector<1x32xbf16>,
        %get3A_413 = vector.shape_cast %get3A_412 : vector<1x32xbf16> to vector<32xbf16>
        %convert_element_type3A_414 = arith.extf %get3A_413 : vector<32xbf16> to vector<32xf32>
        %add3A_415 = arith.constant 6 : i32
        %add3A_416 = arith.addi %mul3A_118, %add3A_415 : i32
        %get3A_417 = arith.index_cast %add3A_416 : i32 to index
        %get3A_418 = arith.constant 96 : index
        %get3A_419 = tpu.vector_load %arg8[%get3A_417, %get3A_418] {strides = array<i32>} : memref<128x128xbf16, #tpu.memory_space<vmem>>, vector<1x32xbf16>,
        %get3A_420 = vector.shape_cast %get3A_419 : vector<1x32xbf16> to vector<32xbf16>
        %convert_element_type3A_421 = arith.extf %get3A_420 : vector<32xbf16> to vector<32xf32>
        %mul3A_422 = vector.broadcast %squeeze3A_385 : f32 to vector<32xf32>
        %mul3A_423 = arith.mulf %mul3A_422, %convert_element_type3A_414 : vector<32xf32>
        %add3A_424 = arith.addf %add3A_383, %mul3A_423 : vector<32xf32>
        %mul3A_425 = vector.broadcast %squeeze3A_387 : f32 to vector<32xf32>
        %mul3A_426 = arith.mulf %mul3A_425, %convert_element_type3A_421 : vector<32xf32>
        %add3A_427 = arith.addf %add3A_424, %mul3A_426 : vector<32xf32>
        %slice3A_428 = vector.extract_strided_slice %get3A_104 {offsets = [7], sizes = [1], strides = [1]} : vector<16xf32> to vector<1xf32>
        %squeeze3A_429 = vector.extract %slice3A_428[0] : f32 from vector<1xf32>
        %slice3A_430 = vector.extract_strided_slice %get3A_112 {offsets = [7], sizes = [1], strides = [1]} : vector<16xf32> to vector<1xf32>
        %squeeze3A_431 = vector.extract %slice3A_430[0] : f32 from vector<1xf32>
        %add3A_432 = arith.constant 7 : i32
        %add3A_433 = arith.addi %mul3A_118, %add3A_432 : i32
        %get3A_434 = arith.index_cast %add3A_433 : i32 to index
        %get3A_435 = arith.constant 0 : index
        %get3A_436 = tpu.vector_load %arg8[%get3A_434, %get3A_435] {strides = array<i32>} : memref<128x128xbf16, #tpu.memory_space<vmem>>, vector<1x32xbf16>,
        %get3A_437 = vector.shape_cast %get3A_436 : vector<1x32xbf16> to vector<32xbf16>
        %convert_element_type3A_438 = arith.extf %get3A_437 : vector<32xbf16> to vector<32xf32>
        %add3A_439 = arith.constant 7 : i32
        %add3A_440 = arith.addi %mul3A_118, %add3A_439 : i32
        %get3A_441 = arith.index_cast %add3A_440 : i32 to index
        %get3A_442 = arith.constant 64 : index
        %get3A_443 = tpu.vector_load %arg8[%get3A_441, %get3A_442] {strides = array<i32>} : memref<128x128xbf16, #tpu.memory_space<vmem>>, vector<1x32xbf16>,
        %get3A_444 = vector.shape_cast %get3A_443 : vector<1x32xbf16> to vector<32xbf16>
        %convert_element_type3A_445 = arith.extf %get3A_444 : vector<32xbf16> to vector<32xf32>
        %mul3A_446 = vector.broadcast %squeeze3A_429 : f32 to vector<32xf32>
        %mul3A_447 = arith.mulf %mul3A_446, %convert_element_type3A_438 : vector<32xf32>
        %add3A_448 = arith.addf %add3A_407, %mul3A_447 : vector<32xf32>
        %mul3A_449 = vector.broadcast %squeeze3A_431 : f32 to vector<32xf32>
        %mul3A_450 = arith.mulf %mul3A_449, %convert_element_type3A_445 : vector<32xf32>
        %add3A_451 = arith.addf %add3A_448, %mul3A_450 : vector<32xf32>
        %add3A_452 = arith.constant 7 : i32
        %add3A_453 = arith.addi %mul3A_118, %add3A_452 : i32
        %get3A_454 = arith.index_cast %add3A_453 : i32 to index
        %get3A_455 = arith.constant 32 : index
        %get3A_456 = tpu.vector_load %arg8[%get3A_454, %get3A_455] {strides = array<i32>} : memref<128x128xbf16, #tpu.memory_space<vmem>>, vector<1x32xbf16>,
        %get3A_457 = vector.shape_cast %get3A_456 : vector<1x32xbf16> to vector<32xbf16>
        %convert_element_type3A_458 = arith.extf %get3A_457 : vector<32xbf16> to vector<32xf32>
        %add3A_459 = arith.constant 7 : i32
        %add3A_460 = arith.addi %mul3A_118, %add3A_459 : i32
        %get3A_461 = arith.index_cast %add3A_460 : i32 to index
        %get3A_462 = arith.constant 96 : index
        %get3A_463 = tpu.vector_load %arg8[%get3A_461, %get3A_462] {strides = array<i32>} : memref<128x128xbf16, #tpu.memory_space<vmem>>, vector<1x32xbf16>,
        %get3A_464 = vector.shape_cast %get3A_463 : vector<1x32xbf16> to vector<32xbf16>
        %convert_element_type3A_465 = arith.extf %get3A_464 : vector<32xbf16> to vector<32xf32>
        %mul3A_466 = vector.broadcast %squeeze3A_429 : f32 to vector<32xf32>
        %mul3A_467 = arith.mulf %mul3A_466, %convert_element_type3A_458 : vector<32xf32>
        %add3A_468 = arith.addf %add3A_427, %mul3A_467 : vector<32xf32>
        %mul3A_469 = vector.broadcast %squeeze3A_431 : f32 to vector<32xf32>
        %mul3A_470 = arith.mulf %mul3A_469, %convert_element_type3A_465 : vector<32xf32>
        %add3A_471 = arith.addf %add3A_468, %mul3A_470 : vector<32xf32>
        %slice3A_472 = vector.extract_strided_slice %add3A_451 {offsets = [0], sizes = [16], strides = [1]} : vector<32xf32> to vector<16xf32>
        %swap3A = arith.index_cast %scan3A_99 : i32 to index
        %swap3A_473 = arith.constant 0 : index
        %swap3A_474 = tpu.vector_load %arg10[%swap3A, %swap3A_473] {strides = array<i32>} : memref<8x128xf32, #tpu.memory_space<vmem>>, vector<1x16xf32>,
        %swap3A_475 = vector.shape_cast %swap3A_474 : vector<1x16xf32> to vector<16xf32>
        %swap3A_476 = vector.shape_cast %slice3A_472 : vector<16xf32> to vector<1x16xf32>
        tpu.vector_store %arg10[%swap3A, %swap3A_473], %swap3A_476 {strides = array<i32>} : memref<8x128xf32, #tpu.memory_space<vmem>>, vector<1x16xf32>,
        %slice3A_477 = vector.extract_strided_slice %add3A_451 {offsets = [16], sizes = [16], strides = [1]} : vector<32xf32> to vector<16xf32>
        %swap3A_478 = arith.index_cast %scan3A_99 : i32 to index
        %swap3A_479 = arith.constant 16 : index
        %swap3A_480 = tpu.vector_load %arg10[%swap3A_478, %swap3A_479] {strides = array<i32>} : memref<8x128xf32, #tpu.memory_space<vmem>>, vector<1x16xf32>,
        %swap3A_481 = vector.shape_cast %swap3A_480 : vector<1x16xf32> to vector<16xf32>
        %swap3A_482 = vector.shape_cast %slice3A_477 : vector<16xf32> to vector<1x16xf32>
        tpu.vector_store %arg10[%swap3A_478, %swap3A_479], %swap3A_482 {strides = array<i32>} : memref<8x128xf32, #tpu.memory_space<vmem>>, vector<1x16xf32>,
        %slice3A_483 = vector.extract_strided_slice %add3A_471 {offsets = [0], sizes = [16], strides = [1]} : vector<32xf32> to vector<16xf32>
        %swap3A_484 = arith.index_cast %scan3A_99 : i32 to index
        %swap3A_485 = arith.constant 32 : index
        %swap3A_486 = tpu.vector_load %arg10[%swap3A_484, %swap3A_485] {strides = array<i32>} : memref<8x128xf32, #tpu.memory_space<vmem>>, vector<1x16xf32>,
        %swap3A_487 = vector.shape_cast %swap3A_486 : vector<1x16xf32> to vector<16xf32>
        %swap3A_488 = vector.shape_cast %slice3A_483 : vector<16xf32> to vector<1x16xf32>
        tpu.vector_store %arg10[%swap3A_484, %swap3A_485], %swap3A_488 {strides = array<i32>} : memref<8x128xf32, #tpu.memory_space<vmem>>, vector<1x16xf32>,
        %slice3A_489 = vector.extract_strided_slice %add3A_471 {offsets = [16], sizes = [16], strides = [1]} : vector<32xf32> to vector<16xf32>
        %swap3A_490 = arith.index_cast %scan3A_99 : i32 to index
        %swap3A_491 = arith.constant 48 : index
        %swap3A_492 = tpu.vector_load %arg10[%swap3A_490, %swap3A_491] {strides = array<i32>} : memref<8x128xf32, #tpu.memory_space<vmem>>, vector<1x16xf32>,
        %swap3A_493 = vector.shape_cast %swap3A_492 : vector<1x16xf32> to vector<16xf32>
        %swap3A_494 = vector.shape_cast %slice3A_489 : vector<16xf32> to vector<1x16xf32>
        tpu.vector_store %arg10[%swap3A_490, %swap3A_491], %swap3A_494 {strides = array<i32>} : memref<8x128xf32, #tpu.memory_space<vmem>>, vector<1x16xf32>,
        %mul3A_495 = arith.constant 2 : i32
        %mul3A_496 = arith.muli %scan3A_99, %mul3A_495 : i32
        %add3A_497 = arith.constant 1 : i32
        %add3A_498 = arith.addi %mul3A_496, %add3A_497 : i32
        %mul3A_499 = arith.constant 8 : i32
        %mul3A_500 = arith.muli %add3A_498, %mul3A_499 : i32
        %broadcast_in_dim3A_501 = arith.constant 0.000000e+00 : f32
        %broadcast_in_dim3A_502 = vector.broadcast %broadcast_in_dim3A_501 : f32 to vector<32xf32>
        %broadcast_in_dim3A_503 = arith.constant 0.000000e+00 : f32
        %broadcast_in_dim3A_504 = vector.broadcast %broadcast_in_dim3A_503 : f32 to vector<32xf32>
        %slice3A_505 = vector.extract_strided_slice %get3A_104 {offsets = [8], sizes = [1], strides = [1]} : vector<16xf32> to vector<1xf32>
        %squeeze3A_506 = vector.extract %slice3A_505[0] : f32 from vector<1xf32>
        %slice3A_507 = vector.extract_strided_slice %get3A_112 {offsets = [8], sizes = [1], strides = [1]} : vector<16xf32> to vector<1xf32>
        %squeeze3A_508 = vector.extract %slice3A_507[0] : f32 from vector<1xf32>
        %add3A_509 = arith.constant 0 : i32
        %add3A_510 = arith.addi %mul3A_500, %add3A_509 : i32
        %get3A_511 = arith.index_cast %add3A_510 : i32 to index
        %get3A_512 = arith.constant 0 : index
        %get3A_513 = tpu.vector_load %arg8[%get3A_511, %get3A_512] {strides = array<i32>} : memref<128x128xbf16, #tpu.memory_space<vmem>>, vector<1x32xbf16>,
        %get3A_514 = vector.shape_cast %get3A_513 : vector<1x32xbf16> to vector<32xbf16>
        %convert_element_type3A_515 = arith.extf %get3A_514 : vector<32xbf16> to vector<32xf32>
        %add3A_516 = arith.constant 0 : i32
        %add3A_517 = arith.addi %mul3A_500, %add3A_516 : i32
        %get3A_518 = arith.index_cast %add3A_517 : i32 to index
        %get3A_519 = arith.constant 64 : index
        %get3A_520 = tpu.vector_load %arg8[%get3A_518, %get3A_519] {strides = array<i32>} : memref<128x128xbf16, #tpu.memory_space<vmem>>, vector<1x32xbf16>,
        %get3A_521 = vector.shape_cast %get3A_520 : vector<1x32xbf16> to vector<32xbf16>
        %convert_element_type3A_522 = arith.extf %get3A_521 : vector<32xbf16> to vector<32xf32>
        %mul3A_523 = vector.broadcast %squeeze3A_506 : f32 to vector<32xf32>
        %mul3A_524 = arith.mulf %mul3A_523, %convert_element_type3A_515 : vector<32xf32>
        %add3A_525 = arith.addf %broadcast_in_dim3A_502, %mul3A_524 : vector<32xf32>
        %mul3A_526 = vector.broadcast %squeeze3A_508 : f32 to vector<32xf32>
        %mul3A_527 = arith.mulf %mul3A_526, %convert_element_type3A_522 : vector<32xf32>
        %add3A_528 = arith.addf %add3A_525, %mul3A_527 : vector<32xf32>
        %add3A_529 = arith.constant 0 : i32
        %add3A_530 = arith.addi %mul3A_500, %add3A_529 : i32
        %get3A_531 = arith.index_cast %add3A_530 : i32 to index
        %get3A_532 = arith.constant 32 : index
        %get3A_533 = tpu.vector_load %arg8[%get3A_531, %get3A_532] {strides = array<i32>} : memref<128x128xbf16, #tpu.memory_space<vmem>>, vector<1x32xbf16>,
        %get3A_534 = vector.shape_cast %get3A_533 : vector<1x32xbf16> to vector<32xbf16>
        %convert_element_type3A_535 = arith.extf %get3A_534 : vector<32xbf16> to vector<32xf32>
        %add3A_536 = arith.constant 0 : i32
        %add3A_537 = arith.addi %mul3A_500, %add3A_536 : i32
        %get3A_538 = arith.index_cast %add3A_537 : i32 to index
        %get3A_539 = arith.constant 96 : index
        %get3A_540 = tpu.vector_load %arg8[%get3A_538, %get3A_539] {strides = array<i32>} : memref<128x128xbf16, #tpu.memory_space<vmem>>, vector<1x32xbf16>,
        %get3A_541 = vector.shape_cast %get3A_540 : vector<1x32xbf16> to vector<32xbf16>
        %convert_element_type3A_542 = arith.extf %get3A_541 : vector<32xbf16> to vector<32xf32>
        %mul3A_543 = vector.broadcast %squeeze3A_506 : f32 to vector<32xf32>
        %mul3A_544 = arith.mulf %mul3A_543, %convert_element_type3A_535 : vector<32xf32>
        %add3A_545 = arith.addf %broadcast_in_dim3A_504, %mul3A_544 : vector<32xf32>
        %mul3A_546 = vector.broadcast %squeeze3A_508 : f32 to vector<32xf32>
        %mul3A_547 = arith.mulf %mul3A_546, %convert_element_type3A_542 : vector<32xf32>
        %add3A_548 = arith.addf %add3A_545, %mul3A_547 : vector<32xf32>
        %slice3A_549 = vector.extract_strided_slice %get3A_104 {offsets = [9], sizes = [1], strides = [1]} : vector<16xf32> to vector<1xf32>
        %squeeze3A_550 = vector.extract %slice3A_549[0] : f32 from vector<1xf32>
        %slice3A_551 = vector.extract_strided_slice %get3A_112 {offsets = [9], sizes = [1], strides = [1]} : vector<16xf32> to vector<1xf32>
        %squeeze3A_552 = vector.extract %slice3A_551[0] : f32 from vector<1xf32>
        %add3A_553 = arith.constant 1 : i32
        %add3A_554 = arith.addi %mul3A_500, %add3A_553 : i32
        %get3A_555 = arith.index_cast %add3A_554 : i32 to index
        %get3A_556 = arith.constant 0 : index
        %get3A_557 = tpu.vector_load %arg8[%get3A_555, %get3A_556] {strides = array<i32>} : memref<128x128xbf16, #tpu.memory_space<vmem>>, vector<1x32xbf16>,
        %get3A_558 = vector.shape_cast %get3A_557 : vector<1x32xbf16> to vector<32xbf16>
        %convert_element_type3A_559 = arith.extf %get3A_558 : vector<32xbf16> to vector<32xf32>
        %add3A_560 = arith.constant 1 : i32
        %add3A_561 = arith.addi %mul3A_500, %add3A_560 : i32
        %get3A_562 = arith.index_cast %add3A_561 : i32 to index
        %get3A_563 = arith.constant 64 : index
        %get3A_564 = tpu.vector_load %arg8[%get3A_562, %get3A_563] {strides = array<i32>} : memref<128x128xbf16, #tpu.memory_space<vmem>>, vector<1x32xbf16>,
        %get3A_565 = vector.shape_cast %get3A_564 : vector<1x32xbf16> to vector<32xbf16>
        %convert_element_type3A_566 = arith.extf %get3A_565 : vector<32xbf16> to vector<32xf32>
        %mul3A_567 = vector.broadcast %squeeze3A_550 : f32 to vector<32xf32>
        %mul3A_568 = arith.mulf %mul3A_567, %convert_element_type3A_559 : vector<32xf32>
        %add3A_569 = arith.addf %add3A_528, %mul3A_568 : vector<32xf32>
        %mul3A_570 = vector.broadcast %squeeze3A_552 : f32 to vector<32xf32>
        %mul3A_571 = arith.mulf %mul3A_570, %convert_element_type3A_566 : vector<32xf32>
        %add3A_572 = arith.addf %add3A_569, %mul3A_571 : vector<32xf32>
        %add3A_573 = arith.constant 1 : i32
        %add3A_574 = arith.addi %mul3A_500, %add3A_573 : i32
        %get3A_575 = arith.index_cast %add3A_574 : i32 to index
        %get3A_576 = arith.constant 32 : index
        %get3A_577 = tpu.vector_load %arg8[%get3A_575, %get3A_576] {strides = array<i32>} : memref<128x128xbf16, #tpu.memory_space<vmem>>, vector<1x32xbf16>,
        %get3A_578 = vector.shape_cast %get3A_577 : vector<1x32xbf16> to vector<32xbf16>
        %convert_element_type3A_579 = arith.extf %get3A_578 : vector<32xbf16> to vector<32xf32>
        %add3A_580 = arith.constant 1 : i32
        %add3A_581 = arith.addi %mul3A_500, %add3A_580 : i32
        %get3A_582 = arith.index_cast %add3A_581 : i32 to index
        %get3A_583 = arith.constant 96 : index
        %get3A_584 = tpu.vector_load %arg8[%get3A_582, %get3A_583] {strides = array<i32>} : memref<128x128xbf16, #tpu.memory_space<vmem>>, vector<1x32xbf16>,
        %get3A_585 = vector.shape_cast %get3A_584 : vector<1x32xbf16> to vector<32xbf16>
        %convert_element_type3A_586 = arith.extf %get3A_585 : vector<32xbf16> to vector<32xf32>
        %mul3A_587 = vector.broadcast %squeeze3A_550 : f32 to vector<32xf32>
        %mul3A_588 = arith.mulf %mul3A_587, %convert_element_type3A_579 : vector<32xf32>
        %add3A_589 = arith.addf %add3A_548, %mul3A_588 : vector<32xf32>
        %mul3A_590 = vector.broadcast %squeeze3A_552 : f32 to vector<32xf32>
        %mul3A_591 = arith.mulf %mul3A_590, %convert_element_type3A_586 : vector<32xf32>
        %add3A_592 = arith.addf %add3A_589, %mul3A_591 : vector<32xf32>
        %slice3A_593 = vector.extract_strided_slice %get3A_104 {offsets = [10], sizes = [1], strides = [1]} : vector<16xf32> to vector<1xf32>
        %squeeze3A_594 = vector.extract %slice3A_593[0] : f32 from vector<1xf32>
        %slice3A_595 = vector.extract_strided_slice %get3A_112 {offsets = [10], sizes = [1], strides = [1]} : vector<16xf32> to vector<1xf32>
        %squeeze3A_596 = vector.extract %slice3A_595[0] : f32 from vector<1xf32>
        %add3A_597 = arith.constant 2 : i32
        %add3A_598 = arith.addi %mul3A_500, %add3A_597 : i32
        %get3A_599 = arith.index_cast %add3A_598 : i32 to index
        %get3A_600 = arith.constant 0 : index
        %get3A_601 = tpu.vector_load %arg8[%get3A_599, %get3A_600] {strides = array<i32>} : memref<128x128xbf16, #tpu.memory_space<vmem>>, vector<1x32xbf16>,
        %get3A_602 = vector.shape_cast %get3A_601 : vector<1x32xbf16> to vector<32xbf16>
        %convert_element_type3A_603 = arith.extf %get3A_602 : vector<32xbf16> to vector<32xf32>
        %add3A_604 = arith.constant 2 : i32
        %add3A_605 = arith.addi %mul3A_500, %add3A_604 : i32
        %get3A_606 = arith.index_cast %add3A_605 : i32 to index
        %get3A_607 = arith.constant 64 : index
        %get3A_608 = tpu.vector_load %arg8[%get3A_606, %get3A_607] {strides = array<i32>} : memref<128x128xbf16, #tpu.memory_space<vmem>>, vector<1x32xbf16>,
        %get3A_609 = vector.shape_cast %get3A_608 : vector<1x32xbf16> to vector<32xbf16>
        %convert_element_type3A_610 = arith.extf %get3A_609 : vector<32xbf16> to vector<32xf32>
        %mul3A_611 = vector.broadcast %squeeze3A_594 : f32 to vector<32xf32>
        %mul3A_612 = arith.mulf %mul3A_611, %convert_element_type3A_603 : vector<32xf32>
        %add3A_613 = arith.addf %add3A_572, %mul3A_612 : vector<32xf32>
        %mul3A_614 = vector.broadcast %squeeze3A_596 : f32 to vector<32xf32>
        %mul3A_615 = arith.mulf %mul3A_614, %convert_element_type3A_610 : vector<32xf32>
        %add3A_616 = arith.addf %add3A_613, %mul3A_615 : vector<32xf32>
        %add3A_617 = arith.constant 2 : i32
        %add3A_618 = arith.addi %mul3A_500, %add3A_617 : i32
        %get3A_619 = arith.index_cast %add3A_618 : i32 to index
        %get3A_620 = arith.constant 32 : index
        %get3A_621 = tpu.vector_load %arg8[%get3A_619, %get3A_620] {strides = array<i32>} : memref<128x128xbf16, #tpu.memory_space<vmem>>, vector<1x32xbf16>,
        %get3A_622 = vector.shape_cast %get3A_621 : vector<1x32xbf16> to vector<32xbf16>
        %convert_element_type3A_623 = arith.extf %get3A_622 : vector<32xbf16> to vector<32xf32>
        %add3A_624 = arith.constant 2 : i32
        %add3A_625 = arith.addi %mul3A_500, %add3A_624 : i32
        %get3A_626 = arith.index_cast %add3A_625 : i32 to index
        %get3A_627 = arith.constant 96 : index
        %get3A_628 = tpu.vector_load %arg8[%get3A_626, %get3A_627] {strides = array<i32>} : memref<128x128xbf16, #tpu.memory_space<vmem>>, vector<1x32xbf16>,
        %get3A_629 = vector.shape_cast %get3A_628 : vector<1x32xbf16> to vector<32xbf16>
        %convert_element_type3A_630 = arith.extf %get3A_629 : vector<32xbf16> to vector<32xf32>
        %mul3A_631 = vector.broadcast %squeeze3A_594 : f32 to vector<32xf32>
        %mul3A_632 = arith.mulf %mul3A_631, %convert_element_type3A_623 : vector<32xf32>
        %add3A_633 = arith.addf %add3A_592, %mul3A_632 : vector<32xf32>
        %mul3A_634 = vector.broadcast %squeeze3A_596 : f32 to vector<32xf32>
        %mul3A_635 = arith.mulf %mul3A_634, %convert_element_type3A_630 : vector<32xf32>
        %add3A_636 = arith.addf %add3A_633, %mul3A_635 : vector<32xf32>
        %slice3A_637 = vector.extract_strided_slice %get3A_104 {offsets = [11], sizes = [1], strides = [1]} : vector<16xf32> to vector<1xf32>
        %squeeze3A_638 = vector.extract %slice3A_637[0] : f32 from vector<1xf32>
        %slice3A_639 = vector.extract_strided_slice %get3A_112 {offsets = [11], sizes = [1], strides = [1]} : vector<16xf32> to vector<1xf32>
        %squeeze3A_640 = vector.extract %slice3A_639[0] : f32 from vector<1xf32>
        %add3A_641 = arith.constant 3 : i32
        %add3A_642 = arith.addi %mul3A_500, %add3A_641 : i32
        %get3A_643 = arith.index_cast %add3A_642 : i32 to index
        %get3A_644 = arith.constant 0 : index
        %get3A_645 = tpu.vector_load %arg8[%get3A_643, %get3A_644] {strides = array<i32>} : memref<128x128xbf16, #tpu.memory_space<vmem>>, vector<1x32xbf16>,
        %get3A_646 = vector.shape_cast %get3A_645 : vector<1x32xbf16> to vector<32xbf16>
        %convert_element_type3A_647 = arith.extf %get3A_646 : vector<32xbf16> to vector<32xf32>
        %add3A_648 = arith.constant 3 : i32
        %add3A_649 = arith.addi %mul3A_500, %add3A_648 : i32
        %get3A_650 = arith.index_cast %add3A_649 : i32 to index
        %get3A_651 = arith.constant 64 : index
        %get3A_652 = tpu.vector_load %arg8[%get3A_650, %get3A_651] {strides = array<i32>} : memref<128x128xbf16, #tpu.memory_space<vmem>>, vector<1x32xbf16>,
        %get3A_653 = vector.shape_cast %get3A_652 : vector<1x32xbf16> to vector<32xbf16>
        %convert_element_type3A_654 = arith.extf %get3A_653 : vector<32xbf16> to vector<32xf32>
        %mul3A_655 = vector.broadcast %squeeze3A_638 : f32 to vector<32xf32>
        %mul3A_656 = arith.mulf %mul3A_655, %convert_element_type3A_647 : vector<32xf32>
        %add3A_657 = arith.addf %add3A_616, %mul3A_656 : vector<32xf32>
        %mul3A_658 = vector.broadcast %squeeze3A_640 : f32 to vector<32xf32>
        %mul3A_659 = arith.mulf %mul3A_658, %convert_element_type3A_654 : vector<32xf32>
        %add3A_660 = arith.addf %add3A_657, %mul3A_659 : vector<32xf32>
        %add3A_661 = arith.constant 3 : i32
        %add3A_662 = arith.addi %mul3A_500, %add3A_661 : i32
        %get3A_663 = arith.index_cast %add3A_662 : i32 to index
        %get3A_664 = arith.constant 32 : index
        %get3A_665 = tpu.vector_load %arg8[%get3A_663, %get3A_664] {strides = array<i32>} : memref<128x128xbf16, #tpu.memory_space<vmem>>, vector<1x32xbf16>,
        %get3A_666 = vector.shape_cast %get3A_665 : vector<1x32xbf16> to vector<32xbf16>
        %convert_element_type3A_667 = arith.extf %get3A_666 : vector<32xbf16> to vector<32xf32>
        %add3A_668 = arith.constant 3 : i32
        %add3A_669 = arith.addi %mul3A_500, %add3A_668 : i32
        %get3A_670 = arith.index_cast %add3A_669 : i32 to index
        %get3A_671 = arith.constant 96 : index
        %get3A_672 = tpu.vector_load %arg8[%get3A_670, %get3A_671] {strides = array<i32>} : memref<128x128xbf16, #tpu.memory_space<vmem>>, vector<1x32xbf16>,
        %get3A_673 = vector.shape_cast %get3A_672 : vector<1x32xbf16> to vector<32xbf16>
        %convert_element_type3A_674 = arith.extf %get3A_673 : vector<32xbf16> to vector<32xf32>
        %mul3A_675 = vector.broadcast %squeeze3A_638 : f32 to vector<32xf32>
        %mul3A_676 = arith.mulf %mul3A_675, %convert_element_type3A_667 : vector<32xf32>
        %add3A_677 = arith.addf %add3A_636, %mul3A_676 : vector<32xf32>
        %mul3A_678 = vector.broadcast %squeeze3A_640 : f32 to vector<32xf32>
        %mul3A_679 = arith.mulf %mul3A_678, %convert_element_type3A_674 : vector<32xf32>
        %add3A_680 = arith.addf %add3A_677, %mul3A_679 : vector<32xf32>
        %slice3A_681 = vector.extract_strided_slice %get3A_104 {offsets = [12], sizes = [1], strides = [1]} : vector<16xf32> to vector<1xf32>
        %squeeze3A_682 = vector.extract %slice3A_681[0] : f32 from vector<1xf32>
        %slice3A_683 = vector.extract_strided_slice %get3A_112 {offsets = [12], sizes = [1], strides = [1]} : vector<16xf32> to vector<1xf32>
        %squeeze3A_684 = vector.extract %slice3A_683[0] : f32 from vector<1xf32>
        %add3A_685 = arith.constant 4 : i32
        %add3A_686 = arith.addi %mul3A_500, %add3A_685 : i32
        %get3A_687 = arith.index_cast %add3A_686 : i32 to index
        %get3A_688 = arith.constant 0 : index
        %get3A_689 = tpu.vector_load %arg8[%get3A_687, %get3A_688] {strides = array<i32>} : memref<128x128xbf16, #tpu.memory_space<vmem>>, vector<1x32xbf16>,
        %get3A_690 = vector.shape_cast %get3A_689 : vector<1x32xbf16> to vector<32xbf16>
        %convert_element_type3A_691 = arith.extf %get3A_690 : vector<32xbf16> to vector<32xf32>
        %add3A_692 = arith.constant 4 : i32
        %add3A_693 = arith.addi %mul3A_500, %add3A_692 : i32
        %get3A_694 = arith.index_cast %add3A_693 : i32 to index
        %get3A_695 = arith.constant 64 : index
        %get3A_696 = tpu.vector_load %arg8[%get3A_694, %get3A_695] {strides = array<i32>} : memref<128x128xbf16, #tpu.memory_space<vmem>>, vector<1x32xbf16>,
        %get3A_697 = vector.shape_cast %get3A_696 : vector<1x32xbf16> to vector<32xbf16>
        %convert_element_type3A_698 = arith.extf %get3A_697 : vector<32xbf16> to vector<32xf32>
        %mul3A_699 = vector.broadcast %squeeze3A_682 : f32 to vector<32xf32>
        %mul3A_700 = arith.mulf %mul3A_699, %convert_element_type3A_691 : vector<32xf32>
        %add3A_701 = arith.addf %add3A_660, %mul3A_700 : vector<32xf32>
        %mul3A_702 = vector.broadcast %squeeze3A_684 : f32 to vector<32xf32>
        %mul3A_703 = arith.mulf %mul3A_702, %convert_element_type3A_698 : vector<32xf32>
        %add3A_704 = arith.addf %add3A_701, %mul3A_703 : vector<32xf32>
        %add3A_705 = arith.constant 4 : i32
        %add3A_706 = arith.addi %mul3A_500, %add3A_705 : i32
        %get3A_707 = arith.index_cast %add3A_706 : i32 to index
        %get3A_708 = arith.constant 32 : index
        %get3A_709 = tpu.vector_load %arg8[%get3A_707, %get3A_708] {strides = array<i32>} : memref<128x128xbf16, #tpu.memory_space<vmem>>, vector<1x32xbf16>,
        %get3A_710 = vector.shape_cast %get3A_709 : vector<1x32xbf16> to vector<32xbf16>
        %convert_element_type3A_711 = arith.extf %get3A_710 : vector<32xbf16> to vector<32xf32>
        %add3A_712 = arith.constant 4 : i32
        %add3A_713 = arith.addi %mul3A_500, %add3A_712 : i32
        %get3A_714 = arith.index_cast %add3A_713 : i32 to index
        %get3A_715 = arith.constant 96 : index
        %get3A_716 = tpu.vector_load %arg8[%get3A_714, %get3A_715] {strides = array<i32>} : memref<128x128xbf16, #tpu.memory_space<vmem>>, vector<1x32xbf16>,
        %get3A_717 = vector.shape_cast %get3A_716 : vector<1x32xbf16> to vector<32xbf16>
        %convert_element_type3A_718 = arith.extf %get3A_717 : vector<32xbf16> to vector<32xf32>
        %mul3A_719 = vector.broadcast %squeeze3A_682 : f32 to vector<32xf32>
        %mul3A_720 = arith.mulf %mul3A_719, %convert_element_type3A_711 : vector<32xf32>
        %add3A_721 = arith.addf %add3A_680, %mul3A_720 : vector<32xf32>
        %mul3A_722 = vector.broadcast %squeeze3A_684 : f32 to vector<32xf32>
        %mul3A_723 = arith.mulf %mul3A_722, %convert_element_type3A_718 : vector<32xf32>
        %add3A_724 = arith.addf %add3A_721, %mul3A_723 : vector<32xf32>
        %slice3A_725 = vector.extract_strided_slice %get3A_104 {offsets = [13], sizes = [1], strides = [1]} : vector<16xf32> to vector<1xf32>
        %squeeze3A_726 = vector.extract %slice3A_725[0] : f32 from vector<1xf32>
        %slice3A_727 = vector.extract_strided_slice %get3A_112 {offsets = [13], sizes = [1], strides = [1]} : vector<16xf32> to vector<1xf32>
        %squeeze3A_728 = vector.extract %slice3A_727[0] : f32 from vector<1xf32>
        %add3A_729 = arith.constant 5 : i32
        %add3A_730 = arith.addi %mul3A_500, %add3A_729 : i32
        %get3A_731 = arith.index_cast %add3A_730 : i32 to index
        %get3A_732 = arith.constant 0 : index
        %get3A_733 = tpu.vector_load %arg8[%get3A_731, %get3A_732] {strides = array<i32>} : memref<128x128xbf16, #tpu.memory_space<vmem>>, vector<1x32xbf16>,
        %get3A_734 = vector.shape_cast %get3A_733 : vector<1x32xbf16> to vector<32xbf16>
        %convert_element_type3A_735 = arith.extf %get3A_734 : vector<32xbf16> to vector<32xf32>
        %add3A_736 = arith.constant 5 : i32
        %add3A_737 = arith.addi %mul3A_500, %add3A_736 : i32
        %get3A_738 = arith.index_cast %add3A_737 : i32 to index
        %get3A_739 = arith.constant 64 : index
        %get3A_740 = tpu.vector_load %arg8[%get3A_738, %get3A_739] {strides = array<i32>} : memref<128x128xbf16, #tpu.memory_space<vmem>>, vector<1x32xbf16>,
        %get3A_741 = vector.shape_cast %get3A_740 : vector<1x32xbf16> to vector<32xbf16>
        %convert_element_type3A_742 = arith.extf %get3A_741 : vector<32xbf16> to vector<32xf32>
        %mul3A_743 = vector.broadcast %squeeze3A_726 : f32 to vector<32xf32>
        %mul3A_744 = arith.mulf %mul3A_743, %convert_element_type3A_735 : vector<32xf32>
        %add3A_745 = arith.addf %add3A_704, %mul3A_744 : vector<32xf32>
        %mul3A_746 = vector.broadcast %squeeze3A_728 : f32 to vector<32xf32>
        %mul3A_747 = arith.mulf %mul3A_746, %convert_element_type3A_742 : vector<32xf32>
        %add3A_748 = arith.addf %add3A_745, %mul3A_747 : vector<32xf32>
        %add3A_749 = arith.constant 5 : i32
        %add3A_750 = arith.addi %mul3A_500, %add3A_749 : i32
        %get3A_751 = arith.index_cast %add3A_750 : i32 to index
        %get3A_752 = arith.constant 32 : index
        %get3A_753 = tpu.vector_load %arg8[%get3A_751, %get3A_752] {strides = array<i32>} : memref<128x128xbf16, #tpu.memory_space<vmem>>, vector<1x32xbf16>,
        %get3A_754 = vector.shape_cast %get3A_753 : vector<1x32xbf16> to vector<32xbf16>
        %convert_element_type3A_755 = arith.extf %get3A_754 : vector<32xbf16> to vector<32xf32>
        %add3A_756 = arith.constant 5 : i32
        %add3A_757 = arith.addi %mul3A_500, %add3A_756 : i32
        %get3A_758 = arith.index_cast %add3A_757 : i32 to index
        %get3A_759 = arith.constant 96 : index
        %get3A_760 = tpu.vector_load %arg8[%get3A_758, %get3A_759] {strides = array<i32>} : memref<128x128xbf16, #tpu.memory_space<vmem>>, vector<1x32xbf16>,
        %get3A_761 = vector.shape_cast %get3A_760 : vector<1x32xbf16> to vector<32xbf16>
        %convert_element_type3A_762 = arith.extf %get3A_761 : vector<32xbf16> to vector<32xf32>
        %mul3A_763 = vector.broadcast %squeeze3A_726 : f32 to vector<32xf32>
        %mul3A_764 = arith.mulf %mul3A_763, %convert_element_type3A_755 : vector<32xf32>
        %add3A_765 = arith.addf %add3A_724, %mul3A_764 : vector<32xf32>
        %mul3A_766 = vector.broadcast %squeeze3A_728 : f32 to vector<32xf32>
        %mul3A_767 = arith.mulf %mul3A_766, %convert_element_type3A_762 : vector<32xf32>
        %add3A_768 = arith.addf %add3A_765, %mul3A_767 : vector<32xf32>
        %slice3A_769 = vector.extract_strided_slice %get3A_104 {offsets = [14], sizes = [1], strides = [1]} : vector<16xf32> to vector<1xf32>
        %squeeze3A_770 = vector.extract %slice3A_769[0] : f32 from vector<1xf32>
        %slice3A_771 = vector.extract_strided_slice %get3A_112 {offsets = [14], sizes = [1], strides = [1]} : vector<16xf32> to vector<1xf32>
        %squeeze3A_772 = vector.extract %slice3A_771[0] : f32 from vector<1xf32>
        %add3A_773 = arith.constant 6 : i32
        %add3A_774 = arith.addi %mul3A_500, %add3A_773 : i32
        %get3A_775 = arith.index_cast %add3A_774 : i32 to index
        %get3A_776 = arith.constant 0 : index
        %get3A_777 = tpu.vector_load %arg8[%get3A_775, %get3A_776] {strides = array<i32>} : memref<128x128xbf16, #tpu.memory_space<vmem>>, vector<1x32xbf16>,
        %get3A_778 = vector.shape_cast %get3A_777 : vector<1x32xbf16> to vector<32xbf16>
        %convert_element_type3A_779 = arith.extf %get3A_778 : vector<32xbf16> to vector<32xf32>
        %add3A_780 = arith.constant 6 : i32
        %add3A_781 = arith.addi %mul3A_500, %add3A_780 : i32
        %get3A_782 = arith.index_cast %add3A_781 : i32 to index
        %get3A_783 = arith.constant 64 : index
        %get3A_784 = tpu.vector_load %arg8[%get3A_782, %get3A_783] {strides = array<i32>} : memref<128x128xbf16, #tpu.memory_space<vmem>>, vector<1x32xbf16>,
        %get3A_785 = vector.shape_cast %get3A_784 : vector<1x32xbf16> to vector<32xbf16>
        %convert_element_type3A_786 = arith.extf %get3A_785 : vector<32xbf16> to vector<32xf32>
        %mul3A_787 = vector.broadcast %squeeze3A_770 : f32 to vector<32xf32>
        %mul3A_788 = arith.mulf %mul3A_787, %convert_element_type3A_779 : vector<32xf32>
        %add3A_789 = arith.addf %add3A_748, %mul3A_788 : vector<32xf32>
        %mul3A_790 = vector.broadcast %squeeze3A_772 : f32 to vector<32xf32>
        %mul3A_791 = arith.mulf %mul3A_790, %convert_element_type3A_786 : vector<32xf32>
        %add3A_792 = arith.addf %add3A_789, %mul3A_791 : vector<32xf32>
        %add3A_793 = arith.constant 6 : i32
        %add3A_794 = arith.addi %mul3A_500, %add3A_793 : i32
        %get3A_795 = arith.index_cast %add3A_794 : i32 to index
        %get3A_796 = arith.constant 32 : index
        %get3A_797 = tpu.vector_load %arg8[%get3A_795, %get3A_796] {strides = array<i32>} : memref<128x128xbf16, #tpu.memory_space<vmem>>, vector<1x32xbf16>,
        %get3A_798 = vector.shape_cast %get3A_797 : vector<1x32xbf16> to vector<32xbf16>
        %convert_element_type3A_799 = arith.extf %get3A_798 : vector<32xbf16> to vector<32xf32>
        %add3A_800 = arith.constant 6 : i32
        %add3A_801 = arith.addi %mul3A_500, %add3A_800 : i32
        %get3A_802 = arith.index_cast %add3A_801 : i32 to index
        %get3A_803 = arith.constant 96 : index
        %get3A_804 = tpu.vector_load %arg8[%get3A_802, %get3A_803] {strides = array<i32>} : memref<128x128xbf16, #tpu.memory_space<vmem>>, vector<1x32xbf16>,
        %get3A_805 = vector.shape_cast %get3A_804 : vector<1x32xbf16> to vector<32xbf16>
        %convert_element_type3A_806 = arith.extf %get3A_805 : vector<32xbf16> to vector<32xf32>
        %mul3A_807 = vector.broadcast %squeeze3A_770 : f32 to vector<32xf32>
        %mul3A_808 = arith.mulf %mul3A_807, %convert_element_type3A_799 : vector<32xf32>
        %add3A_809 = arith.addf %add3A_768, %mul3A_808 : vector<32xf32>
        %mul3A_810 = vector.broadcast %squeeze3A_772 : f32 to vector<32xf32>
        %mul3A_811 = arith.mulf %mul3A_810, %convert_element_type3A_806 : vector<32xf32>
        %add3A_812 = arith.addf %add3A_809, %mul3A_811 : vector<32xf32>
        %slice3A_813 = vector.extract_strided_slice %get3A_104 {offsets = [15], sizes = [1], strides = [1]} : vector<16xf32> to vector<1xf32>
        %squeeze3A_814 = vector.extract %slice3A_813[0] : f32 from vector<1xf32>
        %slice3A_815 = vector.extract_strided_slice %get3A_112 {offsets = [15], sizes = [1], strides = [1]} : vector<16xf32> to vector<1xf32>
        %squeeze3A_816 = vector.extract %slice3A_815[0] : f32 from vector<1xf32>
        %add3A_817 = arith.constant 7 : i32
        %add3A_818 = arith.addi %mul3A_500, %add3A_817 : i32
        %get3A_819 = arith.index_cast %add3A_818 : i32 to index
        %get3A_820 = arith.constant 0 : index
        %get3A_821 = tpu.vector_load %arg8[%get3A_819, %get3A_820] {strides = array<i32>} : memref<128x128xbf16, #tpu.memory_space<vmem>>, vector<1x32xbf16>,
        %get3A_822 = vector.shape_cast %get3A_821 : vector<1x32xbf16> to vector<32xbf16>
        %convert_element_type3A_823 = arith.extf %get3A_822 : vector<32xbf16> to vector<32xf32>
        %add3A_824 = arith.constant 7 : i32
        %add3A_825 = arith.addi %mul3A_500, %add3A_824 : i32
        %get3A_826 = arith.index_cast %add3A_825 : i32 to index
        %get3A_827 = arith.constant 64 : index
        %get3A_828 = tpu.vector_load %arg8[%get3A_826, %get3A_827] {strides = array<i32>} : memref<128x128xbf16, #tpu.memory_space<vmem>>, vector<1x32xbf16>,
        %get3A_829 = vector.shape_cast %get3A_828 : vector<1x32xbf16> to vector<32xbf16>
        %convert_element_type3A_830 = arith.extf %get3A_829 : vector<32xbf16> to vector<32xf32>
        %mul3A_831 = vector.broadcast %squeeze3A_814 : f32 to vector<32xf32>
        %mul3A_832 = arith.mulf %mul3A_831, %convert_element_type3A_823 : vector<32xf32>
        %add3A_833 = arith.addf %add3A_792, %mul3A_832 : vector<32xf32>
        %mul3A_834 = vector.broadcast %squeeze3A_816 : f32 to vector<32xf32>
        %mul3A_835 = arith.mulf %mul3A_834, %convert_element_type3A_830 : vector<32xf32>
        %add3A_836 = arith.addf %add3A_833, %mul3A_835 : vector<32xf32>
        %add3A_837 = arith.constant 7 : i32
        %add3A_838 = arith.addi %mul3A_500, %add3A_837 : i32
        %get3A_839 = arith.index_cast %add3A_838 : i32 to index
        %get3A_840 = arith.constant 32 : index
        %get3A_841 = tpu.vector_load %arg8[%get3A_839, %get3A_840] {strides = array<i32>} : memref<128x128xbf16, #tpu.memory_space<vmem>>, vector<1x32xbf16>,
        %get3A_842 = vector.shape_cast %get3A_841 : vector<1x32xbf16> to vector<32xbf16>
        %convert_element_type3A_843 = arith.extf %get3A_842 : vector<32xbf16> to vector<32xf32>
        %add3A_844 = arith.constant 7 : i32
        %add3A_845 = arith.addi %mul3A_500, %add3A_844 : i32
        %get3A_846 = arith.index_cast %add3A_845 : i32 to index
        %get3A_847 = arith.constant 96 : index
        %get3A_848 = tpu.vector_load %arg8[%get3A_846, %get3A_847] {strides = array<i32>} : memref<128x128xbf16, #tpu.memory_space<vmem>>, vector<1x32xbf16>,
        %get3A_849 = vector.shape_cast %get3A_848 : vector<1x32xbf16> to vector<32xbf16>
        %convert_element_type3A_850 = arith.extf %get3A_849 : vector<32xbf16> to vector<32xf32>
        %mul3A_851 = vector.broadcast %squeeze3A_814 : f32 to vector<32xf32>
        %mul3A_852 = arith.mulf %mul3A_851, %convert_element_type3A_843 : vector<32xf32>
        %add3A_853 = arith.addf %add3A_812, %mul3A_852 : vector<32xf32>
        %mul3A_854 = vector.broadcast %squeeze3A_816 : f32 to vector<32xf32>
        %mul3A_855 = arith.mulf %mul3A_854, %convert_element_type3A_850 : vector<32xf32>
        %add3A_856 = arith.addf %add3A_853, %mul3A_855 : vector<32xf32>
        %slice3A_857 = vector.extract_strided_slice %add3A_836 {offsets = [0], sizes = [16], strides = [1]} : vector<32xf32> to vector<16xf32>
        %swap3A_858 = arith.index_cast %scan3A_99 : i32 to index
        %swap3A_859 = arith.constant 64 : index
        %swap3A_860 = tpu.vector_load %arg10[%swap3A_858, %swap3A_859] {strides = array<i32>} : memref<8x128xf32, #tpu.memory_space<vmem>>, vector<1x16xf32>,
        %swap3A_861 = vector.shape_cast %swap3A_860 : vector<1x16xf32> to vector<16xf32>
        %swap3A_862 = vector.shape_cast %slice3A_857 : vector<16xf32> to vector<1x16xf32>
        tpu.vector_store %arg10[%swap3A_858, %swap3A_859], %swap3A_862 {strides = array<i32>} : memref<8x128xf32, #tpu.memory_space<vmem>>, vector<1x16xf32>,
        %slice3A_863 = vector.extract_strided_slice %add3A_836 {offsets = [16], sizes = [16], strides = [1]} : vector<32xf32> to vector<16xf32>
        %swap3A_864 = arith.index_cast %scan3A_99 : i32 to index
        %swap3A_865 = arith.constant 80 : index
        %swap3A_866 = tpu.vector_load %arg10[%swap3A_864, %swap3A_865] {strides = array<i32>} : memref<8x128xf32, #tpu.memory_space<vmem>>, vector<1x16xf32>,
        %swap3A_867 = vector.shape_cast %swap3A_866 : vector<1x16xf32> to vector<16xf32>
        %swap3A_868 = vector.shape_cast %slice3A_863 : vector<16xf32> to vector<1x16xf32>
        tpu.vector_store %arg10[%swap3A_864, %swap3A_865], %swap3A_868 {strides = array<i32>} : memref<8x128xf32, #tpu.memory_space<vmem>>, vector<1x16xf32>,
        %slice3A_869 = vector.extract_strided_slice %add3A_856 {offsets = [0], sizes = [16], strides = [1]} : vector<32xf32> to vector<16xf32>
        %swap3A_870 = arith.index_cast %scan3A_99 : i32 to index
        %swap3A_871 = arith.constant 96 : index
        %swap3A_872 = tpu.vector_load %arg10[%swap3A_870, %swap3A_871] {strides = array<i32>} : memref<8x128xf32, #tpu.memory_space<vmem>>, vector<1x16xf32>,
        %swap3A_873 = vector.shape_cast %swap3A_872 : vector<1x16xf32> to vector<16xf32>
        %swap3A_874 = vector.shape_cast %slice3A_869 : vector<16xf32> to vector<1x16xf32>
        tpu.vector_store %arg10[%swap3A_870, %swap3A_871], %swap3A_874 {strides = array<i32>} : memref<8x128xf32, #tpu.memory_space<vmem>>, vector<1x16xf32>,
        %slice3A_875 = vector.extract_strided_slice %add3A_856 {offsets = [16], sizes = [16], strides = [1]} : vector<32xf32> to vector<16xf32>
        %swap3A_876 = arith.index_cast %scan3A_99 : i32 to index
        %swap3A_877 = arith.constant 112 : index
        %swap3A_878 = tpu.vector_load %arg10[%swap3A_876, %swap3A_877] {strides = array<i32>} : memref<8x128xf32, #tpu.memory_space<vmem>>, vector<1x16xf32>,
        %swap3A_879 = vector.shape_cast %swap3A_878 : vector<1x16xf32> to vector<16xf32>
        %swap3A_880 = vector.shape_cast %slice3A_875 : vector<16xf32> to vector<1x16xf32>
        tpu.vector_store %arg10[%swap3A_876, %swap3A_877], %swap3A_880 {strides = array<i32>} : memref<8x128xf32, #tpu.memory_space<vmem>>, vector<1x16xf32>,
      }
      %scan3A_59 = arith.constant 8 : i32
      %add3A_60 = arith.addi %mul3A_2, %mul3A_33 : i32
      %mul3A_61 = arith.constant 8 : i32
      %mul3A_62 = arith.muli %add3A_60, %mul3A_61 : i32
      %dma_start3A_63 = arith.constant 0 : i32
      %dma_start3A_64 = tpu.memref_slice %arg5[%mul3A_62, %dma_start3A_63] : memref<16384x128xf32, #tpu.memory_space<hbm>> -> memref<8x128xf32, #tpu.memory_space<hbm>>
      %dma_start3A_65 = arith.constant 0 : i32
      %dma_start3A_66 = tpu.memref_slice %arg5[%mul3A_62, %dma_start3A_65] : memref<16384x128xf32, #tpu.memory_space<hbm>> -> memref<8x128xf32, #tpu.memory_space<hbm>>
      tpu.enqueue_dma source(%arg10 : memref<8x128xf32, #tpu.memory_space<vmem>>) target(%dma_start3A_66 : memref<8x128xf32, #tpu.memory_space<hbm>>) target_semaphore(%arg14 : memref<!tpu.dma_semaphore, #tpu.memory_space<semaphore_mem>>)
      %add3A_67 = arith.constant 1 : i32
      %add3A_68 = arith.addi %add3A_37, %add3A_67 : i32
      %lt3A = arith.constant 64 : i32
      %lt3A_69 = arith.cmpi slt, %add3A_68, %lt3A : i32
      %convert_element_type3A_70 = arith.extui %lt3A_69 : i1 to i32
      %cond3A_71 = arith.constant 0 : i32
      %cond3A_72 = arith.cmpi ne, %convert_element_type3A_70, %cond3A_71 : i32
      scf.if %cond3A_72 {
        %add3A_99 = arith.constant 1 : i32
        %add3A_100 = arith.addi %add3A_37, %add3A_99 : i32
        %mul3A_101 = arith.constant 128 : i32
        %mul3A_102 = arith.muli %add3A_100, %mul3A_101 : i32
        %dma_start3A_103 = tpu.memref_slice %arg6[%mul3A_102] : memref<8192xi32, #tpu.memory_space<vmem>> -> memref<128xi32, #tpu.memory_space<vmem>>
        %dma_start3A_104 = arith.constant 0 : i32
        %dma_start3A_105 = arith.constant 0 : i32
        %dma_start3A_106 = tpu.memref_slice %arg2[%dma_start3A_104, %dma_start3A_105] : memref<131072x128xbf16, #tpu.memory_space<hbm>> -> memref<131072x128xbf16, #tpu.memory_space<hbm>>
        tpu.enqueue_indirect_dma source(%dma_start3A_106 : memref<131072x128xbf16, #tpu.memory_space<hbm>>) target(%arg8 : memref<128x128xbf16, #tpu.memory_space<vmem>>) offsets(%dma_start3A_103 : memref<128xi32, #tpu.memory_space<vmem>>) semaphore(%arg12 : memref<!tpu.dma_semaphore, #tpu.memory_space<semaphore_mem>>)
      } else {
      }
      %mul3A_73 = arith.constant 128 : i32
      %mul3A_74 = arith.muli %add3A_37, %mul3A_73 : i32
      %dma_wait3A_75 = tpu.memref_slice %arg6[%mul3A_74] : memref<8192xi32, #tpu.memory_space<vmem>> -> memref<128xi32, #tpu.memory_space<vmem>>
      %dma_wait3A_76 = arith.constant 0 : i32
      %dma_wait3A_77 = arith.constant 0 : i32
      %dma_wait3A_78 = tpu.memref_slice %arg2[%dma_wait3A_76, %dma_wait3A_77] : memref<131072x128xbf16, #tpu.memory_space<hbm>> -> memref<131072x128xbf16, #tpu.memory_space<hbm>>
      tpu.wait_indirect_dma semaphore(%arg13 : memref<!tpu.dma_semaphore, #tpu.memory_space<semaphore_mem>>) src(%dma_wait3A_78 : memref<131072x128xbf16, #tpu.memory_space<hbm>>) dst(%arg9 : memref<128x128xbf16, #tpu.memory_space<vmem>>)
      %gt3A_79 = arith.constant 0 : i32
      %gt3A_80 = arith.cmpi sgt, %scan3A_31, %gt3A_79 : i32
      %convert_element_type3A_81 = arith.extui %gt3A_80 : i1 to i32
      %cond3A_82 = arith.constant 0 : i32
      %cond3A_83 = arith.cmpi ne, %convert_element_type3A_81, %cond3A_82 : i32
      scf.if %cond3A_83 {
        %add3A_99 = arith.addi %mul3A_2, %add3A_37 : i32
        %mul3A_100 = arith.constant 8 : i32
        %mul3A_101 = arith.muli %add3A_99, %mul3A_100 : i32
        %dma_wait3A_102 = arith.constant 0 : i32
        %dma_wait3A_103 = tpu.memref_slice %arg5[%mul3A_101, %dma_wait3A_102] : memref<16384x128xf32, #tpu.memory_space<hbm>> -> memref<8x128xf32, #tpu.memory_space<hbm>>
        %dma_wait3A_104 = arith.constant 0 : i32
        %dma_wait3A_105 = tpu.memref_slice %arg5[%mul3A_101, %dma_wait3A_104] : memref<16384x128xf32, #tpu.memory_space<hbm>> -> memref<8x128xf32, #tpu.memory_space<hbm>>
        tpu.wait_dma2 semaphore(%arg15 : memref<!tpu.dma_semaphore, #tpu.memory_space<semaphore_mem>>) src(%arg11 : memref<8x128xf32, #tpu.memory_space<vmem>>) dst(%dma_wait3A_105 : memref<8x128xf32, #tpu.memory_space<hbm>>)
      } else {
      }
      %mul3A_84 = arith.constant 256 : i32
      %mul3A_85 = arith.muli %add3A_37, %mul3A_84 : i32
      %scan3A_86 = arith.constant 0 : i32
      %scan3A_87 = arith.constant 0 : i32
      %scan3A_88 = arith.constant 8 : i32
      %scan3A_89 = arith.addi %scan3A_87, %scan3A_88 : i32
      %scan3A_90 = arith.constant 1 : i32
      scf.for %scan3A_99 = %scan3A_87 to %scan3A_89 step %scan3A_90  : i32 {
        %mul3A_100 = arith.constant 16 : i32
        %mul3A_101 = arith.muli %scan3A_99, %mul3A_100 : i32
        %add3A_102 = arith.addi %mul3A_85, %mul3A_101 : i32
        %get3A = arith.index_cast %add3A_102 : i32 to index
        %get3A_103 = tpu.vector_load %arg7[%get3A] {strides = array<i32>} : memref<16384xf32, #tpu.memory_space<vmem>>, vector<16xf32>,
        %get3A_104 = vector.shape_cast %get3A_103 : vector<16xf32> to vector<16xf32>
        %add3A_105 = arith.constant 128 : i32
        %add3A_106 = arith.addi %mul3A_85, %add3A_105 : i32
        %mul3A_107 = arith.constant 16 : i32
        %mul3A_108 = arith.muli %scan3A_99, %mul3A_107 : i32
        %add3A_109 = arith.addi %add3A_106, %mul3A_108 : i32
        %get3A_110 = arith.index_cast %add3A_109 : i32 to index
        %get3A_111 = tpu.vector_load %arg7[%get3A_110] {strides = array<i32>} : memref<16384xf32, #tpu.memory_space<vmem>>, vector<16xf32>,
        %get3A_112 = vector.shape_cast %get3A_111 : vector<16xf32> to vector<16xf32>
        %mul3A_113 = arith.constant 2 : i32
        %mul3A_114 = arith.muli %scan3A_99, %mul3A_113 : i32
        %add3A_115 = arith.constant 0 : i32
        %add3A_116 = arith.addi %mul3A_114, %add3A_115 : i32
        %mul3A_117 = arith.constant 8 : i32
        %mul3A_118 = arith.muli %add3A_116, %mul3A_117 : i32
        %broadcast_in_dim3A = arith.constant 0.000000e+00 : f32
        %broadcast_in_dim3A_119 = vector.broadcast %broadcast_in_dim3A : f32 to vector<32xf32>
        %broadcast_in_dim3A_120 = arith.constant 0.000000e+00 : f32
        %broadcast_in_dim3A_121 = vector.broadcast %broadcast_in_dim3A_120 : f32 to vector<32xf32>
        %slice3A = vector.extract_strided_slice %get3A_104 {offsets = [0], sizes = [1], strides = [1]} : vector<16xf32> to vector<1xf32>
        %squeeze3A = vector.extract %slice3A[0] : f32 from vector<1xf32>
        %slice3A_122 = vector.extract_strided_slice %get3A_112 {offsets = [0], sizes = [1], strides = [1]} : vector<16xf32> to vector<1xf32>
        %squeeze3A_123 = vector.extract %slice3A_122[0] : f32 from vector<1xf32>
        %add3A_124 = arith.constant 0 : i32
        %add3A_125 = arith.addi %mul3A_118, %add3A_124 : i32
        %get3A_126 = arith.index_cast %add3A_125 : i32 to index
        %get3A_127 = arith.constant 0 : index
        %get3A_128 = tpu.vector_load %arg9[%get3A_126, %get3A_127] {strides = array<i32>} : memref<128x128xbf16, #tpu.memory_space<vmem>>, vector<1x32xbf16>,
        %get3A_129 = vector.shape_cast %get3A_128 : vector<1x32xbf16> to vector<32xbf16>
        %convert_element_type3A_130 = arith.extf %get3A_129 : vector<32xbf16> to vector<32xf32>
        %add3A_131 = arith.constant 0 : i32
        %add3A_132 = arith.addi %mul3A_118, %add3A_131 : i32
        %get3A_133 = arith.index_cast %add3A_132 : i32 to index
        %get3A_134 = arith.constant 64 : index
        %get3A_135 = tpu.vector_load %arg9[%get3A_133, %get3A_134] {strides = array<i32>} : memref<128x128xbf16, #tpu.memory_space<vmem>>, vector<1x32xbf16>,
        %get3A_136 = vector.shape_cast %get3A_135 : vector<1x32xbf16> to vector<32xbf16>
        %convert_element_type3A_137 = arith.extf %get3A_136 : vector<32xbf16> to vector<32xf32>
        %mul3A_138 = vector.broadcast %squeeze3A : f32 to vector<32xf32>
        %mul3A_139 = arith.mulf %mul3A_138, %convert_element_type3A_130 : vector<32xf32>
        %add3A_140 = arith.addf %broadcast_in_dim3A_119, %mul3A_139 : vector<32xf32>
        %mul3A_141 = vector.broadcast %squeeze3A_123 : f32 to vector<32xf32>
        %mul3A_142 = arith.mulf %mul3A_141, %convert_element_type3A_137 : vector<32xf32>
        %add3A_143 = arith.addf %add3A_140, %mul3A_142 : vector<32xf32>
        %add3A_144 = arith.constant 0 : i32
        %add3A_145 = arith.addi %mul3A_118, %add3A_144 : i32
        %get3A_146 = arith.index_cast %add3A_145 : i32 to index
        %get3A_147 = arith.constant 32 : index
        %get3A_148 = tpu.vector_load %arg9[%get3A_146, %get3A_147] {strides = array<i32>} : memref<128x128xbf16, #tpu.memory_space<vmem>>, vector<1x32xbf16>,
        %get3A_149 = vector.shape_cast %get3A_148 : vector<1x32xbf16> to vector<32xbf16>
        %convert_element_type3A_150 = arith.extf %get3A_149 : vector<32xbf16> to vector<32xf32>
        %add3A_151 = arith.constant 0 : i32
        %add3A_152 = arith.addi %mul3A_118, %add3A_151 : i32
        %get3A_153 = arith.index_cast %add3A_152 : i32 to index
        %get3A_154 = arith.constant 96 : index
        %get3A_155 = tpu.vector_load %arg9[%get3A_153, %get3A_154] {strides = array<i32>} : memref<128x128xbf16, #tpu.memory_space<vmem>>, vector<1x32xbf16>,
        %get3A_156 = vector.shape_cast %get3A_155 : vector<1x32xbf16> to vector<32xbf16>
        %convert_element_type3A_157 = arith.extf %get3A_156 : vector<32xbf16> to vector<32xf32>
        %mul3A_158 = vector.broadcast %squeeze3A : f32 to vector<32xf32>
        %mul3A_159 = arith.mulf %mul3A_158, %convert_element_type3A_150 : vector<32xf32>
        %add3A_160 = arith.addf %broadcast_in_dim3A_121, %mul3A_159 : vector<32xf32>
        %mul3A_161 = vector.broadcast %squeeze3A_123 : f32 to vector<32xf32>
        %mul3A_162 = arith.mulf %mul3A_161, %convert_element_type3A_157 : vector<32xf32>
        %add3A_163 = arith.addf %add3A_160, %mul3A_162 : vector<32xf32>
        %slice3A_164 = vector.extract_strided_slice %get3A_104 {offsets = [1], sizes = [1], strides = [1]} : vector<16xf32> to vector<1xf32>
        %squeeze3A_165 = vector.extract %slice3A_164[0] : f32 from vector<1xf32>
        %slice3A_166 = vector.extract_strided_slice %get3A_112 {offsets = [1], sizes = [1], strides = [1]} : vector<16xf32> to vector<1xf32>
        %squeeze3A_167 = vector.extract %slice3A_166[0] : f32 from vector<1xf32>
        %add3A_168 = arith.constant 1 : i32
        %add3A_169 = arith.addi %mul3A_118, %add3A_168 : i32
        %get3A_170 = arith.index_cast %add3A_169 : i32 to index
        %get3A_171 = arith.constant 0 : index
        %get3A_172 = tpu.vector_load %arg9[%get3A_170, %get3A_171] {strides = array<i32>} : memref<128x128xbf16, #tpu.memory_space<vmem>>, vector<1x32xbf16>,
        %get3A_173 = vector.shape_cast %get3A_172 : vector<1x32xbf16> to vector<32xbf16>
        %convert_element_type3A_174 = arith.extf %get3A_173 : vector<32xbf16> to vector<32xf32>
        %add3A_175 = arith.constant 1 : i32
        %add3A_176 = arith.addi %mul3A_118, %add3A_175 : i32
        %get3A_177 = arith.index_cast %add3A_176 : i32 to index
        %get3A_178 = arith.constant 64 : index
        %get3A_179 = tpu.vector_load %arg9[%get3A_177, %get3A_178] {strides = array<i32>} : memref<128x128xbf16, #tpu.memory_space<vmem>>, vector<1x32xbf16>,
        %get3A_180 = vector.shape_cast %get3A_179 : vector<1x32xbf16> to vector<32xbf16>
        %convert_element_type3A_181 = arith.extf %get3A_180 : vector<32xbf16> to vector<32xf32>
        %mul3A_182 = vector.broadcast %squeeze3A_165 : f32 to vector<32xf32>
        %mul3A_183 = arith.mulf %mul3A_182, %convert_element_type3A_174 : vector<32xf32>
        %add3A_184 = arith.addf %add3A_143, %mul3A_183 : vector<32xf32>
        %mul3A_185 = vector.broadcast %squeeze3A_167 : f32 to vector<32xf32>
        %mul3A_186 = arith.mulf %mul3A_185, %convert_element_type3A_181 : vector<32xf32>
        %add3A_187 = arith.addf %add3A_184, %mul3A_186 : vector<32xf32>
        %add3A_188 = arith.constant 1 : i32
        %add3A_189 = arith.addi %mul3A_118, %add3A_188 : i32
        %get3A_190 = arith.index_cast %add3A_189 : i32 to index
        %get3A_191 = arith.constant 32 : index
        %get3A_192 = tpu.vector_load %arg9[%get3A_190, %get3A_191] {strides = array<i32>} : memref<128x128xbf16, #tpu.memory_space<vmem>>, vector<1x32xbf16>,
        %get3A_193 = vector.shape_cast %get3A_192 : vector<1x32xbf16> to vector<32xbf16>
        %convert_element_type3A_194 = arith.extf %get3A_193 : vector<32xbf16> to vector<32xf32>
        %add3A_195 = arith.constant 1 : i32
        %add3A_196 = arith.addi %mul3A_118, %add3A_195 : i32
        %get3A_197 = arith.index_cast %add3A_196 : i32 to index
        %get3A_198 = arith.constant 96 : index
        %get3A_199 = tpu.vector_load %arg9[%get3A_197, %get3A_198] {strides = array<i32>} : memref<128x128xbf16, #tpu.memory_space<vmem>>, vector<1x32xbf16>,
        %get3A_200 = vector.shape_cast %get3A_199 : vector<1x32xbf16> to vector<32xbf16>
        %convert_element_type3A_201 = arith.extf %get3A_200 : vector<32xbf16> to vector<32xf32>
        %mul3A_202 = vector.broadcast %squeeze3A_165 : f32 to vector<32xf32>
        %mul3A_203 = arith.mulf %mul3A_202, %convert_element_type3A_194 : vector<32xf32>
        %add3A_204 = arith.addf %add3A_163, %mul3A_203 : vector<32xf32>
        %mul3A_205 = vector.broadcast %squeeze3A_167 : f32 to vector<32xf32>
        %mul3A_206 = arith.mulf %mul3A_205, %convert_element_type3A_201 : vector<32xf32>
        %add3A_207 = arith.addf %add3A_204, %mul3A_206 : vector<32xf32>
        %slice3A_208 = vector.extract_strided_slice %get3A_104 {offsets = [2], sizes = [1], strides = [1]} : vector<16xf32> to vector<1xf32>
        %squeeze3A_209 = vector.extract %slice3A_208[0] : f32 from vector<1xf32>
        %slice3A_210 = vector.extract_strided_slice %get3A_112 {offsets = [2], sizes = [1], strides = [1]} : vector<16xf32> to vector<1xf32>
        %squeeze3A_211 = vector.extract %slice3A_210[0] : f32 from vector<1xf32>
        %add3A_212 = arith.constant 2 : i32
        %add3A_213 = arith.addi %mul3A_118, %add3A_212 : i32
        %get3A_214 = arith.index_cast %add3A_213 : i32 to index
        %get3A_215 = arith.constant 0 : index
        %get3A_216 = tpu.vector_load %arg9[%get3A_214, %get3A_215] {strides = array<i32>} : memref<128x128xbf16, #tpu.memory_space<vmem>>, vector<1x32xbf16>,
        %get3A_217 = vector.shape_cast %get3A_216 : vector<1x32xbf16> to vector<32xbf16>
        %convert_element_type3A_218 = arith.extf %get3A_217 : vector<32xbf16> to vector<32xf32>
        %add3A_219 = arith.constant 2 : i32
        %add3A_220 = arith.addi %mul3A_118, %add3A_219 : i32
        %get3A_221 = arith.index_cast %add3A_220 : i32 to index
        %get3A_222 = arith.constant 64 : index
        %get3A_223 = tpu.vector_load %arg9[%get3A_221, %get3A_222] {strides = array<i32>} : memref<128x128xbf16, #tpu.memory_space<vmem>>, vector<1x32xbf16>,
        %get3A_224 = vector.shape_cast %get3A_223 : vector<1x32xbf16> to vector<32xbf16>
        %convert_element_type3A_225 = arith.extf %get3A_224 : vector<32xbf16> to vector<32xf32>
        %mul3A_226 = vector.broadcast %squeeze3A_209 : f32 to vector<32xf32>
        %mul3A_227 = arith.mulf %mul3A_226, %convert_element_type3A_218 : vector<32xf32>
        %add3A_228 = arith.addf %add3A_187, %mul3A_227 : vector<32xf32>
        %mul3A_229 = vector.broadcast %squeeze3A_211 : f32 to vector<32xf32>
        %mul3A_230 = arith.mulf %mul3A_229, %convert_element_type3A_225 : vector<32xf32>
        %add3A_231 = arith.addf %add3A_228, %mul3A_230 : vector<32xf32>
        %add3A_232 = arith.constant 2 : i32
        %add3A_233 = arith.addi %mul3A_118, %add3A_232 : i32
        %get3A_234 = arith.index_cast %add3A_233 : i32 to index
        %get3A_235 = arith.constant 32 : index
        %get3A_236 = tpu.vector_load %arg9[%get3A_234, %get3A_235] {strides = array<i32>} : memref<128x128xbf16, #tpu.memory_space<vmem>>, vector<1x32xbf16>,
        %get3A_237 = vector.shape_cast %get3A_236 : vector<1x32xbf16> to vector<32xbf16>
        %convert_element_type3A_238 = arith.extf %get3A_237 : vector<32xbf16> to vector<32xf32>
        %add3A_239 = arith.constant 2 : i32
        %add3A_240 = arith.addi %mul3A_118, %add3A_239 : i32
        %get3A_241 = arith.index_cast %add3A_240 : i32 to index
        %get3A_242 = arith.constant 96 : index
        %get3A_243 = tpu.vector_load %arg9[%get3A_241, %get3A_242] {strides = array<i32>} : memref<128x128xbf16, #tpu.memory_space<vmem>>, vector<1x32xbf16>,
        %get3A_244 = vector.shape_cast %get3A_243 : vector<1x32xbf16> to vector<32xbf16>
        %convert_element_type3A_245 = arith.extf %get3A_244 : vector<32xbf16> to vector<32xf32>
        %mul3A_246 = vector.broadcast %squeeze3A_209 : f32 to vector<32xf32>
        %mul3A_247 = arith.mulf %mul3A_246, %convert_element_type3A_238 : vector<32xf32>
        %add3A_248 = arith.addf %add3A_207, %mul3A_247 : vector<32xf32>
        %mul3A_249 = vector.broadcast %squeeze3A_211 : f32 to vector<32xf32>
        %mul3A_250 = arith.mulf %mul3A_249, %convert_element_type3A_245 : vector<32xf32>
        %add3A_251 = arith.addf %add3A_248, %mul3A_250 : vector<32xf32>
        %slice3A_252 = vector.extract_strided_slice %get3A_104 {offsets = [3], sizes = [1], strides = [1]} : vector<16xf32> to vector<1xf32>
        %squeeze3A_253 = vector.extract %slice3A_252[0] : f32 from vector<1xf32>
        %slice3A_254 = vector.extract_strided_slice %get3A_112 {offsets = [3], sizes = [1], strides = [1]} : vector<16xf32> to vector<1xf32>
        %squeeze3A_255 = vector.extract %slice3A_254[0] : f32 from vector<1xf32>
        %add3A_256 = arith.constant 3 : i32
        %add3A_257 = arith.addi %mul3A_118, %add3A_256 : i32
        %get3A_258 = arith.index_cast %add3A_257 : i32 to index
        %get3A_259 = arith.constant 0 : index
        %get3A_260 = tpu.vector_load %arg9[%get3A_258, %get3A_259] {strides = array<i32>} : memref<128x128xbf16, #tpu.memory_space<vmem>>, vector<1x32xbf16>,
        %get3A_261 = vector.shape_cast %get3A_260 : vector<1x32xbf16> to vector<32xbf16>
        %convert_element_type3A_262 = arith.extf %get3A_261 : vector<32xbf16> to vector<32xf32>
        %add3A_263 = arith.constant 3 : i32
        %add3A_264 = arith.addi %mul3A_118, %add3A_263 : i32
        %get3A_265 = arith.index_cast %add3A_264 : i32 to index
        %get3A_266 = arith.constant 64 : index
        %get3A_267 = tpu.vector_load %arg9[%get3A_265, %get3A_266] {strides = array<i32>} : memref<128x128xbf16, #tpu.memory_space<vmem>>, vector<1x32xbf16>,
        %get3A_268 = vector.shape_cast %get3A_267 : vector<1x32xbf16> to vector<32xbf16>
        %convert_element_type3A_269 = arith.extf %get3A_268 : vector<32xbf16> to vector<32xf32>
        %mul3A_270 = vector.broadcast %squeeze3A_253 : f32 to vector<32xf32>
        %mul3A_271 = arith.mulf %mul3A_270, %convert_element_type3A_262 : vector<32xf32>
        %add3A_272 = arith.addf %add3A_231, %mul3A_271 : vector<32xf32>
        %mul3A_273 = vector.broadcast %squeeze3A_255 : f32 to vector<32xf32>
        %mul3A_274 = arith.mulf %mul3A_273, %convert_element_type3A_269 : vector<32xf32>
        %add3A_275 = arith.addf %add3A_272, %mul3A_274 : vector<32xf32>
        %add3A_276 = arith.constant 3 : i32
        %add3A_277 = arith.addi %mul3A_118, %add3A_276 : i32
        %get3A_278 = arith.index_cast %add3A_277 : i32 to index
        %get3A_279 = arith.constant 32 : index
        %get3A_280 = tpu.vector_load %arg9[%get3A_278, %get3A_279] {strides = array<i32>} : memref<128x128xbf16, #tpu.memory_space<vmem>>, vector<1x32xbf16>,
        %get3A_281 = vector.shape_cast %get3A_280 : vector<1x32xbf16> to vector<32xbf16>
        %convert_element_type3A_282 = arith.extf %get3A_281 : vector<32xbf16> to vector<32xf32>
        %add3A_283 = arith.constant 3 : i32
        %add3A_284 = arith.addi %mul3A_118, %add3A_283 : i32
        %get3A_285 = arith.index_cast %add3A_284 : i32 to index
        %get3A_286 = arith.constant 96 : index
        %get3A_287 = tpu.vector_load %arg9[%get3A_285, %get3A_286] {strides = array<i32>} : memref<128x128xbf16, #tpu.memory_space<vmem>>, vector<1x32xbf16>,
        %get3A_288 = vector.shape_cast %get3A_287 : vector<1x32xbf16> to vector<32xbf16>
        %convert_element_type3A_289 = arith.extf %get3A_288 : vector<32xbf16> to vector<32xf32>
        %mul3A_290 = vector.broadcast %squeeze3A_253 : f32 to vector<32xf32>
        %mul3A_291 = arith.mulf %mul3A_290, %convert_element_type3A_282 : vector<32xf32>
        %add3A_292 = arith.addf %add3A_251, %mul3A_291 : vector<32xf32>
        %mul3A_293 = vector.broadcast %squeeze3A_255 : f32 to vector<32xf32>
        %mul3A_294 = arith.mulf %mul3A_293, %convert_element_type3A_289 : vector<32xf32>
        %add3A_295 = arith.addf %add3A_292, %mul3A_294 : vector<32xf32>
        %slice3A_296 = vector.extract_strided_slice %get3A_104 {offsets = [4], sizes = [1], strides = [1]} : vector<16xf32> to vector<1xf32>
        %squeeze3A_297 = vector.extract %slice3A_296[0] : f32 from vector<1xf32>
        %slice3A_298 = vector.extract_strided_slice %get3A_112 {offsets = [4], sizes = [1], strides = [1]} : vector<16xf32> to vector<1xf32>
        %squeeze3A_299 = vector.extract %slice3A_298[0] : f32 from vector<1xf32>
        %add3A_300 = arith.constant 4 : i32
        %add3A_301 = arith.addi %mul3A_118, %add3A_300 : i32
        %get3A_302 = arith.index_cast %add3A_301 : i32 to index
        %get3A_303 = arith.constant 0 : index
        %get3A_304 = tpu.vector_load %arg9[%get3A_302, %get3A_303] {strides = array<i32>} : memref<128x128xbf16, #tpu.memory_space<vmem>>, vector<1x32xbf16>,
        %get3A_305 = vector.shape_cast %get3A_304 : vector<1x32xbf16> to vector<32xbf16>
        %convert_element_type3A_306 = arith.extf %get3A_305 : vector<32xbf16> to vector<32xf32>
        %add3A_307 = arith.constant 4 : i32
        %add3A_308 = arith.addi %mul3A_118, %add3A_307 : i32
        %get3A_309 = arith.index_cast %add3A_308 : i32 to index
        %get3A_310 = arith.constant 64 : index
        %get3A_311 = tpu.vector_load %arg9[%get3A_309, %get3A_310] {strides = array<i32>} : memref<128x128xbf16, #tpu.memory_space<vmem>>, vector<1x32xbf16>,
        %get3A_312 = vector.shape_cast %get3A_311 : vector<1x32xbf16> to vector<32xbf16>
        %convert_element_type3A_313 = arith.extf %get3A_312 : vector<32xbf16> to vector<32xf32>
        %mul3A_314 = vector.broadcast %squeeze3A_297 : f32 to vector<32xf32>
        %mul3A_315 = arith.mulf %mul3A_314, %convert_element_type3A_306 : vector<32xf32>
        %add3A_316 = arith.addf %add3A_275, %mul3A_315 : vector<32xf32>
        %mul3A_317 = vector.broadcast %squeeze3A_299 : f32 to vector<32xf32>
        %mul3A_318 = arith.mulf %mul3A_317, %convert_element_type3A_313 : vector<32xf32>
        %add3A_319 = arith.addf %add3A_316, %mul3A_318 : vector<32xf32>
        %add3A_320 = arith.constant 4 : i32
        %add3A_321 = arith.addi %mul3A_118, %add3A_320 : i32
        %get3A_322 = arith.index_cast %add3A_321 : i32 to index
        %get3A_323 = arith.constant 32 : index
        %get3A_324 = tpu.vector_load %arg9[%get3A_322, %get3A_323] {strides = array<i32>} : memref<128x128xbf16, #tpu.memory_space<vmem>>, vector<1x32xbf16>,
        %get3A_325 = vector.shape_cast %get3A_324 : vector<1x32xbf16> to vector<32xbf16>
        %convert_element_type3A_326 = arith.extf %get3A_325 : vector<32xbf16> to vector<32xf32>
        %add3A_327 = arith.constant 4 : i32
        %add3A_328 = arith.addi %mul3A_118, %add3A_327 : i32
        %get3A_329 = arith.index_cast %add3A_328 : i32 to index
        %get3A_330 = arith.constant 96 : index
        %get3A_331 = tpu.vector_load %arg9[%get3A_329, %get3A_330] {strides = array<i32>} : memref<128x128xbf16, #tpu.memory_space<vmem>>, vector<1x32xbf16>,
        %get3A_332 = vector.shape_cast %get3A_331 : vector<1x32xbf16> to vector<32xbf16>
        %convert_element_type3A_333 = arith.extf %get3A_332 : vector<32xbf16> to vector<32xf32>
        %mul3A_334 = vector.broadcast %squeeze3A_297 : f32 to vector<32xf32>
        %mul3A_335 = arith.mulf %mul3A_334, %convert_element_type3A_326 : vector<32xf32>
        %add3A_336 = arith.addf %add3A_295, %mul3A_335 : vector<32xf32>
        %mul3A_337 = vector.broadcast %squeeze3A_299 : f32 to vector<32xf32>
        %mul3A_338 = arith.mulf %mul3A_337, %convert_element_type3A_333 : vector<32xf32>
        %add3A_339 = arith.addf %add3A_336, %mul3A_338 : vector<32xf32>
        %slice3A_340 = vector.extract_strided_slice %get3A_104 {offsets = [5], sizes = [1], strides = [1]} : vector<16xf32> to vector<1xf32>
        %squeeze3A_341 = vector.extract %slice3A_340[0] : f32 from vector<1xf32>
        %slice3A_342 = vector.extract_strided_slice %get3A_112 {offsets = [5], sizes = [1], strides = [1]} : vector<16xf32> to vector<1xf32>
        %squeeze3A_343 = vector.extract %slice3A_342[0] : f32 from vector<1xf32>
        %add3A_344 = arith.constant 5 : i32
        %add3A_345 = arith.addi %mul3A_118, %add3A_344 : i32
        %get3A_346 = arith.index_cast %add3A_345 : i32 to index
        %get3A_347 = arith.constant 0 : index
        %get3A_348 = tpu.vector_load %arg9[%get3A_346, %get3A_347] {strides = array<i32>} : memref<128x128xbf16, #tpu.memory_space<vmem>>, vector<1x32xbf16>,
        %get3A_349 = vector.shape_cast %get3A_348 : vector<1x32xbf16> to vector<32xbf16>
        %convert_element_type3A_350 = arith.extf %get3A_349 : vector<32xbf16> to vector<32xf32>
        %add3A_351 = arith.constant 5 : i32
        %add3A_352 = arith.addi %mul3A_118, %add3A_351 : i32
        %get3A_353 = arith.index_cast %add3A_352 : i32 to index
        %get3A_354 = arith.constant 64 : index
        %get3A_355 = tpu.vector_load %arg9[%get3A_353, %get3A_354] {strides = array<i32>} : memref<128x128xbf16, #tpu.memory_space<vmem>>, vector<1x32xbf16>,
        %get3A_356 = vector.shape_cast %get3A_355 : vector<1x32xbf16> to vector<32xbf16>
        %convert_element_type3A_357 = arith.extf %get3A_356 : vector<32xbf16> to vector<32xf32>
        %mul3A_358 = vector.broadcast %squeeze3A_341 : f32 to vector<32xf32>
        %mul3A_359 = arith.mulf %mul3A_358, %convert_element_type3A_350 : vector<32xf32>
        %add3A_360 = arith.addf %add3A_319, %mul3A_359 : vector<32xf32>
        %mul3A_361 = vector.broadcast %squeeze3A_343 : f32 to vector<32xf32>
        %mul3A_362 = arith.mulf %mul3A_361, %convert_element_type3A_357 : vector<32xf32>
        %add3A_363 = arith.addf %add3A_360, %mul3A_362 : vector<32xf32>
        %add3A_364 = arith.constant 5 : i32
        %add3A_365 = arith.addi %mul3A_118, %add3A_364 : i32
        %get3A_366 = arith.index_cast %add3A_365 : i32 to index
        %get3A_367 = arith.constant 32 : index
        %get3A_368 = tpu.vector_load %arg9[%get3A_366, %get3A_367] {strides = array<i32>} : memref<128x128xbf16, #tpu.memory_space<vmem>>, vector<1x32xbf16>,
        %get3A_369 = vector.shape_cast %get3A_368 : vector<1x32xbf16> to vector<32xbf16>
        %convert_element_type3A_370 = arith.extf %get3A_369 : vector<32xbf16> to vector<32xf32>
        %add3A_371 = arith.constant 5 : i32
        %add3A_372 = arith.addi %mul3A_118, %add3A_371 : i32
        %get3A_373 = arith.index_cast %add3A_372 : i32 to index
        %get3A_374 = arith.constant 96 : index
        %get3A_375 = tpu.vector_load %arg9[%get3A_373, %get3A_374] {strides = array<i32>} : memref<128x128xbf16, #tpu.memory_space<vmem>>, vector<1x32xbf16>,
        %get3A_376 = vector.shape_cast %get3A_375 : vector<1x32xbf16> to vector<32xbf16>
        %convert_element_type3A_377 = arith.extf %get3A_376 : vector<32xbf16> to vector<32xf32>
        %mul3A_378 = vector.broadcast %squeeze3A_341 : f32 to vector<32xf32>
        %mul3A_379 = arith.mulf %mul3A_378, %convert_element_type3A_370 : vector<32xf32>
        %add3A_380 = arith.addf %add3A_339, %mul3A_379 : vector<32xf32>
        %mul3A_381 = vector.broadcast %squeeze3A_343 : f32 to vector<32xf32>
        %mul3A_382 = arith.mulf %mul3A_381, %convert_element_type3A_377 : vector<32xf32>
        %add3A_383 = arith.addf %add3A_380, %mul3A_382 : vector<32xf32>
        %slice3A_384 = vector.extract_strided_slice %get3A_104 {offsets = [6], sizes = [1], strides = [1]} : vector<16xf32> to vector<1xf32>
        %squeeze3A_385 = vector.extract %slice3A_384[0] : f32 from vector<1xf32>
        %slice3A_386 = vector.extract_strided_slice %get3A_112 {offsets = [6], sizes = [1], strides = [1]} : vector<16xf32> to vector<1xf32>
        %squeeze3A_387 = vector.extract %slice3A_386[0] : f32 from vector<1xf32>
        %add3A_388 = arith.constant 6 : i32
        %add3A_389 = arith.addi %mul3A_118, %add3A_388 : i32
        %get3A_390 = arith.index_cast %add3A_389 : i32 to index
        %get3A_391 = arith.constant 0 : index
        %get3A_392 = tpu.vector_load %arg9[%get3A_390, %get3A_391] {strides = array<i32>} : memref<128x128xbf16, #tpu.memory_space<vmem>>, vector<1x32xbf16>,
        %get3A_393 = vector.shape_cast %get3A_392 : vector<1x32xbf16> to vector<32xbf16>
        %convert_element_type3A_394 = arith.extf %get3A_393 : vector<32xbf16> to vector<32xf32>
        %add3A_395 = arith.constant 6 : i32
        %add3A_396 = arith.addi %mul3A_118, %add3A_395 : i32
        %get3A_397 = arith.index_cast %add3A_396 : i32 to index
        %get3A_398 = arith.constant 64 : index
        %get3A_399 = tpu.vector_load %arg9[%get3A_397, %get3A_398] {strides = array<i32>} : memref<128x128xbf16, #tpu.memory_space<vmem>>, vector<1x32xbf16>,
        %get3A_400 = vector.shape_cast %get3A_399 : vector<1x32xbf16> to vector<32xbf16>
        %convert_element_type3A_401 = arith.extf %get3A_400 : vector<32xbf16> to vector<32xf32>
        %mul3A_402 = vector.broadcast %squeeze3A_385 : f32 to vector<32xf32>
        %mul3A_403 = arith.mulf %mul3A_402, %convert_element_type3A_394 : vector<32xf32>
        %add3A_404 = arith.addf %add3A_363, %mul3A_403 : vector<32xf32>
        %mul3A_405 = vector.broadcast %squeeze3A_387 : f32 to vector<32xf32>
        %mul3A_406 = arith.mulf %mul3A_405, %convert_element_type3A_401 : vector<32xf32>
        %add3A_407 = arith.addf %add3A_404, %mul3A_406 : vector<32xf32>
        %add3A_408 = arith.constant 6 : i32
        %add3A_409 = arith.addi %mul3A_118, %add3A_408 : i32
        %get3A_410 = arith.index_cast %add3A_409 : i32 to index
        %get3A_411 = arith.constant 32 : index
        %get3A_412 = tpu.vector_load %arg9[%get3A_410, %get3A_411] {strides = array<i32>} : memref<128x128xbf16, #tpu.memory_space<vmem>>, vector<1x32xbf16>,
        %get3A_413 = vector.shape_cast %get3A_412 : vector<1x32xbf16> to vector<32xbf16>
        %convert_element_type3A_414 = arith.extf %get3A_413 : vector<32xbf16> to vector<32xf32>
        %add3A_415 = arith.constant 6 : i32
        %add3A_416 = arith.addi %mul3A_118, %add3A_415 : i32
        %get3A_417 = arith.index_cast %add3A_416 : i32 to index
        %get3A_418 = arith.constant 96 : index
        %get3A_419 = tpu.vector_load %arg9[%get3A_417, %get3A_418] {strides = array<i32>} : memref<128x128xbf16, #tpu.memory_space<vmem>>, vector<1x32xbf16>,
        %get3A_420 = vector.shape_cast %get3A_419 : vector<1x32xbf16> to vector<32xbf16>
        %convert_element_type3A_421 = arith.extf %get3A_420 : vector<32xbf16> to vector<32xf32>
        %mul3A_422 = vector.broadcast %squeeze3A_385 : f32 to vector<32xf32>
        %mul3A_423 = arith.mulf %mul3A_422, %convert_element_type3A_414 : vector<32xf32>
        %add3A_424 = arith.addf %add3A_383, %mul3A_423 : vector<32xf32>
        %mul3A_425 = vector.broadcast %squeeze3A_387 : f32 to vector<32xf32>
        %mul3A_426 = arith.mulf %mul3A_425, %convert_element_type3A_421 : vector<32xf32>
        %add3A_427 = arith.addf %add3A_424, %mul3A_426 : vector<32xf32>
        %slice3A_428 = vector.extract_strided_slice %get3A_104 {offsets = [7], sizes = [1], strides = [1]} : vector<16xf32> to vector<1xf32>
        %squeeze3A_429 = vector.extract %slice3A_428[0] : f32 from vector<1xf32>
        %slice3A_430 = vector.extract_strided_slice %get3A_112 {offsets = [7], sizes = [1], strides = [1]} : vector<16xf32> to vector<1xf32>
        %squeeze3A_431 = vector.extract %slice3A_430[0] : f32 from vector<1xf32>
        %add3A_432 = arith.constant 7 : i32
        %add3A_433 = arith.addi %mul3A_118, %add3A_432 : i32
        %get3A_434 = arith.index_cast %add3A_433 : i32 to index
        %get3A_435 = arith.constant 0 : index
        %get3A_436 = tpu.vector_load %arg9[%get3A_434, %get3A_435] {strides = array<i32>} : memref<128x128xbf16, #tpu.memory_space<vmem>>, vector<1x32xbf16>,
        %get3A_437 = vector.shape_cast %get3A_436 : vector<1x32xbf16> to vector<32xbf16>
        %convert_element_type3A_438 = arith.extf %get3A_437 : vector<32xbf16> to vector<32xf32>
        %add3A_439 = arith.constant 7 : i32
        %add3A_440 = arith.addi %mul3A_118, %add3A_439 : i32
        %get3A_441 = arith.index_cast %add3A_440 : i32 to index
        %get3A_442 = arith.constant 64 : index
        %get3A_443 = tpu.vector_load %arg9[%get3A_441, %get3A_442] {strides = array<i32>} : memref<128x128xbf16, #tpu.memory_space<vmem>>, vector<1x32xbf16>,
        %get3A_444 = vector.shape_cast %get3A_443 : vector<1x32xbf16> to vector<32xbf16>
        %convert_element_type3A_445 = arith.extf %get3A_444 : vector<32xbf16> to vector<32xf32>
        %mul3A_446 = vector.broadcast %squeeze3A_429 : f32 to vector<32xf32>
        %mul3A_447 = arith.mulf %mul3A_446, %convert_element_type3A_438 : vector<32xf32>
        %add3A_448 = arith.addf %add3A_407, %mul3A_447 : vector<32xf32>
        %mul3A_449 = vector.broadcast %squeeze3A_431 : f32 to vector<32xf32>
        %mul3A_450 = arith.mulf %mul3A_449, %convert_element_type3A_445 : vector<32xf32>
        %add3A_451 = arith.addf %add3A_448, %mul3A_450 : vector<32xf32>
        %add3A_452 = arith.constant 7 : i32
        %add3A_453 = arith.addi %mul3A_118, %add3A_452 : i32
        %get3A_454 = arith.index_cast %add3A_453 : i32 to index
        %get3A_455 = arith.constant 32 : index
        %get3A_456 = tpu.vector_load %arg9[%get3A_454, %get3A_455] {strides = array<i32>} : memref<128x128xbf16, #tpu.memory_space<vmem>>, vector<1x32xbf16>,
        %get3A_457 = vector.shape_cast %get3A_456 : vector<1x32xbf16> to vector<32xbf16>
        %convert_element_type3A_458 = arith.extf %get3A_457 : vector<32xbf16> to vector<32xf32>
        %add3A_459 = arith.constant 7 : i32
        %add3A_460 = arith.addi %mul3A_118, %add3A_459 : i32
        %get3A_461 = arith.index_cast %add3A_460 : i32 to index
        %get3A_462 = arith.constant 96 : index
        %get3A_463 = tpu.vector_load %arg9[%get3A_461, %get3A_462] {strides = array<i32>} : memref<128x128xbf16, #tpu.memory_space<vmem>>, vector<1x32xbf16>,
        %get3A_464 = vector.shape_cast %get3A_463 : vector<1x32xbf16> to vector<32xbf16>
        %convert_element_type3A_465 = arith.extf %get3A_464 : vector<32xbf16> to vector<32xf32>
        %mul3A_466 = vector.broadcast %squeeze3A_429 : f32 to vector<32xf32>
        %mul3A_467 = arith.mulf %mul3A_466, %convert_element_type3A_458 : vector<32xf32>
        %add3A_468 = arith.addf %add3A_427, %mul3A_467 : vector<32xf32>
        %mul3A_469 = vector.broadcast %squeeze3A_431 : f32 to vector<32xf32>
        %mul3A_470 = arith.mulf %mul3A_469, %convert_element_type3A_465 : vector<32xf32>
        %add3A_471 = arith.addf %add3A_468, %mul3A_470 : vector<32xf32>
        %slice3A_472 = vector.extract_strided_slice %add3A_451 {offsets = [0], sizes = [16], strides = [1]} : vector<32xf32> to vector<16xf32>
        %swap3A = arith.index_cast %scan3A_99 : i32 to index
        %swap3A_473 = arith.constant 0 : index
        %swap3A_474 = tpu.vector_load %arg11[%swap3A, %swap3A_473] {strides = array<i32>} : memref<8x128xf32, #tpu.memory_space<vmem>>, vector<1x16xf32>,
        %swap3A_475 = vector.shape_cast %swap3A_474 : vector<1x16xf32> to vector<16xf32>
        %swap3A_476 = vector.shape_cast %slice3A_472 : vector<16xf32> to vector<1x16xf32>
        tpu.vector_store %arg11[%swap3A, %swap3A_473], %swap3A_476 {strides = array<i32>} : memref<8x128xf32, #tpu.memory_space<vmem>>, vector<1x16xf32>,
        %slice3A_477 = vector.extract_strided_slice %add3A_451 {offsets = [16], sizes = [16], strides = [1]} : vector<32xf32> to vector<16xf32>
        %swap3A_478 = arith.index_cast %scan3A_99 : i32 to index
        %swap3A_479 = arith.constant 16 : index
        %swap3A_480 = tpu.vector_load %arg11[%swap3A_478, %swap3A_479] {strides = array<i32>} : memref<8x128xf32, #tpu.memory_space<vmem>>, vector<1x16xf32>,
        %swap3A_481 = vector.shape_cast %swap3A_480 : vector<1x16xf32> to vector<16xf32>
        %swap3A_482 = vector.shape_cast %slice3A_477 : vector<16xf32> to vector<1x16xf32>
        tpu.vector_store %arg11[%swap3A_478, %swap3A_479], %swap3A_482 {strides = array<i32>} : memref<8x128xf32, #tpu.memory_space<vmem>>, vector<1x16xf32>,
        %slice3A_483 = vector.extract_strided_slice %add3A_471 {offsets = [0], sizes = [16], strides = [1]} : vector<32xf32> to vector<16xf32>
        %swap3A_484 = arith.index_cast %scan3A_99 : i32 to index
        %swap3A_485 = arith.constant 32 : index
        %swap3A_486 = tpu.vector_load %arg11[%swap3A_484, %swap3A_485] {strides = array<i32>} : memref<8x128xf32, #tpu.memory_space<vmem>>, vector<1x16xf32>,
        %swap3A_487 = vector.shape_cast %swap3A_486 : vector<1x16xf32> to vector<16xf32>
        %swap3A_488 = vector.shape_cast %slice3A_483 : vector<16xf32> to vector<1x16xf32>
        tpu.vector_store %arg11[%swap3A_484, %swap3A_485], %swap3A_488 {strides = array<i32>} : memref<8x128xf32, #tpu.memory_space<vmem>>, vector<1x16xf32>,
        %slice3A_489 = vector.extract_strided_slice %add3A_471 {offsets = [16], sizes = [16], strides = [1]} : vector<32xf32> to vector<16xf32>
        %swap3A_490 = arith.index_cast %scan3A_99 : i32 to index
        %swap3A_491 = arith.constant 48 : index
        %swap3A_492 = tpu.vector_load %arg11[%swap3A_490, %swap3A_491] {strides = array<i32>} : memref<8x128xf32, #tpu.memory_space<vmem>>, vector<1x16xf32>,
        %swap3A_493 = vector.shape_cast %swap3A_492 : vector<1x16xf32> to vector<16xf32>
        %swap3A_494 = vector.shape_cast %slice3A_489 : vector<16xf32> to vector<1x16xf32>
        tpu.vector_store %arg11[%swap3A_490, %swap3A_491], %swap3A_494 {strides = array<i32>} : memref<8x128xf32, #tpu.memory_space<vmem>>, vector<1x16xf32>,
        %mul3A_495 = arith.constant 2 : i32
        %mul3A_496 = arith.muli %scan3A_99, %mul3A_495 : i32
        %add3A_497 = arith.constant 1 : i32
        %add3A_498 = arith.addi %mul3A_496, %add3A_497 : i32
        %mul3A_499 = arith.constant 8 : i32
        %mul3A_500 = arith.muli %add3A_498, %mul3A_499 : i32
        %broadcast_in_dim3A_501 = arith.constant 0.000000e+00 : f32
        %broadcast_in_dim3A_502 = vector.broadcast %broadcast_in_dim3A_501 : f32 to vector<32xf32>
        %broadcast_in_dim3A_503 = arith.constant 0.000000e+00 : f32
        %broadcast_in_dim3A_504 = vector.broadcast %broadcast_in_dim3A_503 : f32 to vector<32xf32>
        %slice3A_505 = vector.extract_strided_slice %get3A_104 {offsets = [8], sizes = [1], strides = [1]} : vector<16xf32> to vector<1xf32>
        %squeeze3A_506 = vector.extract %slice3A_505[0] : f32 from vector<1xf32>
        %slice3A_507 = vector.extract_strided_slice %get3A_112 {offsets = [8], sizes = [1], strides = [1]} : vector<16xf32> to vector<1xf32>
        %squeeze3A_508 = vector.extract %slice3A_507[0] : f32 from vector<1xf32>
        %add3A_509 = arith.constant 0 : i32
        %add3A_510 = arith.addi %mul3A_500, %add3A_509 : i32
        %get3A_511 = arith.index_cast %add3A_510 : i32 to index
        %get3A_512 = arith.constant 0 : index
        %get3A_513 = tpu.vector_load %arg9[%get3A_511, %get3A_512] {strides = array<i32>} : memref<128x128xbf16, #tpu.memory_space<vmem>>, vector<1x32xbf16>,
        %get3A_514 = vector.shape_cast %get3A_513 : vector<1x32xbf16> to vector<32xbf16>
        %convert_element_type3A_515 = arith.extf %get3A_514 : vector<32xbf16> to vector<32xf32>
        %add3A_516 = arith.constant 0 : i32
        %add3A_517 = arith.addi %mul3A_500, %add3A_516 : i32
        %get3A_518 = arith.index_cast %add3A_517 : i32 to index
        %get3A_519 = arith.constant 64 : index
        %get3A_520 = tpu.vector_load %arg9[%get3A_518, %get3A_519] {strides = array<i32>} : memref<128x128xbf16, #tpu.memory_space<vmem>>, vector<1x32xbf16>,
        %get3A_521 = vector.shape_cast %get3A_520 : vector<1x32xbf16> to vector<32xbf16>
        %convert_element_type3A_522 = arith.extf %get3A_521 : vector<32xbf16> to vector<32xf32>
        %mul3A_523 = vector.broadcast %squeeze3A_506 : f32 to vector<32xf32>
        %mul3A_524 = arith.mulf %mul3A_523, %convert_element_type3A_515 : vector<32xf32>
        %add3A_525 = arith.addf %broadcast_in_dim3A_502, %mul3A_524 : vector<32xf32>
        %mul3A_526 = vector.broadcast %squeeze3A_508 : f32 to vector<32xf32>
        %mul3A_527 = arith.mulf %mul3A_526, %convert_element_type3A_522 : vector<32xf32>
        %add3A_528 = arith.addf %add3A_525, %mul3A_527 : vector<32xf32>
        %add3A_529 = arith.constant 0 : i32
        %add3A_530 = arith.addi %mul3A_500, %add3A_529 : i32
        %get3A_531 = arith.index_cast %add3A_530 : i32 to index
        %get3A_532 = arith.constant 32 : index
        %get3A_533 = tpu.vector_load %arg9[%get3A_531, %get3A_532] {strides = array<i32>} : memref<128x128xbf16, #tpu.memory_space<vmem>>, vector<1x32xbf16>,
        %get3A_534 = vector.shape_cast %get3A_533 : vector<1x32xbf16> to vector<32xbf16>
        %convert_element_type3A_535 = arith.extf %get3A_534 : vector<32xbf16> to vector<32xf32>
        %add3A_536 = arith.constant 0 : i32
        %add3A_537 = arith.addi %mul3A_500, %add3A_536 : i32
        %get3A_538 = arith.index_cast %add3A_537 : i32 to index
        %get3A_539 = arith.constant 96 : index
        %get3A_540 = tpu.vector_load %arg9[%get3A_538, %get3A_539] {strides = array<i32>} : memref<128x128xbf16, #tpu.memory_space<vmem>>, vector<1x32xbf16>,
        %get3A_541 = vector.shape_cast %get3A_540 : vector<1x32xbf16> to vector<32xbf16>
        %convert_element_type3A_542 = arith.extf %get3A_541 : vector<32xbf16> to vector<32xf32>
        %mul3A_543 = vector.broadcast %squeeze3A_506 : f32 to vector<32xf32>
        %mul3A_544 = arith.mulf %mul3A_543, %convert_element_type3A_535 : vector<32xf32>
        %add3A_545 = arith.addf %broadcast_in_dim3A_504, %mul3A_544 : vector<32xf32>
        %mul3A_546 = vector.broadcast %squeeze3A_508 : f32 to vector<32xf32>
        %mul3A_547 = arith.mulf %mul3A_546, %convert_element_type3A_542 : vector<32xf32>
        %add3A_548 = arith.addf %add3A_545, %mul3A_547 : vector<32xf32>
        %slice3A_549 = vector.extract_strided_slice %get3A_104 {offsets = [9], sizes = [1], strides = [1]} : vector<16xf32> to vector<1xf32>
        %squeeze3A_550 = vector.extract %slice3A_549[0] : f32 from vector<1xf32>
        %slice3A_551 = vector.extract_strided_slice %get3A_112 {offsets = [9], sizes = [1], strides = [1]} : vector<16xf32> to vector<1xf32>
        %squeeze3A_552 = vector.extract %slice3A_551[0] : f32 from vector<1xf32>
        %add3A_553 = arith.constant 1 : i32
        %add3A_554 = arith.addi %mul3A_500, %add3A_553 : i32
        %get3A_555 = arith.index_cast %add3A_554 : i32 to index
        %get3A_556 = arith.constant 0 : index
        %get3A_557 = tpu.vector_load %arg9[%get3A_555, %get3A_556] {strides = array<i32>} : memref<128x128xbf16, #tpu.memory_space<vmem>>, vector<1x32xbf16>,
        %get3A_558 = vector.shape_cast %get3A_557 : vector<1x32xbf16> to vector<32xbf16>
        %convert_element_type3A_559 = arith.extf %get3A_558 : vector<32xbf16> to vector<32xf32>
        %add3A_560 = arith.constant 1 : i32
        %add3A_561 = arith.addi %mul3A_500, %add3A_560 : i32
        %get3A_562 = arith.index_cast %add3A_561 : i32 to index
        %get3A_563 = arith.constant 64 : index
        %get3A_564 = tpu.vector_load %arg9[%get3A_562, %get3A_563] {strides = array<i32>} : memref<128x128xbf16, #tpu.memory_space<vmem>>, vector<1x32xbf16>,
        %get3A_565 = vector.shape_cast %get3A_564 : vector<1x32xbf16> to vector<32xbf16>
        %convert_element_type3A_566 = arith.extf %get3A_565 : vector<32xbf16> to vector<32xf32>
        %mul3A_567 = vector.broadcast %squeeze3A_550 : f32 to vector<32xf32>
        %mul3A_568 = arith.mulf %mul3A_567, %convert_element_type3A_559 : vector<32xf32>
        %add3A_569 = arith.addf %add3A_528, %mul3A_568 : vector<32xf32>
        %mul3A_570 = vector.broadcast %squeeze3A_552 : f32 to vector<32xf32>
        %mul3A_571 = arith.mulf %mul3A_570, %convert_element_type3A_566 : vector<32xf32>
        %add3A_572 = arith.addf %add3A_569, %mul3A_571 : vector<32xf32>
        %add3A_573 = arith.constant 1 : i32
        %add3A_574 = arith.addi %mul3A_500, %add3A_573 : i32
        %get3A_575 = arith.index_cast %add3A_574 : i32 to index
        %get3A_576 = arith.constant 32 : index
        %get3A_577 = tpu.vector_load %arg9[%get3A_575, %get3A_576] {strides = array<i32>} : memref<128x128xbf16, #tpu.memory_space<vmem>>, vector<1x32xbf16>,
        %get3A_578 = vector.shape_cast %get3A_577 : vector<1x32xbf16> to vector<32xbf16>
        %convert_element_type3A_579 = arith.extf %get3A_578 : vector<32xbf16> to vector<32xf32>
        %add3A_580 = arith.constant 1 : i32
        %add3A_581 = arith.addi %mul3A_500, %add3A_580 : i32
        %get3A_582 = arith.index_cast %add3A_581 : i32 to index
        %get3A_583 = arith.constant 96 : index
        %get3A_584 = tpu.vector_load %arg9[%get3A_582, %get3A_583] {strides = array<i32>} : memref<128x128xbf16, #tpu.memory_space<vmem>>, vector<1x32xbf16>,
        %get3A_585 = vector.shape_cast %get3A_584 : vector<1x32xbf16> to vector<32xbf16>
        %convert_element_type3A_586 = arith.extf %get3A_585 : vector<32xbf16> to vector<32xf32>
        %mul3A_587 = vector.broadcast %squeeze3A_550 : f32 to vector<32xf32>
        %mul3A_588 = arith.mulf %mul3A_587, %convert_element_type3A_579 : vector<32xf32>
        %add3A_589 = arith.addf %add3A_548, %mul3A_588 : vector<32xf32>
        %mul3A_590 = vector.broadcast %squeeze3A_552 : f32 to vector<32xf32>
        %mul3A_591 = arith.mulf %mul3A_590, %convert_element_type3A_586 : vector<32xf32>
        %add3A_592 = arith.addf %add3A_589, %mul3A_591 : vector<32xf32>
        %slice3A_593 = vector.extract_strided_slice %get3A_104 {offsets = [10], sizes = [1], strides = [1]} : vector<16xf32> to vector<1xf32>
        %squeeze3A_594 = vector.extract %slice3A_593[0] : f32 from vector<1xf32>
        %slice3A_595 = vector.extract_strided_slice %get3A_112 {offsets = [10], sizes = [1], strides = [1]} : vector<16xf32> to vector<1xf32>
        %squeeze3A_596 = vector.extract %slice3A_595[0] : f32 from vector<1xf32>
        %add3A_597 = arith.constant 2 : i32
        %add3A_598 = arith.addi %mul3A_500, %add3A_597 : i32
        %get3A_599 = arith.index_cast %add3A_598 : i32 to index
        %get3A_600 = arith.constant 0 : index
        %get3A_601 = tpu.vector_load %arg9[%get3A_599, %get3A_600] {strides = array<i32>} : memref<128x128xbf16, #tpu.memory_space<vmem>>, vector<1x32xbf16>,
        %get3A_602 = vector.shape_cast %get3A_601 : vector<1x32xbf16> to vector<32xbf16>
        %convert_element_type3A_603 = arith.extf %get3A_602 : vector<32xbf16> to vector<32xf32>
        %add3A_604 = arith.constant 2 : i32
        %add3A_605 = arith.addi %mul3A_500, %add3A_604 : i32
        %get3A_606 = arith.index_cast %add3A_605 : i32 to index
        %get3A_607 = arith.constant 64 : index
        %get3A_608 = tpu.vector_load %arg9[%get3A_606, %get3A_607] {strides = array<i32>} : memref<128x128xbf16, #tpu.memory_space<vmem>>, vector<1x32xbf16>,
        %get3A_609 = vector.shape_cast %get3A_608 : vector<1x32xbf16> to vector<32xbf16>
        %convert_element_type3A_610 = arith.extf %get3A_609 : vector<32xbf16> to vector<32xf32>
        %mul3A_611 = vector.broadcast %squeeze3A_594 : f32 to vector<32xf32>
        %mul3A_612 = arith.mulf %mul3A_611, %convert_element_type3A_603 : vector<32xf32>
        %add3A_613 = arith.addf %add3A_572, %mul3A_612 : vector<32xf32>
        %mul3A_614 = vector.broadcast %squeeze3A_596 : f32 to vector<32xf32>
        %mul3A_615 = arith.mulf %mul3A_614, %convert_element_type3A_610 : vector<32xf32>
        %add3A_616 = arith.addf %add3A_613, %mul3A_615 : vector<32xf32>
        %add3A_617 = arith.constant 2 : i32
        %add3A_618 = arith.addi %mul3A_500, %add3A_617 : i32
        %get3A_619 = arith.index_cast %add3A_618 : i32 to index
        %get3A_620 = arith.constant 32 : index
        %get3A_621 = tpu.vector_load %arg9[%get3A_619, %get3A_620] {strides = array<i32>} : memref<128x128xbf16, #tpu.memory_space<vmem>>, vector<1x32xbf16>,
        %get3A_622 = vector.shape_cast %get3A_621 : vector<1x32xbf16> to vector<32xbf16>
        %convert_element_type3A_623 = arith.extf %get3A_622 : vector<32xbf16> to vector<32xf32>
        %add3A_624 = arith.constant 2 : i32
        %add3A_625 = arith.addi %mul3A_500, %add3A_624 : i32
        %get3A_626 = arith.index_cast %add3A_625 : i32 to index
        %get3A_627 = arith.constant 96 : index
        %get3A_628 = tpu.vector_load %arg9[%get3A_626, %get3A_627] {strides = array<i32>} : memref<128x128xbf16, #tpu.memory_space<vmem>>, vector<1x32xbf16>,
        %get3A_629 = vector.shape_cast %get3A_628 : vector<1x32xbf16> to vector<32xbf16>
        %convert_element_type3A_630 = arith.extf %get3A_629 : vector<32xbf16> to vector<32xf32>
        %mul3A_631 = vector.broadcast %squeeze3A_594 : f32 to vector<32xf32>
        %mul3A_632 = arith.mulf %mul3A_631, %convert_element_type3A_623 : vector<32xf32>
        %add3A_633 = arith.addf %add3A_592, %mul3A_632 : vector<32xf32>
        %mul3A_634 = vector.broadcast %squeeze3A_596 : f32 to vector<32xf32>
        %mul3A_635 = arith.mulf %mul3A_634, %convert_element_type3A_630 : vector<32xf32>
        %add3A_636 = arith.addf %add3A_633, %mul3A_635 : vector<32xf32>
        %slice3A_637 = vector.extract_strided_slice %get3A_104 {offsets = [11], sizes = [1], strides = [1]} : vector<16xf32> to vector<1xf32>
        %squeeze3A_638 = vector.extract %slice3A_637[0] : f32 from vector<1xf32>
        %slice3A_639 = vector.extract_strided_slice %get3A_112 {offsets = [11], sizes = [1], strides = [1]} : vector<16xf32> to vector<1xf32>
        %squeeze3A_640 = vector.extract %slice3A_639[0] : f32 from vector<1xf32>
        %add3A_641 = arith.constant 3 : i32
        %add3A_642 = arith.addi %mul3A_500, %add3A_641 : i32
        %get3A_643 = arith.index_cast %add3A_642 : i32 to index
        %get3A_644 = arith.constant 0 : index
        %get3A_645 = tpu.vector_load %arg9[%get3A_643, %get3A_644] {strides = array<i32>} : memref<128x128xbf16, #tpu.memory_space<vmem>>, vector<1x32xbf16>,
        %get3A_646 = vector.shape_cast %get3A_645 : vector<1x32xbf16> to vector<32xbf16>
        %convert_element_type3A_647 = arith.extf %get3A_646 : vector<32xbf16> to vector<32xf32>
        %add3A_648 = arith.constant 3 : i32
        %add3A_649 = arith.addi %mul3A_500, %add3A_648 : i32
        %get3A_650 = arith.index_cast %add3A_649 : i32 to index
        %get3A_651 = arith.constant 64 : index
        %get3A_652 = tpu.vector_load %arg9[%get3A_650, %get3A_651] {strides = array<i32>} : memref<128x128xbf16, #tpu.memory_space<vmem>>, vector<1x32xbf16>,
        %get3A_653 = vector.shape_cast %get3A_652 : vector<1x32xbf16> to vector<32xbf16>
        %convert_element_type3A_654 = arith.extf %get3A_653 : vector<32xbf16> to vector<32xf32>
        %mul3A_655 = vector.broadcast %squeeze3A_638 : f32 to vector<32xf32>
        %mul3A_656 = arith.mulf %mul3A_655, %convert_element_type3A_647 : vector<32xf32>
        %add3A_657 = arith.addf %add3A_616, %mul3A_656 : vector<32xf32>
        %mul3A_658 = vector.broadcast %squeeze3A_640 : f32 to vector<32xf32>
        %mul3A_659 = arith.mulf %mul3A_658, %convert_element_type3A_654 : vector<32xf32>
        %add3A_660 = arith.addf %add3A_657, %mul3A_659 : vector<32xf32>
        %add3A_661 = arith.constant 3 : i32
        %add3A_662 = arith.addi %mul3A_500, %add3A_661 : i32
        %get3A_663 = arith.index_cast %add3A_662 : i32 to index
        %get3A_664 = arith.constant 32 : index
        %get3A_665 = tpu.vector_load %arg9[%get3A_663, %get3A_664] {strides = array<i32>} : memref<128x128xbf16, #tpu.memory_space<vmem>>, vector<1x32xbf16>,
        %get3A_666 = vector.shape_cast %get3A_665 : vector<1x32xbf16> to vector<32xbf16>
        %convert_element_type3A_667 = arith.extf %get3A_666 : vector<32xbf16> to vector<32xf32>
        %add3A_668 = arith.constant 3 : i32
        %add3A_669 = arith.addi %mul3A_500, %add3A_668 : i32
        %get3A_670 = arith.index_cast %add3A_669 : i32 to index
        %get3A_671 = arith.constant 96 : index
        %get3A_672 = tpu.vector_load %arg9[%get3A_670, %get3A_671] {strides = array<i32>} : memref<128x128xbf16, #tpu.memory_space<vmem>>, vector<1x32xbf16>,
        %get3A_673 = vector.shape_cast %get3A_672 : vector<1x32xbf16> to vector<32xbf16>
        %convert_element_type3A_674 = arith.extf %get3A_673 : vector<32xbf16> to vector<32xf32>
        %mul3A_675 = vector.broadcast %squeeze3A_638 : f32 to vector<32xf32>
        %mul3A_676 = arith.mulf %mul3A_675, %convert_element_type3A_667 : vector<32xf32>
        %add3A_677 = arith.addf %add3A_636, %mul3A_676 : vector<32xf32>
        %mul3A_678 = vector.broadcast %squeeze3A_640 : f32 to vector<32xf32>
        %mul3A_679 = arith.mulf %mul3A_678, %convert_element_type3A_674 : vector<32xf32>
        %add3A_680 = arith.addf %add3A_677, %mul3A_679 : vector<32xf32>
        %slice3A_681 = vector.extract_strided_slice %get3A_104 {offsets = [12], sizes = [1], strides = [1]} : vector<16xf32> to vector<1xf32>
        %squeeze3A_682 = vector.extract %slice3A_681[0] : f32 from vector<1xf32>
        %slice3A_683 = vector.extract_strided_slice %get3A_112 {offsets = [12], sizes = [1], strides = [1]} : vector<16xf32> to vector<1xf32>
        %squeeze3A_684 = vector.extract %slice3A_683[0] : f32 from vector<1xf32>
        %add3A_685 = arith.constant 4 : i32
        %add3A_686 = arith.addi %mul3A_500, %add3A_685 : i32
        %get3A_687 = arith.index_cast %add3A_686 : i32 to index
        %get3A_688 = arith.constant 0 : index
        %get3A_689 = tpu.vector_load %arg9[%get3A_687, %get3A_688] {strides = array<i32>} : memref<128x128xbf16, #tpu.memory_space<vmem>>, vector<1x32xbf16>,
        %get3A_690 = vector.shape_cast %get3A_689 : vector<1x32xbf16> to vector<32xbf16>
        %convert_element_type3A_691 = arith.extf %get3A_690 : vector<32xbf16> to vector<32xf32>
        %add3A_692 = arith.constant 4 : i32
        %add3A_693 = arith.addi %mul3A_500, %add3A_692 : i32
        %get3A_694 = arith.index_cast %add3A_693 : i32 to index
        %get3A_695 = arith.constant 64 : index
        %get3A_696 = tpu.vector_load %arg9[%get3A_694, %get3A_695] {strides = array<i32>} : memref<128x128xbf16, #tpu.memory_space<vmem>>, vector<1x32xbf16>,
        %get3A_697 = vector.shape_cast %get3A_696 : vector<1x32xbf16> to vector<32xbf16>
        %convert_element_type3A_698 = arith.extf %get3A_697 : vector<32xbf16> to vector<32xf32>
        %mul3A_699 = vector.broadcast %squeeze3A_682 : f32 to vector<32xf32>
        %mul3A_700 = arith.mulf %mul3A_699, %convert_element_type3A_691 : vector<32xf32>
        %add3A_701 = arith.addf %add3A_660, %mul3A_700 : vector<32xf32>
        %mul3A_702 = vector.broadcast %squeeze3A_684 : f32 to vector<32xf32>
        %mul3A_703 = arith.mulf %mul3A_702, %convert_element_type3A_698 : vector<32xf32>
        %add3A_704 = arith.addf %add3A_701, %mul3A_703 : vector<32xf32>
        %add3A_705 = arith.constant 4 : i32
        %add3A_706 = arith.addi %mul3A_500, %add3A_705 : i32
        %get3A_707 = arith.index_cast %add3A_706 : i32 to index
        %get3A_708 = arith.constant 32 : index
        %get3A_709 = tpu.vector_load %arg9[%get3A_707, %get3A_708] {strides = array<i32>} : memref<128x128xbf16, #tpu.memory_space<vmem>>, vector<1x32xbf16>,
        %get3A_710 = vector.shape_cast %get3A_709 : vector<1x32xbf16> to vector<32xbf16>
        %convert_element_type3A_711 = arith.extf %get3A_710 : vector<32xbf16> to vector<32xf32>
        %add3A_712 = arith.constant 4 : i32
        %add3A_713 = arith.addi %mul3A_500, %add3A_712 : i32
        %get3A_714 = arith.index_cast %add3A_713 : i32 to index
        %get3A_715 = arith.constant 96 : index
        %get3A_716 = tpu.vector_load %arg9[%get3A_714, %get3A_715] {strides = array<i32>} : memref<128x128xbf16, #tpu.memory_space<vmem>>, vector<1x32xbf16>,
        %get3A_717 = vector.shape_cast %get3A_716 : vector<1x32xbf16> to vector<32xbf16>
        %convert_element_type3A_718 = arith.extf %get3A_717 : vector<32xbf16> to vector<32xf32>
        %mul3A_719 = vector.broadcast %squeeze3A_682 : f32 to vector<32xf32>
        %mul3A_720 = arith.mulf %mul3A_719, %convert_element_type3A_711 : vector<32xf32>
        %add3A_721 = arith.addf %add3A_680, %mul3A_720 : vector<32xf32>
        %mul3A_722 = vector.broadcast %squeeze3A_684 : f32 to vector<32xf32>
        %mul3A_723 = arith.mulf %mul3A_722, %convert_element_type3A_718 : vector<32xf32>
        %add3A_724 = arith.addf %add3A_721, %mul3A_723 : vector<32xf32>
        %slice3A_725 = vector.extract_strided_slice %get3A_104 {offsets = [13], sizes = [1], strides = [1]} : vector<16xf32> to vector<1xf32>
        %squeeze3A_726 = vector.extract %slice3A_725[0] : f32 from vector<1xf32>
        %slice3A_727 = vector.extract_strided_slice %get3A_112 {offsets = [13], sizes = [1], strides = [1]} : vector<16xf32> to vector<1xf32>
        %squeeze3A_728 = vector.extract %slice3A_727[0] : f32 from vector<1xf32>
        %add3A_729 = arith.constant 5 : i32
        %add3A_730 = arith.addi %mul3A_500, %add3A_729 : i32
        %get3A_731 = arith.index_cast %add3A_730 : i32 to index
        %get3A_732 = arith.constant 0 : index
        %get3A_733 = tpu.vector_load %arg9[%get3A_731, %get3A_732] {strides = array<i32>} : memref<128x128xbf16, #tpu.memory_space<vmem>>, vector<1x32xbf16>,
        %get3A_734 = vector.shape_cast %get3A_733 : vector<1x32xbf16> to vector<32xbf16>
        %convert_element_type3A_735 = arith.extf %get3A_734 : vector<32xbf16> to vector<32xf32>
        %add3A_736 = arith.constant 5 : i32
        %add3A_737 = arith.addi %mul3A_500, %add3A_736 : i32
        %get3A_738 = arith.index_cast %add3A_737 : i32 to index
        %get3A_739 = arith.constant 64 : index
        %get3A_740 = tpu.vector_load %arg9[%get3A_738, %get3A_739] {strides = array<i32>} : memref<128x128xbf16, #tpu.memory_space<vmem>>, vector<1x32xbf16>,
        %get3A_741 = vector.shape_cast %get3A_740 : vector<1x32xbf16> to vector<32xbf16>
        %convert_element_type3A_742 = arith.extf %get3A_741 : vector<32xbf16> to vector<32xf32>
        %mul3A_743 = vector.broadcast %squeeze3A_726 : f32 to vector<32xf32>
        %mul3A_744 = arith.mulf %mul3A_743, %convert_element_type3A_735 : vector<32xf32>
        %add3A_745 = arith.addf %add3A_704, %mul3A_744 : vector<32xf32>
        %mul3A_746 = vector.broadcast %squeeze3A_728 : f32 to vector<32xf32>
        %mul3A_747 = arith.mulf %mul3A_746, %convert_element_type3A_742 : vector<32xf32>
        %add3A_748 = arith.addf %add3A_745, %mul3A_747 : vector<32xf32>
        %add3A_749 = arith.constant 5 : i32
        %add3A_750 = arith.addi %mul3A_500, %add3A_749 : i32
        %get3A_751 = arith.index_cast %add3A_750 : i32 to index
        %get3A_752 = arith.constant 32 : index
        %get3A_753 = tpu.vector_load %arg9[%get3A_751, %get3A_752] {strides = array<i32>} : memref<128x128xbf16, #tpu.memory_space<vmem>>, vector<1x32xbf16>,
        %get3A_754 = vector.shape_cast %get3A_753 : vector<1x32xbf16> to vector<32xbf16>
        %convert_element_type3A_755 = arith.extf %get3A_754 : vector<32xbf16> to vector<32xf32>
        %add3A_756 = arith.constant 5 : i32
        %add3A_757 = arith.addi %mul3A_500, %add3A_756 : i32
        %get3A_758 = arith.index_cast %add3A_757 : i32 to index
        %get3A_759 = arith.constant 96 : index
        %get3A_760 = tpu.vector_load %arg9[%get3A_758, %get3A_759] {strides = array<i32>} : memref<128x128xbf16, #tpu.memory_space<vmem>>, vector<1x32xbf16>,
        %get3A_761 = vector.shape_cast %get3A_760 : vector<1x32xbf16> to vector<32xbf16>
        %convert_element_type3A_762 = arith.extf %get3A_761 : vector<32xbf16> to vector<32xf32>
        %mul3A_763 = vector.broadcast %squeeze3A_726 : f32 to vector<32xf32>
        %mul3A_764 = arith.mulf %mul3A_763, %convert_element_type3A_755 : vector<32xf32>
        %add3A_765 = arith.addf %add3A_724, %mul3A_764 : vector<32xf32>
        %mul3A_766 = vector.broadcast %squeeze3A_728 : f32 to vector<32xf32>
        %mul3A_767 = arith.mulf %mul3A_766, %convert_element_type3A_762 : vector<32xf32>
        %add3A_768 = arith.addf %add3A_765, %mul3A_767 : vector<32xf32>
        %slice3A_769 = vector.extract_strided_slice %get3A_104 {offsets = [14], sizes = [1], strides = [1]} : vector<16xf32> to vector<1xf32>
        %squeeze3A_770 = vector.extract %slice3A_769[0] : f32 from vector<1xf32>
        %slice3A_771 = vector.extract_strided_slice %get3A_112 {offsets = [14], sizes = [1], strides = [1]} : vector<16xf32> to vector<1xf32>
        %squeeze3A_772 = vector.extract %slice3A_771[0] : f32 from vector<1xf32>
        %add3A_773 = arith.constant 6 : i32
        %add3A_774 = arith.addi %mul3A_500, %add3A_773 : i32
        %get3A_775 = arith.index_cast %add3A_774 : i32 to index
        %get3A_776 = arith.constant 0 : index
        %get3A_777 = tpu.vector_load %arg9[%get3A_775, %get3A_776] {strides = array<i32>} : memref<128x128xbf16, #tpu.memory_space<vmem>>, vector<1x32xbf16>,
        %get3A_778 = vector.shape_cast %get3A_777 : vector<1x32xbf16> to vector<32xbf16>
        %convert_element_type3A_779 = arith.extf %get3A_778 : vector<32xbf16> to vector<32xf32>
        %add3A_780 = arith.constant 6 : i32
        %add3A_781 = arith.addi %mul3A_500, %add3A_780 : i32
        %get3A_782 = arith.index_cast %add3A_781 : i32 to index
        %get3A_783 = arith.constant 64 : index
        %get3A_784 = tpu.vector_load %arg9[%get3A_782, %get3A_783] {strides = array<i32>} : memref<128x128xbf16, #tpu.memory_space<vmem>>, vector<1x32xbf16>,
        %get3A_785 = vector.shape_cast %get3A_784 : vector<1x32xbf16> to vector<32xbf16>
        %convert_element_type3A_786 = arith.extf %get3A_785 : vector<32xbf16> to vector<32xf32>
        %mul3A_787 = vector.broadcast %squeeze3A_770 : f32 to vector<32xf32>
        %mul3A_788 = arith.mulf %mul3A_787, %convert_element_type3A_779 : vector<32xf32>
        %add3A_789 = arith.addf %add3A_748, %mul3A_788 : vector<32xf32>
        %mul3A_790 = vector.broadcast %squeeze3A_772 : f32 to vector<32xf32>
        %mul3A_791 = arith.mulf %mul3A_790, %convert_element_type3A_786 : vector<32xf32>
        %add3A_792 = arith.addf %add3A_789, %mul3A_791 : vector<32xf32>
        %add3A_793 = arith.constant 6 : i32
        %add3A_794 = arith.addi %mul3A_500, %add3A_793 : i32
        %get3A_795 = arith.index_cast %add3A_794 : i32 to index
        %get3A_796 = arith.constant 32 : index
        %get3A_797 = tpu.vector_load %arg9[%get3A_795, %get3A_796] {strides = array<i32>} : memref<128x128xbf16, #tpu.memory_space<vmem>>, vector<1x32xbf16>,
        %get3A_798 = vector.shape_cast %get3A_797 : vector<1x32xbf16> to vector<32xbf16>
        %convert_element_type3A_799 = arith.extf %get3A_798 : vector<32xbf16> to vector<32xf32>
        %add3A_800 = arith.constant 6 : i32
        %add3A_801 = arith.addi %mul3A_500, %add3A_800 : i32
        %get3A_802 = arith.index_cast %add3A_801 : i32 to index
        %get3A_803 = arith.constant 96 : index
        %get3A_804 = tpu.vector_load %arg9[%get3A_802, %get3A_803] {strides = array<i32>} : memref<128x128xbf16, #tpu.memory_space<vmem>>, vector<1x32xbf16>,
        %get3A_805 = vector.shape_cast %get3A_804 : vector<1x32xbf16> to vector<32xbf16>
        %convert_element_type3A_806 = arith.extf %get3A_805 : vector<32xbf16> to vector<32xf32>
        %mul3A_807 = vector.broadcast %squeeze3A_770 : f32 to vector<32xf32>
        %mul3A_808 = arith.mulf %mul3A_807, %convert_element_type3A_799 : vector<32xf32>
        %add3A_809 = arith.addf %add3A_768, %mul3A_808 : vector<32xf32>
        %mul3A_810 = vector.broadcast %squeeze3A_772 : f32 to vector<32xf32>
        %mul3A_811 = arith.mulf %mul3A_810, %convert_element_type3A_806 : vector<32xf32>
        %add3A_812 = arith.addf %add3A_809, %mul3A_811 : vector<32xf32>
        %slice3A_813 = vector.extract_strided_slice %get3A_104 {offsets = [15], sizes = [1], strides = [1]} : vector<16xf32> to vector<1xf32>
        %squeeze3A_814 = vector.extract %slice3A_813[0] : f32 from vector<1xf32>
        %slice3A_815 = vector.extract_strided_slice %get3A_112 {offsets = [15], sizes = [1], strides = [1]} : vector<16xf32> to vector<1xf32>
        %squeeze3A_816 = vector.extract %slice3A_815[0] : f32 from vector<1xf32>
        %add3A_817 = arith.constant 7 : i32
        %add3A_818 = arith.addi %mul3A_500, %add3A_817 : i32
        %get3A_819 = arith.index_cast %add3A_818 : i32 to index
        %get3A_820 = arith.constant 0 : index
        %get3A_821 = tpu.vector_load %arg9[%get3A_819, %get3A_820] {strides = array<i32>} : memref<128x128xbf16, #tpu.memory_space<vmem>>, vector<1x32xbf16>,
        %get3A_822 = vector.shape_cast %get3A_821 : vector<1x32xbf16> to vector<32xbf16>
        %convert_element_type3A_823 = arith.extf %get3A_822 : vector<32xbf16> to vector<32xf32>
        %add3A_824 = arith.constant 7 : i32
        %add3A_825 = arith.addi %mul3A_500, %add3A_824 : i32
        %get3A_826 = arith.index_cast %add3A_825 : i32 to index
        %get3A_827 = arith.constant 64 : index
        %get3A_828 = tpu.vector_load %arg9[%get3A_826, %get3A_827] {strides = array<i32>} : memref<128x128xbf16, #tpu.memory_space<vmem>>, vector<1x32xbf16>,
        %get3A_829 = vector.shape_cast %get3A_828 : vector<1x32xbf16> to vector<32xbf16>
        %convert_element_type3A_830 = arith.extf %get3A_829 : vector<32xbf16> to vector<32xf32>
        %mul3A_831 = vector.broadcast %squeeze3A_814 : f32 to vector<32xf32>
        %mul3A_832 = arith.mulf %mul3A_831, %convert_element_type3A_823 : vector<32xf32>
        %add3A_833 = arith.addf %add3A_792, %mul3A_832 : vector<32xf32>
        %mul3A_834 = vector.broadcast %squeeze3A_816 : f32 to vector<32xf32>
        %mul3A_835 = arith.mulf %mul3A_834, %convert_element_type3A_830 : vector<32xf32>
        %add3A_836 = arith.addf %add3A_833, %mul3A_835 : vector<32xf32>
        %add3A_837 = arith.constant 7 : i32
        %add3A_838 = arith.addi %mul3A_500, %add3A_837 : i32
        %get3A_839 = arith.index_cast %add3A_838 : i32 to index
        %get3A_840 = arith.constant 32 : index
        %get3A_841 = tpu.vector_load %arg9[%get3A_839, %get3A_840] {strides = array<i32>} : memref<128x128xbf16, #tpu.memory_space<vmem>>, vector<1x32xbf16>,
        %get3A_842 = vector.shape_cast %get3A_841 : vector<1x32xbf16> to vector<32xbf16>
        %convert_element_type3A_843 = arith.extf %get3A_842 : vector<32xbf16> to vector<32xf32>
        %add3A_844 = arith.constant 7 : i32
        %add3A_845 = arith.addi %mul3A_500, %add3A_844 : i32
        %get3A_846 = arith.index_cast %add3A_845 : i32 to index
        %get3A_847 = arith.constant 96 : index
        %get3A_848 = tpu.vector_load %arg9[%get3A_846, %get3A_847] {strides = array<i32>} : memref<128x128xbf16, #tpu.memory_space<vmem>>, vector<1x32xbf16>,
        %get3A_849 = vector.shape_cast %get3A_848 : vector<1x32xbf16> to vector<32xbf16>
        %convert_element_type3A_850 = arith.extf %get3A_849 : vector<32xbf16> to vector<32xf32>
        %mul3A_851 = vector.broadcast %squeeze3A_814 : f32 to vector<32xf32>
        %mul3A_852 = arith.mulf %mul3A_851, %convert_element_type3A_843 : vector<32xf32>
        %add3A_853 = arith.addf %add3A_812, %mul3A_852 : vector<32xf32>
        %mul3A_854 = vector.broadcast %squeeze3A_816 : f32 to vector<32xf32>
        %mul3A_855 = arith.mulf %mul3A_854, %convert_element_type3A_850 : vector<32xf32>
        %add3A_856 = arith.addf %add3A_853, %mul3A_855 : vector<32xf32>
        %slice3A_857 = vector.extract_strided_slice %add3A_836 {offsets = [0], sizes = [16], strides = [1]} : vector<32xf32> to vector<16xf32>
        %swap3A_858 = arith.index_cast %scan3A_99 : i32 to index
        %swap3A_859 = arith.constant 64 : index
        %swap3A_860 = tpu.vector_load %arg11[%swap3A_858, %swap3A_859] {strides = array<i32>} : memref<8x128xf32, #tpu.memory_space<vmem>>, vector<1x16xf32>,
        %swap3A_861 = vector.shape_cast %swap3A_860 : vector<1x16xf32> to vector<16xf32>
        %swap3A_862 = vector.shape_cast %slice3A_857 : vector<16xf32> to vector<1x16xf32>
        tpu.vector_store %arg11[%swap3A_858, %swap3A_859], %swap3A_862 {strides = array<i32>} : memref<8x128xf32, #tpu.memory_space<vmem>>, vector<1x16xf32>,
        %slice3A_863 = vector.extract_strided_slice %add3A_836 {offsets = [16], sizes = [16], strides = [1]} : vector<32xf32> to vector<16xf32>
        %swap3A_864 = arith.index_cast %scan3A_99 : i32 to index
        %swap3A_865 = arith.constant 80 : index
        %swap3A_866 = tpu.vector_load %arg11[%swap3A_864, %swap3A_865] {strides = array<i32>} : memref<8x128xf32, #tpu.memory_space<vmem>>, vector<1x16xf32>,
        %swap3A_867 = vector.shape_cast %swap3A_866 : vector<1x16xf32> to vector<16xf32>
        %swap3A_868 = vector.shape_cast %slice3A_863 : vector<16xf32> to vector<1x16xf32>
        tpu.vector_store %arg11[%swap3A_864, %swap3A_865], %swap3A_868 {strides = array<i32>} : memref<8x128xf32, #tpu.memory_space<vmem>>, vector<1x16xf32>,
        %slice3A_869 = vector.extract_strided_slice %add3A_856 {offsets = [0], sizes = [16], strides = [1]} : vector<32xf32> to vector<16xf32>
        %swap3A_870 = arith.index_cast %scan3A_99 : i32 to index
        %swap3A_871 = arith.constant 96 : index
        %swap3A_872 = tpu.vector_load %arg11[%swap3A_870, %swap3A_871] {strides = array<i32>} : memref<8x128xf32, #tpu.memory_space<vmem>>, vector<1x16xf32>,
        %swap3A_873 = vector.shape_cast %swap3A_872 : vector<1x16xf32> to vector<16xf32>
        %swap3A_874 = vector.shape_cast %slice3A_869 : vector<16xf32> to vector<1x16xf32>
        tpu.vector_store %arg11[%swap3A_870, %swap3A_871], %swap3A_874 {strides = array<i32>} : memref<8x128xf32, #tpu.memory_space<vmem>>, vector<1x16xf32>,
        %slice3A_875 = vector.extract_strided_slice %add3A_856 {offsets = [16], sizes = [16], strides = [1]} : vector<32xf32> to vector<16xf32>
        %swap3A_876 = arith.index_cast %scan3A_99 : i32 to index
        %swap3A_877 = arith.constant 112 : index
        %swap3A_878 = tpu.vector_load %arg11[%swap3A_876, %swap3A_877] {strides = array<i32>} : memref<8x128xf32, #tpu.memory_space<vmem>>, vector<1x16xf32>,
        %swap3A_879 = vector.shape_cast %swap3A_878 : vector<1x16xf32> to vector<16xf32>
        %swap3A_880 = vector.shape_cast %slice3A_875 : vector<16xf32> to vector<1x16xf32>
        tpu.vector_store %arg11[%swap3A_876, %swap3A_877], %swap3A_880 {strides = array<i32>} : memref<8x128xf32, #tpu.memory_space<vmem>>, vector<1x16xf32>,
      }
      %scan3A_91 = arith.constant 8 : i32
      %add3A_92 = arith.addi %mul3A_2, %add3A_37 : i32
      %mul3A_93 = arith.constant 8 : i32
      %mul3A_94 = arith.muli %add3A_92, %mul3A_93 : i32
      %dma_start3A_95 = arith.constant 0 : i32
      %dma_start3A_96 = tpu.memref_slice %arg5[%mul3A_94, %dma_start3A_95] : memref<16384x128xf32, #tpu.memory_space<hbm>> -> memref<8x128xf32, #tpu.memory_space<hbm>>
      %dma_start3A_97 = arith.constant 0 : i32
      %dma_start3A_98 = tpu.memref_slice %arg5[%mul3A_94, %dma_start3A_97] : memref<16384x128xf32, #tpu.memory_space<hbm>> -> memref<8x128xf32, #tpu.memory_space<hbm>>
      tpu.enqueue_dma source(%arg11 : memref<8x128xf32, #tpu.memory_space<vmem>>) target(%dma_start3A_98 : memref<8x128xf32, #tpu.memory_space<hbm>>) target_semaphore(%arg15 : memref<!tpu.dma_semaphore, #tpu.memory_space<semaphore_mem>>)
    }
    %scan3A_15 = arith.constant 32 : i32
    %add3A_16 = arith.constant 62 : i32
    %add3A_17 = arith.addi %mul3A_2, %add3A_16 : i32
    %mul3A_18 = arith.constant 8 : i32
    %mul3A_19 = arith.muli %add3A_17, %mul3A_18 : i32
    %dma_wait3A = arith.constant 0 : i32
    %dma_wait3A_20 = tpu.memref_slice %arg5[%mul3A_19, %dma_wait3A] : memref<16384x128xf32, #tpu.memory_space<hbm>> -> memref<8x128xf32, #tpu.memory_space<hbm>>
    %dma_wait3A_21 = arith.constant 0 : i32
    %dma_wait3A_22 = tpu.memref_slice %arg5[%mul3A_19, %dma_wait3A_21] : memref<16384x128xf32, #tpu.memory_space<hbm>> -> memref<8x128xf32, #tpu.memory_space<hbm>>
    tpu.wait_dma2 semaphore(%arg14 : memref<!tpu.dma_semaphore, #tpu.memory_space<semaphore_mem>>) src(%arg10 : memref<8x128xf32, #tpu.memory_space<vmem>>) dst(%dma_wait3A_22 : memref<8x128xf32, #tpu.memory_space<hbm>>)
    %add3A_23 = arith.constant 63 : i32
    %add3A_24 = arith.addi %mul3A_2, %add3A_23 : i32
    %mul3A_25 = arith.constant 8 : i32
    %mul3A_26 = arith.muli %add3A_24, %mul3A_25 : i32
    %dma_wait3A_27 = arith.constant 0 : i32
    %dma_wait3A_28 = tpu.memref_slice %arg5[%mul3A_26, %dma_wait3A_27] : memref<16384x128xf32, #tpu.memory_space<hbm>> -> memref<8x128xf32, #tpu.memory_space<hbm>>
    %dma_wait3A_29 = arith.constant 0 : i32
    %dma_wait3A_30 = tpu.memref_slice %arg5[%mul3A_26, %dma_wait3A_29] : memref<16384x128xf32, #tpu.memory_space<hbm>> -> memref<8x128xf32, #tpu.memory_space<hbm>>
    tpu.wait_dma2 semaphore(%arg15 : memref<!tpu.dma_semaphore, #tpu.memory_space<semaphore_mem>>) src(%arg11 : memref<8x128xf32, #tpu.memory_space<vmem>>) dst(%dma_wait3A_30 : memref<8x128xf32, #tpu.memory_space<hbm>>)
    return
  }
}

module attributes {stable_mosaic.version = 14 : i64} {
  func.func @_valproj_body(%arg0: i32, %arg1: memref<512x2x2048xf32, #tpu.memory_space<vmem>>, %arg2: memref<8x2x2048xf32, #tpu.memory_space<vmem>>, %arg3: memref<1024x2048xf32, #tpu.memory_space<vmem>>, %arg4: memref<1x1024xf32, #tpu.memory_space<vmem>>, %arg5: memref<2x16x512x128xbf16, #tpu.memory_space<vmem>>) attributes {dimension_semantics = [#tpu.dimension_semantics<arbitrary>], iteration_bounds = array<i64: 8>, scalar_prefetch = 0 : i64, scratch_operands = 0 : i64, tpu.core_type = #tpu.core_type<tc>, window_params = [{transform_indices = @transform_0, window_bounds = array<i64: 512, 2, 2048>}, {transform_indices = @transform_1, window_bounds = array<i64: 8, 2, 2048>}, {pipeline_mode = #tpu.pipeline_mode<synchronous>, transform_indices = @transform_2, window_bounds = array<i64: 1024, 2048>}, {pipeline_mode = #tpu.pipeline_mode<synchronous>, transform_indices = @transform_3, window_bounds = array<i64: 1, 1024>}, {transform_indices = @transform_4, window_bounds = array<i64: 2, 16, 512, 128>}]} {
    %get3A = arith.constant 0 : index
    %get3A_0 = arith.constant 0 : index
    %get3A_1 = arith.constant 0 : index
    %get3A_2 = vector.load %arg1[%get3A, %get3A_0, %get3A_1] : memref<512x2x2048xf32, #tpu.memory_space<vmem>>, vector<512x1x2048xf32>
    %get3A_3 = vector.shape_cast %get3A_2 : vector<512x1x2048xf32> to vector<512x2048xf32>
    %get3A_4 = arith.constant 0 : index
    %get3A_5 = arith.constant 0 : index
    %get3A_6 = vector.load %arg3[%get3A_4, %get3A_5] : memref<1024x2048xf32, #tpu.memory_space<vmem>>, vector<1024x2048xf32>
    %dot_general3A = arith.constant dense<0.000000e+00> : vector<512x1024xf32>
    %dot_general3A_7 = tpu.matmul %get3A_3, %get3A_6, %dot_general3A {dimension_numbers = #tpu.dot_dimension_numbers<[1], [1], [0], [0], [0, 0, 1, 0], [], []>, transpose_lhs_hint = false} : vector<512x2048xf32>, vector<1024x2048xf32>, vector<512x1024xf32> -> vector<512x1024xf32>
    %get3A_8 = arith.constant 0 : index
    %get3A_9 = arith.constant 0 : index
    %get3A_10 = vector.load %arg4[%get3A_8, %get3A_9] : memref<1x1024xf32, #tpu.memory_space<vmem>>, vector<1x1024xf32>
    %add3A = vector.broadcast %get3A_10 : vector<1x1024xf32> to vector<512x1024xf32>
    %add3A_11 = arith.addf %dot_general3A_7, %add3A : vector<512x1024xf32>
    %convert_element_type3A = arith.truncf %add3A_11 : vector<512x1024xf32> to vector<512x1024xbf16>
    %get3A_12 = arith.constant 0 : index
    %get3A_13 = arith.constant 0 : index
    %get3A_14 = arith.constant 0 : index
    %get3A_15 = vector.load %arg2[%get3A_12, %get3A_13, %get3A_14] : memref<8x2x2048xf32, #tpu.memory_space<vmem>>, vector<8x1x2048xf32>
    %get3A_16 = vector.shape_cast %get3A_15 : vector<8x1x2048xf32> to vector<8x2048xf32>
    %get3A_17 = arith.constant 0 : index
    %get3A_18 = arith.constant 0 : index
    %get3A_19 = vector.load %arg3[%get3A_17, %get3A_18] : memref<1024x2048xf32, #tpu.memory_space<vmem>>, vector<1024x2048xf32>
    %dot_general3A_20 = arith.constant dense<0.000000e+00> : vector<8x1024xf32>
    %dot_general3A_21 = tpu.matmul %get3A_16, %get3A_19, %dot_general3A_20 {dimension_numbers = #tpu.dot_dimension_numbers<[1], [1], [0], [0], [0, 0, 1, 0], [], []>, transpose_lhs_hint = false} : vector<8x2048xf32>, vector<1024x2048xf32>, vector<8x1024xf32> -> vector<8x1024xf32>
    %get3A_22 = arith.constant 0 : index
    %get3A_23 = arith.constant 0 : index
    %get3A_24 = vector.load %arg4[%get3A_22, %get3A_23] : memref<1x1024xf32, #tpu.memory_space<vmem>>, vector<1x1024xf32>
    %add3A_25 = vector.broadcast %get3A_24 : vector<1x1024xf32> to vector<8x1024xf32>
    %add3A_26 = arith.addf %dot_general3A_21, %add3A_25 : vector<8x1024xf32>
    %convert_element_type3A_27 = arith.truncf %add3A_26 : vector<8x1024xf32> to vector<8x1024xbf16>
    %slice3A = vector.extract_strided_slice %convert_element_type3A {offsets = [1, 0], sizes = [511, 1024], strides = [1, 1]} : vector<512x1024xbf16> to vector<511x1024xbf16>
    %slice3A_28 = vector.extract_strided_slice %convert_element_type3A_27 {offsets = [0, 0], sizes = [1, 1024], strides = [1, 1]} : vector<8x1024xbf16> to vector<1x1024xbf16>
    %concatenate3A = tpu.concatenate %slice3A, %slice3A_28 in 0 : vector<511x1024xbf16>, vector<1x1024xbf16> -> vector<512x1024xbf16>
    %slice3A_29 = vector.extract_strided_slice %convert_element_type3A {offsets = [0, 0], sizes = [512, 64], strides = [1, 1]} : vector<512x1024xbf16> to vector<512x64xbf16>
    %slice3A_30 = vector.extract_strided_slice %concatenate3A {offsets = [0, 0], sizes = [512, 64], strides = [1, 1]} : vector<512x1024xbf16> to vector<512x64xbf16>
    %concatenate3A_31 = tpu.concatenate %slice3A_29, %slice3A_30 in 1 : vector<512x64xbf16>, vector<512x64xbf16> -> vector<512x128xbf16>
    %swap3A = arith.constant 0 : index
    %swap3A_32 = arith.constant 0 : index
    %swap3A_33 = arith.constant 0 : index
    %swap3A_34 = arith.constant 0 : index
    %swap3A_35 = vector.load %arg5[%swap3A, %swap3A_32, %swap3A_33, %swap3A_34] : memref<2x16x512x128xbf16, #tpu.memory_space<vmem>>, vector<1x1x512x128xbf16>
    %swap3A_36 = vector.shape_cast %swap3A_35 : vector<1x1x512x128xbf16> to vector<512x128xbf16>
    %swap3A_37 = vector.shape_cast %concatenate3A_31 : vector<512x128xbf16> to vector<1x1x512x128xbf16>
    tpu.vector_store %arg5[%swap3A, %swap3A_32, %swap3A_33, %swap3A_34], %swap3A_37 {strides = array<i32>} : memref<2x16x512x128xbf16, #tpu.memory_space<vmem>>, vector<1x1x512x128xbf16>,
    %slice3A_38 = vector.extract_strided_slice %convert_element_type3A {offsets = [0, 64], sizes = [512, 64], strides = [1, 1]} : vector<512x1024xbf16> to vector<512x64xbf16>
    %slice3A_39 = vector.extract_strided_slice %concatenate3A {offsets = [0, 64], sizes = [512, 64], strides = [1, 1]} : vector<512x1024xbf16> to vector<512x64xbf16>
    %concatenate3A_40 = tpu.concatenate %slice3A_38, %slice3A_39 in 1 : vector<512x64xbf16>, vector<512x64xbf16> -> vector<512x128xbf16>
    %swap3A_41 = arith.constant 0 : index
    %swap3A_42 = arith.constant 1 : index
    %swap3A_43 = arith.constant 0 : index
    %swap3A_44 = arith.constant 0 : index
    %swap3A_45 = vector.load %arg5[%swap3A_41, %swap3A_42, %swap3A_43, %swap3A_44] : memref<2x16x512x128xbf16, #tpu.memory_space<vmem>>, vector<1x1x512x128xbf16>
    %swap3A_46 = vector.shape_cast %swap3A_45 : vector<1x1x512x128xbf16> to vector<512x128xbf16>
    %swap3A_47 = vector.shape_cast %concatenate3A_40 : vector<512x128xbf16> to vector<1x1x512x128xbf16>
    tpu.vector_store %arg5[%swap3A_41, %swap3A_42, %swap3A_43, %swap3A_44], %swap3A_47 {strides = array<i32>} : memref<2x16x512x128xbf16, #tpu.memory_space<vmem>>, vector<1x1x512x128xbf16>,
    %slice3A_48 = vector.extract_strided_slice %convert_element_type3A {offsets = [0, 128], sizes = [512, 64], strides = [1, 1]} : vector<512x1024xbf16> to vector<512x64xbf16>
    %slice3A_49 = vector.extract_strided_slice %concatenate3A {offsets = [0, 128], sizes = [512, 64], strides = [1, 1]} : vector<512x1024xbf16> to vector<512x64xbf16>
    %concatenate3A_50 = tpu.concatenate %slice3A_48, %slice3A_49 in 1 : vector<512x64xbf16>, vector<512x64xbf16> -> vector<512x128xbf16>
    %swap3A_51 = arith.constant 0 : index
    %swap3A_52 = arith.constant 2 : index
    %swap3A_53 = arith.constant 0 : index
    %swap3A_54 = arith.constant 0 : index
    %swap3A_55 = vector.load %arg5[%swap3A_51, %swap3A_52, %swap3A_53, %swap3A_54] : memref<2x16x512x128xbf16, #tpu.memory_space<vmem>>, vector<1x1x512x128xbf16>
    %swap3A_56 = vector.shape_cast %swap3A_55 : vector<1x1x512x128xbf16> to vector<512x128xbf16>
    %swap3A_57 = vector.shape_cast %concatenate3A_50 : vector<512x128xbf16> to vector<1x1x512x128xbf16>
    tpu.vector_store %arg5[%swap3A_51, %swap3A_52, %swap3A_53, %swap3A_54], %swap3A_57 {strides = array<i32>} : memref<2x16x512x128xbf16, #tpu.memory_space<vmem>>, vector<1x1x512x128xbf16>,
    %slice3A_58 = vector.extract_strided_slice %convert_element_type3A {offsets = [0, 192], sizes = [512, 64], strides = [1, 1]} : vector<512x1024xbf16> to vector<512x64xbf16>
    %slice3A_59 = vector.extract_strided_slice %concatenate3A {offsets = [0, 192], sizes = [512, 64], strides = [1, 1]} : vector<512x1024xbf16> to vector<512x64xbf16>
    %concatenate3A_60 = tpu.concatenate %slice3A_58, %slice3A_59 in 1 : vector<512x64xbf16>, vector<512x64xbf16> -> vector<512x128xbf16>
    %swap3A_61 = arith.constant 0 : index
    %swap3A_62 = arith.constant 3 : index
    %swap3A_63 = arith.constant 0 : index
    %swap3A_64 = arith.constant 0 : index
    %swap3A_65 = vector.load %arg5[%swap3A_61, %swap3A_62, %swap3A_63, %swap3A_64] : memref<2x16x512x128xbf16, #tpu.memory_space<vmem>>, vector<1x1x512x128xbf16>
    %swap3A_66 = vector.shape_cast %swap3A_65 : vector<1x1x512x128xbf16> to vector<512x128xbf16>
    %swap3A_67 = vector.shape_cast %concatenate3A_60 : vector<512x128xbf16> to vector<1x1x512x128xbf16>
    tpu.vector_store %arg5[%swap3A_61, %swap3A_62, %swap3A_63, %swap3A_64], %swap3A_67 {strides = array<i32>} : memref<2x16x512x128xbf16, #tpu.memory_space<vmem>>, vector<1x1x512x128xbf16>,
    %slice3A_68 = vector.extract_strided_slice %convert_element_type3A {offsets = [0, 256], sizes = [512, 64], strides = [1, 1]} : vector<512x1024xbf16> to vector<512x64xbf16>
    %slice3A_69 = vector.extract_strided_slice %concatenate3A {offsets = [0, 256], sizes = [512, 64], strides = [1, 1]} : vector<512x1024xbf16> to vector<512x64xbf16>
    %concatenate3A_70 = tpu.concatenate %slice3A_68, %slice3A_69 in 1 : vector<512x64xbf16>, vector<512x64xbf16> -> vector<512x128xbf16>
    %swap3A_71 = arith.constant 0 : index
    %swap3A_72 = arith.constant 4 : index
    %swap3A_73 = arith.constant 0 : index
    %swap3A_74 = arith.constant 0 : index
    %swap3A_75 = vector.load %arg5[%swap3A_71, %swap3A_72, %swap3A_73, %swap3A_74] : memref<2x16x512x128xbf16, #tpu.memory_space<vmem>>, vector<1x1x512x128xbf16>
    %swap3A_76 = vector.shape_cast %swap3A_75 : vector<1x1x512x128xbf16> to vector<512x128xbf16>
    %swap3A_77 = vector.shape_cast %concatenate3A_70 : vector<512x128xbf16> to vector<1x1x512x128xbf16>
    tpu.vector_store %arg5[%swap3A_71, %swap3A_72, %swap3A_73, %swap3A_74], %swap3A_77 {strides = array<i32>} : memref<2x16x512x128xbf16, #tpu.memory_space<vmem>>, vector<1x1x512x128xbf16>,
    %slice3A_78 = vector.extract_strided_slice %convert_element_type3A {offsets = [0, 320], sizes = [512, 64], strides = [1, 1]} : vector<512x1024xbf16> to vector<512x64xbf16>
    %slice3A_79 = vector.extract_strided_slice %concatenate3A {offsets = [0, 320], sizes = [512, 64], strides = [1, 1]} : vector<512x1024xbf16> to vector<512x64xbf16>
    %concatenate3A_80 = tpu.concatenate %slice3A_78, %slice3A_79 in 1 : vector<512x64xbf16>, vector<512x64xbf16> -> vector<512x128xbf16>
    %swap3A_81 = arith.constant 0 : index
    %swap3A_82 = arith.constant 5 : index
    %swap3A_83 = arith.constant 0 : index
    %swap3A_84 = arith.constant 0 : index
    %swap3A_85 = vector.load %arg5[%swap3A_81, %swap3A_82, %swap3A_83, %swap3A_84] : memref<2x16x512x128xbf16, #tpu.memory_space<vmem>>, vector<1x1x512x128xbf16>
    %swap3A_86 = vector.shape_cast %swap3A_85 : vector<1x1x512x128xbf16> to vector<512x128xbf16>
    %swap3A_87 = vector.shape_cast %concatenate3A_80 : vector<512x128xbf16> to vector<1x1x512x128xbf16>
    tpu.vector_store %arg5[%swap3A_81, %swap3A_82, %swap3A_83, %swap3A_84], %swap3A_87 {strides = array<i32>} : memref<2x16x512x128xbf16, #tpu.memory_space<vmem>>, vector<1x1x512x128xbf16>,
    %slice3A_88 = vector.extract_strided_slice %convert_element_type3A {offsets = [0, 384], sizes = [512, 64], strides = [1, 1]} : vector<512x1024xbf16> to vector<512x64xbf16>
    %slice3A_89 = vector.extract_strided_slice %concatenate3A {offsets = [0, 384], sizes = [512, 64], strides = [1, 1]} : vector<512x1024xbf16> to vector<512x64xbf16>
    %concatenate3A_90 = tpu.concatenate %slice3A_88, %slice3A_89 in 1 : vector<512x64xbf16>, vector<512x64xbf16> -> vector<512x128xbf16>
    %swap3A_91 = arith.constant 0 : index
    %swap3A_92 = arith.constant 6 : index
    %swap3A_93 = arith.constant 0 : index
    %swap3A_94 = arith.constant 0 : index
    %swap3A_95 = vector.load %arg5[%swap3A_91, %swap3A_92, %swap3A_93, %swap3A_94] : memref<2x16x512x128xbf16, #tpu.memory_space<vmem>>, vector<1x1x512x128xbf16>
    %swap3A_96 = vector.shape_cast %swap3A_95 : vector<1x1x512x128xbf16> to vector<512x128xbf16>
    %swap3A_97 = vector.shape_cast %concatenate3A_90 : vector<512x128xbf16> to vector<1x1x512x128xbf16>
    tpu.vector_store %arg5[%swap3A_91, %swap3A_92, %swap3A_93, %swap3A_94], %swap3A_97 {strides = array<i32>} : memref<2x16x512x128xbf16, #tpu.memory_space<vmem>>, vector<1x1x512x128xbf16>,
    %slice3A_98 = vector.extract_strided_slice %convert_element_type3A {offsets = [0, 448], sizes = [512, 64], strides = [1, 1]} : vector<512x1024xbf16> to vector<512x64xbf16>
    %slice3A_99 = vector.extract_strided_slice %concatenate3A {offsets = [0, 448], sizes = [512, 64], strides = [1, 1]} : vector<512x1024xbf16> to vector<512x64xbf16>
    %concatenate3A_100 = tpu.concatenate %slice3A_98, %slice3A_99 in 1 : vector<512x64xbf16>, vector<512x64xbf16> -> vector<512x128xbf16>
    %swap3A_101 = arith.constant 0 : index
    %swap3A_102 = arith.constant 7 : index
    %swap3A_103 = arith.constant 0 : index
    %swap3A_104 = arith.constant 0 : index
    %swap3A_105 = vector.load %arg5[%swap3A_101, %swap3A_102, %swap3A_103, %swap3A_104] : memref<2x16x512x128xbf16, #tpu.memory_space<vmem>>, vector<1x1x512x128xbf16>
    %swap3A_106 = vector.shape_cast %swap3A_105 : vector<1x1x512x128xbf16> to vector<512x128xbf16>
    %swap3A_107 = vector.shape_cast %concatenate3A_100 : vector<512x128xbf16> to vector<1x1x512x128xbf16>
    tpu.vector_store %arg5[%swap3A_101, %swap3A_102, %swap3A_103, %swap3A_104], %swap3A_107 {strides = array<i32>} : memref<2x16x512x128xbf16, #tpu.memory_space<vmem>>, vector<1x1x512x128xbf16>,
    %slice3A_108 = vector.extract_strided_slice %convert_element_type3A {offsets = [0, 512], sizes = [512, 64], strides = [1, 1]} : vector<512x1024xbf16> to vector<512x64xbf16>
    %slice3A_109 = vector.extract_strided_slice %concatenate3A {offsets = [0, 512], sizes = [512, 64], strides = [1, 1]} : vector<512x1024xbf16> to vector<512x64xbf16>
    %concatenate3A_110 = tpu.concatenate %slice3A_108, %slice3A_109 in 1 : vector<512x64xbf16>, vector<512x64xbf16> -> vector<512x128xbf16>
    %swap3A_111 = arith.constant 0 : index
    %swap3A_112 = arith.constant 8 : index
    %swap3A_113 = arith.constant 0 : index
    %swap3A_114 = arith.constant 0 : index
    %swap3A_115 = vector.load %arg5[%swap3A_111, %swap3A_112, %swap3A_113, %swap3A_114] : memref<2x16x512x128xbf16, #tpu.memory_space<vmem>>, vector<1x1x512x128xbf16>
    %swap3A_116 = vector.shape_cast %swap3A_115 : vector<1x1x512x128xbf16> to vector<512x128xbf16>
    %swap3A_117 = vector.shape_cast %concatenate3A_110 : vector<512x128xbf16> to vector<1x1x512x128xbf16>
    tpu.vector_store %arg5[%swap3A_111, %swap3A_112, %swap3A_113, %swap3A_114], %swap3A_117 {strides = array<i32>} : memref<2x16x512x128xbf16, #tpu.memory_space<vmem>>, vector<1x1x512x128xbf16>,
    %slice3A_118 = vector.extract_strided_slice %convert_element_type3A {offsets = [0, 576], sizes = [512, 64], strides = [1, 1]} : vector<512x1024xbf16> to vector<512x64xbf16>
    %slice3A_119 = vector.extract_strided_slice %concatenate3A {offsets = [0, 576], sizes = [512, 64], strides = [1, 1]} : vector<512x1024xbf16> to vector<512x64xbf16>
    %concatenate3A_120 = tpu.concatenate %slice3A_118, %slice3A_119 in 1 : vector<512x64xbf16>, vector<512x64xbf16> -> vector<512x128xbf16>
    %swap3A_121 = arith.constant 0 : index
    %swap3A_122 = arith.constant 9 : index
    %swap3A_123 = arith.constant 0 : index
    %swap3A_124 = arith.constant 0 : index
    %swap3A_125 = vector.load %arg5[%swap3A_121, %swap3A_122, %swap3A_123, %swap3A_124] : memref<2x16x512x128xbf16, #tpu.memory_space<vmem>>, vector<1x1x512x128xbf16>
    %swap3A_126 = vector.shape_cast %swap3A_125 : vector<1x1x512x128xbf16> to vector<512x128xbf16>
    %swap3A_127 = vector.shape_cast %concatenate3A_120 : vector<512x128xbf16> to vector<1x1x512x128xbf16>
    tpu.vector_store %arg5[%swap3A_121, %swap3A_122, %swap3A_123, %swap3A_124], %swap3A_127 {strides = array<i32>} : memref<2x16x512x128xbf16, #tpu.memory_space<vmem>>, vector<1x1x512x128xbf16>,
    %slice3A_128 = vector.extract_strided_slice %convert_element_type3A {offsets = [0, 640], sizes = [512, 64], strides = [1, 1]} : vector<512x1024xbf16> to vector<512x64xbf16>
    %slice3A_129 = vector.extract_strided_slice %concatenate3A {offsets = [0, 640], sizes = [512, 64], strides = [1, 1]} : vector<512x1024xbf16> to vector<512x64xbf16>
    %concatenate3A_130 = tpu.concatenate %slice3A_128, %slice3A_129 in 1 : vector<512x64xbf16>, vector<512x64xbf16> -> vector<512x128xbf16>
    %swap3A_131 = arith.constant 0 : index
    %swap3A_132 = arith.constant 10 : index
    %swap3A_133 = arith.constant 0 : index
    %swap3A_134 = arith.constant 0 : index
    %swap3A_135 = vector.load %arg5[%swap3A_131, %swap3A_132, %swap3A_133, %swap3A_134] : memref<2x16x512x128xbf16, #tpu.memory_space<vmem>>, vector<1x1x512x128xbf16>
    %swap3A_136 = vector.shape_cast %swap3A_135 : vector<1x1x512x128xbf16> to vector<512x128xbf16>
    %swap3A_137 = vector.shape_cast %concatenate3A_130 : vector<512x128xbf16> to vector<1x1x512x128xbf16>
    tpu.vector_store %arg5[%swap3A_131, %swap3A_132, %swap3A_133, %swap3A_134], %swap3A_137 {strides = array<i32>} : memref<2x16x512x128xbf16, #tpu.memory_space<vmem>>, vector<1x1x512x128xbf16>,
    %slice3A_138 = vector.extract_strided_slice %convert_element_type3A {offsets = [0, 704], sizes = [512, 64], strides = [1, 1]} : vector<512x1024xbf16> to vector<512x64xbf16>
    %slice3A_139 = vector.extract_strided_slice %concatenate3A {offsets = [0, 704], sizes = [512, 64], strides = [1, 1]} : vector<512x1024xbf16> to vector<512x64xbf16>
    %concatenate3A_140 = tpu.concatenate %slice3A_138, %slice3A_139 in 1 : vector<512x64xbf16>, vector<512x64xbf16> -> vector<512x128xbf16>
    %swap3A_141 = arith.constant 0 : index
    %swap3A_142 = arith.constant 11 : index
    %swap3A_143 = arith.constant 0 : index
    %swap3A_144 = arith.constant 0 : index
    %swap3A_145 = vector.load %arg5[%swap3A_141, %swap3A_142, %swap3A_143, %swap3A_144] : memref<2x16x512x128xbf16, #tpu.memory_space<vmem>>, vector<1x1x512x128xbf16>
    %swap3A_146 = vector.shape_cast %swap3A_145 : vector<1x1x512x128xbf16> to vector<512x128xbf16>
    %swap3A_147 = vector.shape_cast %concatenate3A_140 : vector<512x128xbf16> to vector<1x1x512x128xbf16>
    tpu.vector_store %arg5[%swap3A_141, %swap3A_142, %swap3A_143, %swap3A_144], %swap3A_147 {strides = array<i32>} : memref<2x16x512x128xbf16, #tpu.memory_space<vmem>>, vector<1x1x512x128xbf16>,
    %slice3A_148 = vector.extract_strided_slice %convert_element_type3A {offsets = [0, 768], sizes = [512, 64], strides = [1, 1]} : vector<512x1024xbf16> to vector<512x64xbf16>
    %slice3A_149 = vector.extract_strided_slice %concatenate3A {offsets = [0, 768], sizes = [512, 64], strides = [1, 1]} : vector<512x1024xbf16> to vector<512x64xbf16>
    %concatenate3A_150 = tpu.concatenate %slice3A_148, %slice3A_149 in 1 : vector<512x64xbf16>, vector<512x64xbf16> -> vector<512x128xbf16>
    %swap3A_151 = arith.constant 0 : index
    %swap3A_152 = arith.constant 12 : index
    %swap3A_153 = arith.constant 0 : index
    %swap3A_154 = arith.constant 0 : index
    %swap3A_155 = vector.load %arg5[%swap3A_151, %swap3A_152, %swap3A_153, %swap3A_154] : memref<2x16x512x128xbf16, #tpu.memory_space<vmem>>, vector<1x1x512x128xbf16>
    %swap3A_156 = vector.shape_cast %swap3A_155 : vector<1x1x512x128xbf16> to vector<512x128xbf16>
    %swap3A_157 = vector.shape_cast %concatenate3A_150 : vector<512x128xbf16> to vector<1x1x512x128xbf16>
    tpu.vector_store %arg5[%swap3A_151, %swap3A_152, %swap3A_153, %swap3A_154], %swap3A_157 {strides = array<i32>} : memref<2x16x512x128xbf16, #tpu.memory_space<vmem>>, vector<1x1x512x128xbf16>,
    %slice3A_158 = vector.extract_strided_slice %convert_element_type3A {offsets = [0, 832], sizes = [512, 64], strides = [1, 1]} : vector<512x1024xbf16> to vector<512x64xbf16>
    %slice3A_159 = vector.extract_strided_slice %concatenate3A {offsets = [0, 832], sizes = [512, 64], strides = [1, 1]} : vector<512x1024xbf16> to vector<512x64xbf16>
    %concatenate3A_160 = tpu.concatenate %slice3A_158, %slice3A_159 in 1 : vector<512x64xbf16>, vector<512x64xbf16> -> vector<512x128xbf16>
    %swap3A_161 = arith.constant 0 : index
    %swap3A_162 = arith.constant 13 : index
    %swap3A_163 = arith.constant 0 : index
    %swap3A_164 = arith.constant 0 : index
    %swap3A_165 = vector.load %arg5[%swap3A_161, %swap3A_162, %swap3A_163, %swap3A_164] : memref<2x16x512x128xbf16, #tpu.memory_space<vmem>>, vector<1x1x512x128xbf16>
    %swap3A_166 = vector.shape_cast %swap3A_165 : vector<1x1x512x128xbf16> to vector<512x128xbf16>
    %swap3A_167 = vector.shape_cast %concatenate3A_160 : vector<512x128xbf16> to vector<1x1x512x128xbf16>
    tpu.vector_store %arg5[%swap3A_161, %swap3A_162, %swap3A_163, %swap3A_164], %swap3A_167 {strides = array<i32>} : memref<2x16x512x128xbf16, #tpu.memory_space<vmem>>, vector<1x1x512x128xbf16>,
    %slice3A_168 = vector.extract_strided_slice %convert_element_type3A {offsets = [0, 896], sizes = [512, 64], strides = [1, 1]} : vector<512x1024xbf16> to vector<512x64xbf16>
    %slice3A_169 = vector.extract_strided_slice %concatenate3A {offsets = [0, 896], sizes = [512, 64], strides = [1, 1]} : vector<512x1024xbf16> to vector<512x64xbf16>
    %concatenate3A_170 = tpu.concatenate %slice3A_168, %slice3A_169 in 1 : vector<512x64xbf16>, vector<512x64xbf16> -> vector<512x128xbf16>
    %swap3A_171 = arith.constant 0 : index
    %swap3A_172 = arith.constant 14 : index
    %swap3A_173 = arith.constant 0 : index
    %swap3A_174 = arith.constant 0 : index
    %swap3A_175 = vector.load %arg5[%swap3A_171, %swap3A_172, %swap3A_173, %swap3A_174] : memref<2x16x512x128xbf16, #tpu.memory_space<vmem>>, vector<1x1x512x128xbf16>
    %swap3A_176 = vector.shape_cast %swap3A_175 : vector<1x1x512x128xbf16> to vector<512x128xbf16>
    %swap3A_177 = vector.shape_cast %concatenate3A_170 : vector<512x128xbf16> to vector<1x1x512x128xbf16>
    tpu.vector_store %arg5[%swap3A_171, %swap3A_172, %swap3A_173, %swap3A_174], %swap3A_177 {strides = array<i32>} : memref<2x16x512x128xbf16, #tpu.memory_space<vmem>>, vector<1x1x512x128xbf16>,
    %slice3A_178 = vector.extract_strided_slice %convert_element_type3A {offsets = [0, 960], sizes = [512, 64], strides = [1, 1]} : vector<512x1024xbf16> to vector<512x64xbf16>
    %slice3A_179 = vector.extract_strided_slice %concatenate3A {offsets = [0, 960], sizes = [512, 64], strides = [1, 1]} : vector<512x1024xbf16> to vector<512x64xbf16>
    %concatenate3A_180 = tpu.concatenate %slice3A_178, %slice3A_179 in 1 : vector<512x64xbf16>, vector<512x64xbf16> -> vector<512x128xbf16>
    %swap3A_181 = arith.constant 0 : index
    %swap3A_182 = arith.constant 15 : index
    %swap3A_183 = arith.constant 0 : index
    %swap3A_184 = arith.constant 0 : index
    %swap3A_185 = vector.load %arg5[%swap3A_181, %swap3A_182, %swap3A_183, %swap3A_184] : memref<2x16x512x128xbf16, #tpu.memory_space<vmem>>, vector<1x1x512x128xbf16>
    %swap3A_186 = vector.shape_cast %swap3A_185 : vector<1x1x512x128xbf16> to vector<512x128xbf16>
    %swap3A_187 = vector.shape_cast %concatenate3A_180 : vector<512x128xbf16> to vector<1x1x512x128xbf16>
    tpu.vector_store %arg5[%swap3A_181, %swap3A_182, %swap3A_183, %swap3A_184], %swap3A_187 {strides = array<i32>} : memref<2x16x512x128xbf16, #tpu.memory_space<vmem>>, vector<1x1x512x128xbf16>,
    %get3A_188 = arith.constant 0 : index
    %get3A_189 = arith.constant 1 : index
    %get3A_190 = arith.constant 0 : index
    %get3A_191 = vector.load %arg1[%get3A_188, %get3A_189, %get3A_190] : memref<512x2x2048xf32, #tpu.memory_space<vmem>>, vector<512x1x2048xf32>
    %get3A_192 = vector.shape_cast %get3A_191 : vector<512x1x2048xf32> to vector<512x2048xf32>
    %get3A_193 = arith.constant 0 : index
    %get3A_194 = arith.constant 0 : index
    %get3A_195 = vector.load %arg3[%get3A_193, %get3A_194] : memref<1024x2048xf32, #tpu.memory_space<vmem>>, vector<1024x2048xf32>
    %dot_general3A_196 = arith.constant dense<0.000000e+00> : vector<512x1024xf32>
    %dot_general3A_197 = tpu.matmul %get3A_192, %get3A_195, %dot_general3A_196 {dimension_numbers = #tpu.dot_dimension_numbers<[1], [1], [0], [0], [0, 0, 1, 0], [], []>, transpose_lhs_hint = false} : vector<512x2048xf32>, vector<1024x2048xf32>, vector<512x1024xf32> -> vector<512x1024xf32>
    %get3A_198 = arith.constant 0 : index
    %get3A_199 = arith.constant 0 : index
    %get3A_200 = vector.load %arg4[%get3A_198, %get3A_199] : memref<1x1024xf32, #tpu.memory_space<vmem>>, vector<1x1024xf32>
    %add3A_201 = vector.broadcast %get3A_200 : vector<1x1024xf32> to vector<512x1024xf32>
    %add3A_202 = arith.addf %dot_general3A_197, %add3A_201 : vector<512x1024xf32>
    %convert_element_type3A_203 = arith.truncf %add3A_202 : vector<512x1024xf32> to vector<512x1024xbf16>
    %get3A_204 = arith.constant 0 : index
    %get3A_205 = arith.constant 1 : index
    %get3A_206 = arith.constant 0 : index
    %get3A_207 = vector.load %arg2[%get3A_204, %get3A_205, %get3A_206] : memref<8x2x2048xf32, #tpu.memory_space<vmem>>, vector<8x1x2048xf32>
    %get3A_208 = vector.shape_cast %get3A_207 : vector<8x1x2048xf32> to vector<8x2048xf32>
    %get3A_209 = arith.constant 0 : index
    %get3A_210 = arith.constant 0 : index
    %get3A_211 = vector.load %arg3[%get3A_209, %get3A_210] : memref<1024x2048xf32, #tpu.memory_space<vmem>>, vector<1024x2048xf32>
    %dot_general3A_212 = arith.constant dense<0.000000e+00> : vector<8x1024xf32>
    %dot_general3A_213 = tpu.matmul %get3A_208, %get3A_211, %dot_general3A_212 {dimension_numbers = #tpu.dot_dimension_numbers<[1], [1], [0], [0], [0, 0, 1, 0], [], []>, transpose_lhs_hint = false} : vector<8x2048xf32>, vector<1024x2048xf32>, vector<8x1024xf32> -> vector<8x1024xf32>
    %get3A_214 = arith.constant 0 : index
    %get3A_215 = arith.constant 0 : index
    %get3A_216 = vector.load %arg4[%get3A_214, %get3A_215] : memref<1x1024xf32, #tpu.memory_space<vmem>>, vector<1x1024xf32>
    %add3A_217 = vector.broadcast %get3A_216 : vector<1x1024xf32> to vector<8x1024xf32>
    %add3A_218 = arith.addf %dot_general3A_213, %add3A_217 : vector<8x1024xf32>
    %convert_element_type3A_219 = arith.truncf %add3A_218 : vector<8x1024xf32> to vector<8x1024xbf16>
    %slice3A_220 = vector.extract_strided_slice %convert_element_type3A_203 {offsets = [1, 0], sizes = [511, 1024], strides = [1, 1]} : vector<512x1024xbf16> to vector<511x1024xbf16>
    %slice3A_221 = vector.extract_strided_slice %convert_element_type3A_219 {offsets = [0, 0], sizes = [1, 1024], strides = [1, 1]} : vector<8x1024xbf16> to vector<1x1024xbf16>
    %concatenate3A_222 = tpu.concatenate %slice3A_220, %slice3A_221 in 0 : vector<511x1024xbf16>, vector<1x1024xbf16> -> vector<512x1024xbf16>
    %slice3A_223 = vector.extract_strided_slice %convert_element_type3A_203 {offsets = [0, 0], sizes = [512, 64], strides = [1, 1]} : vector<512x1024xbf16> to vector<512x64xbf16>
    %slice3A_224 = vector.extract_strided_slice %concatenate3A_222 {offsets = [0, 0], sizes = [512, 64], strides = [1, 1]} : vector<512x1024xbf16> to vector<512x64xbf16>
    %concatenate3A_225 = tpu.concatenate %slice3A_223, %slice3A_224 in 1 : vector<512x64xbf16>, vector<512x64xbf16> -> vector<512x128xbf16>
    %swap3A_226 = arith.constant 1 : index
    %swap3A_227 = arith.constant 0 : index
    %swap3A_228 = arith.constant 0 : index
    %swap3A_229 = arith.constant 0 : index
    %swap3A_230 = vector.load %arg5[%swap3A_226, %swap3A_227, %swap3A_228, %swap3A_229] : memref<2x16x512x128xbf16, #tpu.memory_space<vmem>>, vector<1x1x512x128xbf16>
    %swap3A_231 = vector.shape_cast %swap3A_230 : vector<1x1x512x128xbf16> to vector<512x128xbf16>
    %swap3A_232 = vector.shape_cast %concatenate3A_225 : vector<512x128xbf16> to vector<1x1x512x128xbf16>
    tpu.vector_store %arg5[%swap3A_226, %swap3A_227, %swap3A_228, %swap3A_229], %swap3A_232 {strides = array<i32>} : memref<2x16x512x128xbf16, #tpu.memory_space<vmem>>, vector<1x1x512x128xbf16>,
    %slice3A_233 = vector.extract_strided_slice %convert_element_type3A_203 {offsets = [0, 64], sizes = [512, 64], strides = [1, 1]} : vector<512x1024xbf16> to vector<512x64xbf16>
    %slice3A_234 = vector.extract_strided_slice %concatenate3A_222 {offsets = [0, 64], sizes = [512, 64], strides = [1, 1]} : vector<512x1024xbf16> to vector<512x64xbf16>
    %concatenate3A_235 = tpu.concatenate %slice3A_233, %slice3A_234 in 1 : vector<512x64xbf16>, vector<512x64xbf16> -> vector<512x128xbf16>
    %swap3A_236 = arith.constant 1 : index
    %swap3A_237 = arith.constant 1 : index
    %swap3A_238 = arith.constant 0 : index
    %swap3A_239 = arith.constant 0 : index
    %swap3A_240 = vector.load %arg5[%swap3A_236, %swap3A_237, %swap3A_238, %swap3A_239] : memref<2x16x512x128xbf16, #tpu.memory_space<vmem>>, vector<1x1x512x128xbf16>
    %swap3A_241 = vector.shape_cast %swap3A_240 : vector<1x1x512x128xbf16> to vector<512x128xbf16>
    %swap3A_242 = vector.shape_cast %concatenate3A_235 : vector<512x128xbf16> to vector<1x1x512x128xbf16>
    tpu.vector_store %arg5[%swap3A_236, %swap3A_237, %swap3A_238, %swap3A_239], %swap3A_242 {strides = array<i32>} : memref<2x16x512x128xbf16, #tpu.memory_space<vmem>>, vector<1x1x512x128xbf16>,
    %slice3A_243 = vector.extract_strided_slice %convert_element_type3A_203 {offsets = [0, 128], sizes = [512, 64], strides = [1, 1]} : vector<512x1024xbf16> to vector<512x64xbf16>
    %slice3A_244 = vector.extract_strided_slice %concatenate3A_222 {offsets = [0, 128], sizes = [512, 64], strides = [1, 1]} : vector<512x1024xbf16> to vector<512x64xbf16>
    %concatenate3A_245 = tpu.concatenate %slice3A_243, %slice3A_244 in 1 : vector<512x64xbf16>, vector<512x64xbf16> -> vector<512x128xbf16>
    %swap3A_246 = arith.constant 1 : index
    %swap3A_247 = arith.constant 2 : index
    %swap3A_248 = arith.constant 0 : index
    %swap3A_249 = arith.constant 0 : index
    %swap3A_250 = vector.load %arg5[%swap3A_246, %swap3A_247, %swap3A_248, %swap3A_249] : memref<2x16x512x128xbf16, #tpu.memory_space<vmem>>, vector<1x1x512x128xbf16>
    %swap3A_251 = vector.shape_cast %swap3A_250 : vector<1x1x512x128xbf16> to vector<512x128xbf16>
    %swap3A_252 = vector.shape_cast %concatenate3A_245 : vector<512x128xbf16> to vector<1x1x512x128xbf16>
    tpu.vector_store %arg5[%swap3A_246, %swap3A_247, %swap3A_248, %swap3A_249], %swap3A_252 {strides = array<i32>} : memref<2x16x512x128xbf16, #tpu.memory_space<vmem>>, vector<1x1x512x128xbf16>,
    %slice3A_253 = vector.extract_strided_slice %convert_element_type3A_203 {offsets = [0, 192], sizes = [512, 64], strides = [1, 1]} : vector<512x1024xbf16> to vector<512x64xbf16>
    %slice3A_254 = vector.extract_strided_slice %concatenate3A_222 {offsets = [0, 192], sizes = [512, 64], strides = [1, 1]} : vector<512x1024xbf16> to vector<512x64xbf16>
    %concatenate3A_255 = tpu.concatenate %slice3A_253, %slice3A_254 in 1 : vector<512x64xbf16>, vector<512x64xbf16> -> vector<512x128xbf16>
    %swap3A_256 = arith.constant 1 : index
    %swap3A_257 = arith.constant 3 : index
    %swap3A_258 = arith.constant 0 : index
    %swap3A_259 = arith.constant 0 : index
    %swap3A_260 = vector.load %arg5[%swap3A_256, %swap3A_257, %swap3A_258, %swap3A_259] : memref<2x16x512x128xbf16, #tpu.memory_space<vmem>>, vector<1x1x512x128xbf16>
    %swap3A_261 = vector.shape_cast %swap3A_260 : vector<1x1x512x128xbf16> to vector<512x128xbf16>
    %swap3A_262 = vector.shape_cast %concatenate3A_255 : vector<512x128xbf16> to vector<1x1x512x128xbf16>
    tpu.vector_store %arg5[%swap3A_256, %swap3A_257, %swap3A_258, %swap3A_259], %swap3A_262 {strides = array<i32>} : memref<2x16x512x128xbf16, #tpu.memory_space<vmem>>, vector<1x1x512x128xbf16>,
    %slice3A_263 = vector.extract_strided_slice %convert_element_type3A_203 {offsets = [0, 256], sizes = [512, 64], strides = [1, 1]} : vector<512x1024xbf16> to vector<512x64xbf16>
    %slice3A_264 = vector.extract_strided_slice %concatenate3A_222 {offsets = [0, 256], sizes = [512, 64], strides = [1, 1]} : vector<512x1024xbf16> to vector<512x64xbf16>
    %concatenate3A_265 = tpu.concatenate %slice3A_263, %slice3A_264 in 1 : vector<512x64xbf16>, vector<512x64xbf16> -> vector<512x128xbf16>
    %swap3A_266 = arith.constant 1 : index
    %swap3A_267 = arith.constant 4 : index
    %swap3A_268 = arith.constant 0 : index
    %swap3A_269 = arith.constant 0 : index
    %swap3A_270 = vector.load %arg5[%swap3A_266, %swap3A_267, %swap3A_268, %swap3A_269] : memref<2x16x512x128xbf16, #tpu.memory_space<vmem>>, vector<1x1x512x128xbf16>
    %swap3A_271 = vector.shape_cast %swap3A_270 : vector<1x1x512x128xbf16> to vector<512x128xbf16>
    %swap3A_272 = vector.shape_cast %concatenate3A_265 : vector<512x128xbf16> to vector<1x1x512x128xbf16>
    tpu.vector_store %arg5[%swap3A_266, %swap3A_267, %swap3A_268, %swap3A_269], %swap3A_272 {strides = array<i32>} : memref<2x16x512x128xbf16, #tpu.memory_space<vmem>>, vector<1x1x512x128xbf16>,
    %slice3A_273 = vector.extract_strided_slice %convert_element_type3A_203 {offsets = [0, 320], sizes = [512, 64], strides = [1, 1]} : vector<512x1024xbf16> to vector<512x64xbf16>
    %slice3A_274 = vector.extract_strided_slice %concatenate3A_222 {offsets = [0, 320], sizes = [512, 64], strides = [1, 1]} : vector<512x1024xbf16> to vector<512x64xbf16>
    %concatenate3A_275 = tpu.concatenate %slice3A_273, %slice3A_274 in 1 : vector<512x64xbf16>, vector<512x64xbf16> -> vector<512x128xbf16>
    %swap3A_276 = arith.constant 1 : index
    %swap3A_277 = arith.constant 5 : index
    %swap3A_278 = arith.constant 0 : index
    %swap3A_279 = arith.constant 0 : index
    %swap3A_280 = vector.load %arg5[%swap3A_276, %swap3A_277, %swap3A_278, %swap3A_279] : memref<2x16x512x128xbf16, #tpu.memory_space<vmem>>, vector<1x1x512x128xbf16>
    %swap3A_281 = vector.shape_cast %swap3A_280 : vector<1x1x512x128xbf16> to vector<512x128xbf16>
    %swap3A_282 = vector.shape_cast %concatenate3A_275 : vector<512x128xbf16> to vector<1x1x512x128xbf16>
    tpu.vector_store %arg5[%swap3A_276, %swap3A_277, %swap3A_278, %swap3A_279], %swap3A_282 {strides = array<i32>} : memref<2x16x512x128xbf16, #tpu.memory_space<vmem>>, vector<1x1x512x128xbf16>,
    %slice3A_283 = vector.extract_strided_slice %convert_element_type3A_203 {offsets = [0, 384], sizes = [512, 64], strides = [1, 1]} : vector<512x1024xbf16> to vector<512x64xbf16>
    %slice3A_284 = vector.extract_strided_slice %concatenate3A_222 {offsets = [0, 384], sizes = [512, 64], strides = [1, 1]} : vector<512x1024xbf16> to vector<512x64xbf16>
    %concatenate3A_285 = tpu.concatenate %slice3A_283, %slice3A_284 in 1 : vector<512x64xbf16>, vector<512x64xbf16> -> vector<512x128xbf16>
    %swap3A_286 = arith.constant 1 : index
    %swap3A_287 = arith.constant 6 : index
    %swap3A_288 = arith.constant 0 : index
    %swap3A_289 = arith.constant 0 : index
    %swap3A_290 = vector.load %arg5[%swap3A_286, %swap3A_287, %swap3A_288, %swap3A_289] : memref<2x16x512x128xbf16, #tpu.memory_space<vmem>>, vector<1x1x512x128xbf16>
    %swap3A_291 = vector.shape_cast %swap3A_290 : vector<1x1x512x128xbf16> to vector<512x128xbf16>
    %swap3A_292 = vector.shape_cast %concatenate3A_285 : vector<512x128xbf16> to vector<1x1x512x128xbf16>
    tpu.vector_store %arg5[%swap3A_286, %swap3A_287, %swap3A_288, %swap3A_289], %swap3A_292 {strides = array<i32>} : memref<2x16x512x128xbf16, #tpu.memory_space<vmem>>, vector<1x1x512x128xbf16>,
    %slice3A_293 = vector.extract_strided_slice %convert_element_type3A_203 {offsets = [0, 448], sizes = [512, 64], strides = [1, 1]} : vector<512x1024xbf16> to vector<512x64xbf16>
    %slice3A_294 = vector.extract_strided_slice %concatenate3A_222 {offsets = [0, 448], sizes = [512, 64], strides = [1, 1]} : vector<512x1024xbf16> to vector<512x64xbf16>
    %concatenate3A_295 = tpu.concatenate %slice3A_293, %slice3A_294 in 1 : vector<512x64xbf16>, vector<512x64xbf16> -> vector<512x128xbf16>
    %swap3A_296 = arith.constant 1 : index
    %swap3A_297 = arith.constant 7 : index
    %swap3A_298 = arith.constant 0 : index
    %swap3A_299 = arith.constant 0 : index
    %swap3A_300 = vector.load %arg5[%swap3A_296, %swap3A_297, %swap3A_298, %swap3A_299] : memref<2x16x512x128xbf16, #tpu.memory_space<vmem>>, vector<1x1x512x128xbf16>
    %swap3A_301 = vector.shape_cast %swap3A_300 : vector<1x1x512x128xbf16> to vector<512x128xbf16>
    %swap3A_302 = vector.shape_cast %concatenate3A_295 : vector<512x128xbf16> to vector<1x1x512x128xbf16>
    tpu.vector_store %arg5[%swap3A_296, %swap3A_297, %swap3A_298, %swap3A_299], %swap3A_302 {strides = array<i32>} : memref<2x16x512x128xbf16, #tpu.memory_space<vmem>>, vector<1x1x512x128xbf16>,
    %slice3A_303 = vector.extract_strided_slice %convert_element_type3A_203 {offsets = [0, 512], sizes = [512, 64], strides = [1, 1]} : vector<512x1024xbf16> to vector<512x64xbf16>
    %slice3A_304 = vector.extract_strided_slice %concatenate3A_222 {offsets = [0, 512], sizes = [512, 64], strides = [1, 1]} : vector<512x1024xbf16> to vector<512x64xbf16>
    %concatenate3A_305 = tpu.concatenate %slice3A_303, %slice3A_304 in 1 : vector<512x64xbf16>, vector<512x64xbf16> -> vector<512x128xbf16>
    %swap3A_306 = arith.constant 1 : index
    %swap3A_307 = arith.constant 8 : index
    %swap3A_308 = arith.constant 0 : index
    %swap3A_309 = arith.constant 0 : index
    %swap3A_310 = vector.load %arg5[%swap3A_306, %swap3A_307, %swap3A_308, %swap3A_309] : memref<2x16x512x128xbf16, #tpu.memory_space<vmem>>, vector<1x1x512x128xbf16>
    %swap3A_311 = vector.shape_cast %swap3A_310 : vector<1x1x512x128xbf16> to vector<512x128xbf16>
    %swap3A_312 = vector.shape_cast %concatenate3A_305 : vector<512x128xbf16> to vector<1x1x512x128xbf16>
    tpu.vector_store %arg5[%swap3A_306, %swap3A_307, %swap3A_308, %swap3A_309], %swap3A_312 {strides = array<i32>} : memref<2x16x512x128xbf16, #tpu.memory_space<vmem>>, vector<1x1x512x128xbf16>,
    %slice3A_313 = vector.extract_strided_slice %convert_element_type3A_203 {offsets = [0, 576], sizes = [512, 64], strides = [1, 1]} : vector<512x1024xbf16> to vector<512x64xbf16>
    %slice3A_314 = vector.extract_strided_slice %concatenate3A_222 {offsets = [0, 576], sizes = [512, 64], strides = [1, 1]} : vector<512x1024xbf16> to vector<512x64xbf16>
    %concatenate3A_315 = tpu.concatenate %slice3A_313, %slice3A_314 in 1 : vector<512x64xbf16>, vector<512x64xbf16> -> vector<512x128xbf16>
    %swap3A_316 = arith.constant 1 : index
    %swap3A_317 = arith.constant 9 : index
    %swap3A_318 = arith.constant 0 : index
    %swap3A_319 = arith.constant 0 : index
    %swap3A_320 = vector.load %arg5[%swap3A_316, %swap3A_317, %swap3A_318, %swap3A_319] : memref<2x16x512x128xbf16, #tpu.memory_space<vmem>>, vector<1x1x512x128xbf16>
    %swap3A_321 = vector.shape_cast %swap3A_320 : vector<1x1x512x128xbf16> to vector<512x128xbf16>
    %swap3A_322 = vector.shape_cast %concatenate3A_315 : vector<512x128xbf16> to vector<1x1x512x128xbf16>
    tpu.vector_store %arg5[%swap3A_316, %swap3A_317, %swap3A_318, %swap3A_319], %swap3A_322 {strides = array<i32>} : memref<2x16x512x128xbf16, #tpu.memory_space<vmem>>, vector<1x1x512x128xbf16>,
    %slice3A_323 = vector.extract_strided_slice %convert_element_type3A_203 {offsets = [0, 640], sizes = [512, 64], strides = [1, 1]} : vector<512x1024xbf16> to vector<512x64xbf16>
    %slice3A_324 = vector.extract_strided_slice %concatenate3A_222 {offsets = [0, 640], sizes = [512, 64], strides = [1, 1]} : vector<512x1024xbf16> to vector<512x64xbf16>
    %concatenate3A_325 = tpu.concatenate %slice3A_323, %slice3A_324 in 1 : vector<512x64xbf16>, vector<512x64xbf16> -> vector<512x128xbf16>
    %swap3A_326 = arith.constant 1 : index
    %swap3A_327 = arith.constant 10 : index
    %swap3A_328 = arith.constant 0 : index
    %swap3A_329 = arith.constant 0 : index
    %swap3A_330 = vector.load %arg5[%swap3A_326, %swap3A_327, %swap3A_328, %swap3A_329] : memref<2x16x512x128xbf16, #tpu.memory_space<vmem>>, vector<1x1x512x128xbf16>
    %swap3A_331 = vector.shape_cast %swap3A_330 : vector<1x1x512x128xbf16> to vector<512x128xbf16>
    %swap3A_332 = vector.shape_cast %concatenate3A_325 : vector<512x128xbf16> to vector<1x1x512x128xbf16>
    tpu.vector_store %arg5[%swap3A_326, %swap3A_327, %swap3A_328, %swap3A_329], %swap3A_332 {strides = array<i32>} : memref<2x16x512x128xbf16, #tpu.memory_space<vmem>>, vector<1x1x512x128xbf16>,
    %slice3A_333 = vector.extract_strided_slice %convert_element_type3A_203 {offsets = [0, 704], sizes = [512, 64], strides = [1, 1]} : vector<512x1024xbf16> to vector<512x64xbf16>
    %slice3A_334 = vector.extract_strided_slice %concatenate3A_222 {offsets = [0, 704], sizes = [512, 64], strides = [1, 1]} : vector<512x1024xbf16> to vector<512x64xbf16>
    %concatenate3A_335 = tpu.concatenate %slice3A_333, %slice3A_334 in 1 : vector<512x64xbf16>, vector<512x64xbf16> -> vector<512x128xbf16>
    %swap3A_336 = arith.constant 1 : index
    %swap3A_337 = arith.constant 11 : index
    %swap3A_338 = arith.constant 0 : index
    %swap3A_339 = arith.constant 0 : index
    %swap3A_340 = vector.load %arg5[%swap3A_336, %swap3A_337, %swap3A_338, %swap3A_339] : memref<2x16x512x128xbf16, #tpu.memory_space<vmem>>, vector<1x1x512x128xbf16>
    %swap3A_341 = vector.shape_cast %swap3A_340 : vector<1x1x512x128xbf16> to vector<512x128xbf16>
    %swap3A_342 = vector.shape_cast %concatenate3A_335 : vector<512x128xbf16> to vector<1x1x512x128xbf16>
    tpu.vector_store %arg5[%swap3A_336, %swap3A_337, %swap3A_338, %swap3A_339], %swap3A_342 {strides = array<i32>} : memref<2x16x512x128xbf16, #tpu.memory_space<vmem>>, vector<1x1x512x128xbf16>,
    %slice3A_343 = vector.extract_strided_slice %convert_element_type3A_203 {offsets = [0, 768], sizes = [512, 64], strides = [1, 1]} : vector<512x1024xbf16> to vector<512x64xbf16>
    %slice3A_344 = vector.extract_strided_slice %concatenate3A_222 {offsets = [0, 768], sizes = [512, 64], strides = [1, 1]} : vector<512x1024xbf16> to vector<512x64xbf16>
    %concatenate3A_345 = tpu.concatenate %slice3A_343, %slice3A_344 in 1 : vector<512x64xbf16>, vector<512x64xbf16> -> vector<512x128xbf16>
    %swap3A_346 = arith.constant 1 : index
    %swap3A_347 = arith.constant 12 : index
    %swap3A_348 = arith.constant 0 : index
    %swap3A_349 = arith.constant 0 : index
    %swap3A_350 = vector.load %arg5[%swap3A_346, %swap3A_347, %swap3A_348, %swap3A_349] : memref<2x16x512x128xbf16, #tpu.memory_space<vmem>>, vector<1x1x512x128xbf16>
    %swap3A_351 = vector.shape_cast %swap3A_350 : vector<1x1x512x128xbf16> to vector<512x128xbf16>
    %swap3A_352 = vector.shape_cast %concatenate3A_345 : vector<512x128xbf16> to vector<1x1x512x128xbf16>
    tpu.vector_store %arg5[%swap3A_346, %swap3A_347, %swap3A_348, %swap3A_349], %swap3A_352 {strides = array<i32>} : memref<2x16x512x128xbf16, #tpu.memory_space<vmem>>, vector<1x1x512x128xbf16>,
    %slice3A_353 = vector.extract_strided_slice %convert_element_type3A_203 {offsets = [0, 832], sizes = [512, 64], strides = [1, 1]} : vector<512x1024xbf16> to vector<512x64xbf16>
    %slice3A_354 = vector.extract_strided_slice %concatenate3A_222 {offsets = [0, 832], sizes = [512, 64], strides = [1, 1]} : vector<512x1024xbf16> to vector<512x64xbf16>
    %concatenate3A_355 = tpu.concatenate %slice3A_353, %slice3A_354 in 1 : vector<512x64xbf16>, vector<512x64xbf16> -> vector<512x128xbf16>
    %swap3A_356 = arith.constant 1 : index
    %swap3A_357 = arith.constant 13 : index
    %swap3A_358 = arith.constant 0 : index
    %swap3A_359 = arith.constant 0 : index
    %swap3A_360 = vector.load %arg5[%swap3A_356, %swap3A_357, %swap3A_358, %swap3A_359] : memref<2x16x512x128xbf16, #tpu.memory_space<vmem>>, vector<1x1x512x128xbf16>
    %swap3A_361 = vector.shape_cast %swap3A_360 : vector<1x1x512x128xbf16> to vector<512x128xbf16>
    %swap3A_362 = vector.shape_cast %concatenate3A_355 : vector<512x128xbf16> to vector<1x1x512x128xbf16>
    tpu.vector_store %arg5[%swap3A_356, %swap3A_357, %swap3A_358, %swap3A_359], %swap3A_362 {strides = array<i32>} : memref<2x16x512x128xbf16, #tpu.memory_space<vmem>>, vector<1x1x512x128xbf16>,
    %slice3A_363 = vector.extract_strided_slice %convert_element_type3A_203 {offsets = [0, 896], sizes = [512, 64], strides = [1, 1]} : vector<512x1024xbf16> to vector<512x64xbf16>
    %slice3A_364 = vector.extract_strided_slice %concatenate3A_222 {offsets = [0, 896], sizes = [512, 64], strides = [1, 1]} : vector<512x1024xbf16> to vector<512x64xbf16>
    %concatenate3A_365 = tpu.concatenate %slice3A_363, %slice3A_364 in 1 : vector<512x64xbf16>, vector<512x64xbf16> -> vector<512x128xbf16>
    %swap3A_366 = arith.constant 1 : index
    %swap3A_367 = arith.constant 14 : index
    %swap3A_368 = arith.constant 0 : index
    %swap3A_369 = arith.constant 0 : index
    %swap3A_370 = vector.load %arg5[%swap3A_366, %swap3A_367, %swap3A_368, %swap3A_369] : memref<2x16x512x128xbf16, #tpu.memory_space<vmem>>, vector<1x1x512x128xbf16>
    %swap3A_371 = vector.shape_cast %swap3A_370 : vector<1x1x512x128xbf16> to vector<512x128xbf16>
    %swap3A_372 = vector.shape_cast %concatenate3A_365 : vector<512x128xbf16> to vector<1x1x512x128xbf16>
    tpu.vector_store %arg5[%swap3A_366, %swap3A_367, %swap3A_368, %swap3A_369], %swap3A_372 {strides = array<i32>} : memref<2x16x512x128xbf16, #tpu.memory_space<vmem>>, vector<1x1x512x128xbf16>,
    %slice3A_373 = vector.extract_strided_slice %convert_element_type3A_203 {offsets = [0, 960], sizes = [512, 64], strides = [1, 1]} : vector<512x1024xbf16> to vector<512x64xbf16>
    %slice3A_374 = vector.extract_strided_slice %concatenate3A_222 {offsets = [0, 960], sizes = [512, 64], strides = [1, 1]} : vector<512x1024xbf16> to vector<512x64xbf16>
    %concatenate3A_375 = tpu.concatenate %slice3A_373, %slice3A_374 in 1 : vector<512x64xbf16>, vector<512x64xbf16> -> vector<512x128xbf16>
    %swap3A_376 = arith.constant 1 : index
    %swap3A_377 = arith.constant 15 : index
    %swap3A_378 = arith.constant 0 : index
    %swap3A_379 = arith.constant 0 : index
    %swap3A_380 = vector.load %arg5[%swap3A_376, %swap3A_377, %swap3A_378, %swap3A_379] : memref<2x16x512x128xbf16, #tpu.memory_space<vmem>>, vector<1x1x512x128xbf16>
    %swap3A_381 = vector.shape_cast %swap3A_380 : vector<1x1x512x128xbf16> to vector<512x128xbf16>
    %swap3A_382 = vector.shape_cast %concatenate3A_375 : vector<512x128xbf16> to vector<1x1x512x128xbf16>
    tpu.vector_store %arg5[%swap3A_376, %swap3A_377, %swap3A_378, %swap3A_379], %swap3A_382 {strides = array<i32>} : memref<2x16x512x128xbf16, #tpu.memory_space<vmem>>, vector<1x1x512x128xbf16>,
    return
  }
  func.func @transform_0(%arg0: i32) -> (i32, i32, i32) {
    %c0_i32 = arith.constant 0 : i32
    %c0_i32_0 = arith.constant 0 : i32
    %c0_i32_1 = arith.constant 0 : i32
    return %arg0, %c0_i32, %c0_i32_0 : i32, i32, i32
  }
  func.func @transform_1(%arg0: i32) -> (i32, i32, i32) {
    %add3A = arith.constant 1 : i32
    %add3A_0 = arith.addi %arg0, %add3A : i32
    %jit3A = arith.constant 8 : i32
    %eq3A = arith.constant 0 : i32
    %eq3A_1 = arith.cmpi eq, %jit3A, %eq3A : i32
    %jit3A_2 = arith.constant 1 : i32
    %select_n3A = arith.select %eq3A_1, %jit3A_2, %jit3A : i32
    %rem3A = arith.remsi %add3A_0, %select_n3A : i32
    %ne3A = arith.constant 0 : i32
    %ne3A_3 = arith.cmpi ne, %rem3A, %ne3A : i32
    %lt3A = arith.constant 0 : i32
    %lt3A_4 = arith.cmpi slt, %rem3A, %lt3A : i32
    %lt3A_5 = arith.constant 0 : i32
    %lt3A_6 = arith.cmpi slt, %select_n3A, %lt3A_5 : i32
    %ne3A_7 = arith.xori %lt3A_4, %lt3A_6 : i1
    %and3A = arith.andi %ne3A_7, %ne3A_3 : i1
    %add3A_8 = arith.addi %rem3A, %select_n3A : i32
    %select_n3A_9 = arith.select %and3A, %add3A_8, %rem3A : i32
    %mul3A = arith.constant 64 : i32
    %mul3A_10 = arith.muli %select_n3A_9, %mul3A : i32
    %c0_i32 = arith.constant 0 : i32
    %c0_i32_11 = arith.constant 0 : i32
    %c0_i32_12 = arith.constant 0 : i32
    return %mul3A_10, %c0_i32, %c0_i32_11 : i32, i32, i32
  }
  func.func @transform_2(%arg0: i32) -> (i32, i32) {
    %c0_i32 = arith.constant 0 : i32
    %c0_i32_0 = arith.constant 0 : i32
    %c0_i32_1 = arith.constant 0 : i32
    return %c0_i32, %c0_i32_0 : i32, i32
  }
  func.func @transform_3(%arg0: i32) -> (i32, i32) {
    %c0_i32 = arith.constant 0 : i32
    %c0_i32_0 = arith.constant 0 : i32
    %c0_i32_1 = arith.constant 0 : i32
    return %c0_i32, %c0_i32_0 : i32, i32
  }
  func.func @transform_4(%arg0: i32) -> (i32, i32, i32, i32) {
    %c0_i32 = arith.constant 0 : i32
    %c0_i32_0 = arith.constant 0 : i32
    %c0_i32_1 = arith.constant 0 : i32
    %c0_i32_2 = arith.constant 0 : i32
    return %c0_i32, %c0_i32_0, %arg0, %c0_i32_1 : i32, i32, i32, i32
  }
}

module attributes {stable_mosaic.version = 14 : i64} {
  func.func @_sampling_body(%arg0: i32, %arg1: memref<256x2x1024xf32, #tpu.memory_space<vmem>>, %arg2: memref<2x256x2xf32, #tpu.memory_space<vmem>>, %arg3: memref<128x1024xf32, #tpu.memory_space<vmem>>, %arg4: memref<1x128xf32, #tpu.memory_space<vmem>>, %arg5: memref<128x1024xf32, #tpu.memory_space<vmem>>, %arg6: memref<1x128xf32, #tpu.memory_space<vmem>>, %arg7: memref<256x2x128xi32, #tpu.memory_space<vmem>>, %arg8: memref<256x2x256xf32, #tpu.memory_space<vmem>>) attributes {dimension_semantics = [#tpu.dimension_semantics<arbitrary>], iteration_bounds = array<i64: 4>, scalar_prefetch = 0 : i64, scratch_operands = 0 : i64, tpu.core_type = #tpu.core_type<tc>, window_params = [{transform_indices = @transform_0, window_bounds = array<i64: 256, 2, 1024>}, {transform_indices = @transform_1, window_bounds = array<i64: 2, 256, 2>}, {pipeline_mode = #tpu.pipeline_mode<synchronous>, transform_indices = @transform_2, window_bounds = array<i64: 128, 1024>}, {pipeline_mode = #tpu.pipeline_mode<synchronous>, transform_indices = @transform_3, window_bounds = array<i64: 1, 128>}, {pipeline_mode = #tpu.pipeline_mode<synchronous>, transform_indices = @transform_4, window_bounds = array<i64: 128, 1024>}, {pipeline_mode = #tpu.pipeline_mode<synchronous>, transform_indices = @transform_5, window_bounds = array<i64: 1, 128>}, {transform_indices = @transform_6, window_bounds = array<i64: 256, 2, 128>}, {transform_indices = @transform_7, window_bounds = array<i64: 256, 2, 256>}]} {
    %get3A = arith.constant 0 : index
    %get3A_0 = arith.constant 0 : index
    %get3A_1 = arith.constant 0 : index
    %get3A_2 = vector.load %arg1[%get3A, %get3A_0, %get3A_1] : memref<256x2x1024xf32, #tpu.memory_space<vmem>>, vector<256x1x1024xf32>
    %get3A_3 = vector.shape_cast %get3A_2 : vector<256x1x1024xf32> to vector<256x1024xf32>
    %get3A_4 = arith.constant 0 : index
    %get3A_5 = arith.constant 1 : index
    %get3A_6 = arith.constant 0 : index
    %get3A_7 = vector.load %arg1[%get3A_4, %get3A_5, %get3A_6] : memref<256x2x1024xf32, #tpu.memory_space<vmem>>, vector<256x1x1024xf32>
    %get3A_8 = vector.shape_cast %get3A_7 : vector<256x1x1024xf32> to vector<256x1024xf32>
    %concatenate3A = tpu.concatenate %get3A_3, %get3A_8 in 0 : vector<256x1024xf32>, vector<256x1024xf32> -> vector<512x1024xf32>
    %get3A_9 = arith.constant 0 : index
    %get3A_10 = arith.constant 0 : index
    %get3A_11 = vector.load %arg3[%get3A_9, %get3A_10] : memref<128x1024xf32, #tpu.memory_space<vmem>>, vector<128x1024xf32>
    %dot_general3A = arith.constant dense<0.000000e+00> : vector<512x128xf32>
    %dot_general3A_12 = tpu.matmul %concatenate3A, %get3A_11, %dot_general3A {dimension_numbers = #tpu.dot_dimension_numbers<[1], [1], [0], [0], [0, 0, 1, 0], [], []>, transpose_lhs_hint = false} : vector<512x1024xf32>, vector<128x1024xf32>, vector<512x128xf32> -> vector<512x128xf32>
    %get3A_13 = arith.constant 0 : index
    %get3A_14 = arith.constant 0 : index
    %get3A_15 = vector.load %arg4[%get3A_13, %get3A_14] : memref<1x128xf32, #tpu.memory_space<vmem>>, vector<1x128xf32>
    %add3A = vector.broadcast %get3A_15 : vector<1x128xf32> to vector<512x128xf32>
    %add3A_16 = arith.addf %dot_general3A_12, %add3A : vector<512x128xf32>
    %get3A_17 = arith.constant 0 : index
    %get3A_18 = arith.constant 0 : index
    %get3A_19 = vector.load %arg5[%get3A_17, %get3A_18] : memref<128x1024xf32, #tpu.memory_space<vmem>>, vector<128x1024xf32>
    %dot_general3A_20 = arith.constant dense<0.000000e+00> : vector<512x128xf32>
    %dot_general3A_21 = tpu.matmul %concatenate3A, %get3A_19, %dot_general3A_20 {dimension_numbers = #tpu.dot_dimension_numbers<[1], [1], [0], [0], [0, 0, 1, 0], [], []>, transpose_lhs_hint = false} : vector<512x1024xf32>, vector<128x1024xf32>, vector<512x128xf32> -> vector<512x128xf32>
    %get3A_22 = arith.constant 0 : index
    %get3A_23 = arith.constant 0 : index
    %get3A_24 = vector.load %arg6[%get3A_22, %get3A_23] : memref<1x128xf32, #tpu.memory_space<vmem>>, vector<1x128xf32>
    %add3A_25 = vector.broadcast %get3A_24 : vector<1x128xf32> to vector<512x128xf32>
    %add3A_26 = arith.addf %dot_general3A_21, %add3A_25 : vector<512x128xf32>
    %reduce_max3A = arith.constant dense<0xFF800000> : vector<512xf32>
    %reduce_max3A_27 = vector.multi_reduction <maximumf>, %add3A_26, %reduce_max3A [1] : vector<512x128xf32> to vector<512xf32>
    %broadcast_in_dim3A = vector.shape_cast %reduce_max3A_27 : vector<512xf32> to vector<512x1xf32>
    %sub3A = vector.broadcast %broadcast_in_dim3A : vector<512x1xf32> to vector<512x128xf32>
    %sub3A_28 = arith.subf %add3A_26, %sub3A : vector<512x128xf32>
    %exp3A = math.exp %sub3A_28 : vector<512x128xf32>
    %iota3A = tpu.iota {dimensions = array<i32: 0>} : vector<128x128xi32>
    %jit3A = arith.constant 8 : i32
    %div3A = vector.broadcast %jit3A : i32 to vector<128x128xi32>
    %div3A_29 = arith.divsi %iota3A, %div3A : vector<128x128xi32>
    %sign3A = arith.constant 0 : i32
    %sign3A_30 = vector.broadcast %sign3A : i32 to vector<128x128xi32>
    %sign3A_31 = arith.cmpi sgt, %iota3A, %sign3A_30 : vector<128x128xi32>
    %sign3A_32 = arith.extui %sign3A_31 : vector<128x128xi1> to vector<128x128xi32>
    %sign3A_33 = arith.constant 0 : i32
    %sign3A_34 = vector.broadcast %sign3A_33 : i32 to vector<128x128xi32>
    %sign3A_35 = arith.cmpi slt, %iota3A, %sign3A_34 : vector<128x128xi32>
    %sign3A_36 = arith.extui %sign3A_35 : vector<128x128xi1> to vector<128x128xi32>
    %sign3A_37 = arith.subi %sign3A_32, %sign3A_36 : vector<128x128xi32>
    %sign3A_38 = arith.constant 0 : i32
    %sign3A_39 = arith.cmpi sgt, %jit3A, %sign3A_38 : i32
    %sign3A_40 = arith.extui %sign3A_39 : i1 to i32
    %sign3A_41 = arith.constant 0 : i32
    %sign3A_42 = arith.cmpi slt, %jit3A, %sign3A_41 : i32
    %sign3A_43 = arith.extui %sign3A_42 : i1 to i32
    %sign3A_44 = arith.subi %sign3A_40, %sign3A_43 : i32
    %ne3A = vector.broadcast %sign3A_44 : i32 to vector<128x128xi32>
    %ne3A_45 = arith.cmpi ne, %sign3A_37, %ne3A : vector<128x128xi32>
    %rem3A = vector.broadcast %jit3A : i32 to vector<128x128xi32>
    %rem3A_46 = arith.remsi %iota3A, %rem3A : vector<128x128xi32>
    %ne3A_47 = arith.constant 0 : i32
    %ne3A_48 = vector.broadcast %ne3A_47 : i32 to vector<128x128xi32>
    %ne3A_49 = arith.cmpi ne, %rem3A_46, %ne3A_48 : vector<128x128xi32>
    %and3A = arith.andi %ne3A_45, %ne3A_49 : vector<128x128xi1>
    %sub3A_50 = arith.constant 1 : i32
    %sub3A_51 = vector.broadcast %sub3A_50 : i32 to vector<128x128xi32>
    %sub3A_52 = arith.subi %div3A_29, %sub3A_51 : vector<128x128xi32>
    %select_n3A = arith.select %and3A, %sub3A_52, %div3A_29 : vector<128x128xi1>, vector<128x128xi32>
    %iota3A_53 = tpu.iota {dimensions = array<i32: 1>} : vector<128x128xi32>
    %jit3A_54 = arith.constant 8 : i32
    %div3A_55 = vector.broadcast %jit3A_54 : i32 to vector<128x128xi32>
    %div3A_56 = arith.divsi %iota3A_53, %div3A_55 : vector<128x128xi32>
    %sign3A_57 = arith.constant 0 : i32
    %sign3A_58 = vector.broadcast %sign3A_57 : i32 to vector<128x128xi32>
    %sign3A_59 = arith.cmpi sgt, %iota3A_53, %sign3A_58 : vector<128x128xi32>
    %sign3A_60 = arith.extui %sign3A_59 : vector<128x128xi1> to vector<128x128xi32>
    %sign3A_61 = arith.constant 0 : i32
    %sign3A_62 = vector.broadcast %sign3A_61 : i32 to vector<128x128xi32>
    %sign3A_63 = arith.cmpi slt, %iota3A_53, %sign3A_62 : vector<128x128xi32>
    %sign3A_64 = arith.extui %sign3A_63 : vector<128x128xi1> to vector<128x128xi32>
    %sign3A_65 = arith.subi %sign3A_60, %sign3A_64 : vector<128x128xi32>
    %sign3A_66 = arith.constant 0 : i32
    %sign3A_67 = arith.cmpi sgt, %jit3A_54, %sign3A_66 : i32
    %sign3A_68 = arith.extui %sign3A_67 : i1 to i32
    %sign3A_69 = arith.constant 0 : i32
    %sign3A_70 = arith.cmpi slt, %jit3A_54, %sign3A_69 : i32
    %sign3A_71 = arith.extui %sign3A_70 : i1 to i32
    %sign3A_72 = arith.subi %sign3A_68, %sign3A_71 : i32
    %ne3A_73 = vector.broadcast %sign3A_72 : i32 to vector<128x128xi32>
    %ne3A_74 = arith.cmpi ne, %sign3A_65, %ne3A_73 : vector<128x128xi32>
    %rem3A_75 = vector.broadcast %jit3A_54 : i32 to vector<128x128xi32>
    %rem3A_76 = arith.remsi %iota3A_53, %rem3A_75 : vector<128x128xi32>
    %ne3A_77 = arith.constant 0 : i32
    %ne3A_78 = vector.broadcast %ne3A_77 : i32 to vector<128x128xi32>
    %ne3A_79 = arith.cmpi ne, %rem3A_76, %ne3A_78 : vector<128x128xi32>
    %and3A_80 = arith.andi %ne3A_74, %ne3A_79 : vector<128x128xi1>
    %sub3A_81 = arith.constant 1 : i32
    %sub3A_82 = vector.broadcast %sub3A_81 : i32 to vector<128x128xi32>
    %sub3A_83 = arith.subi %div3A_56, %sub3A_82 : vector<128x128xi32>
    %select_n3A_84 = arith.select %and3A_80, %sub3A_83, %div3A_56 : vector<128x128xi1>, vector<128x128xi32>
    %eq3A = arith.cmpi eq, %select_n3A, %select_n3A_84 : vector<128x128xi32>
    %convert_element_type3A = arith.extui %eq3A : vector<128x128xi1> to vector<128x128xi32>
    %convert_element_type3A_85 = arith.sitofp %convert_element_type3A : vector<128x128xi32> to vector<128x128xf32>
    %dot_general3A_86 = arith.constant dense<0.000000e+00> : vector<512x128xf32>
    %dot_general3A_87 = tpu.matmul %exp3A, %convert_element_type3A_85, %dot_general3A_86 {dimension_numbers = #tpu.dot_dimension_numbers<[1], [0], [0], [1], [0, 0, 1, 1], [], []>, transpose_lhs_hint = false} : vector<512x128xf32>, vector<128x128xf32>, vector<512x128xf32> -> vector<512x128xf32>
    %div3A_88 = arith.divf %exp3A, %dot_general3A_87 : vector<512x128xf32>
    %get3A_89 = arith.constant 0 : index
    %get3A_90 = arith.constant 0 : index
    %get3A_91 = arith.constant 0 : index
    %get3A_92 = vector.load %arg2[%get3A_89, %get3A_90, %get3A_91] : memref<2x256x2xf32, #tpu.memory_space<vmem>>, vector<1x256x2xf32>
    %get3A_93 = vector.shape_cast %get3A_92 : vector<1x256x2xf32> to vector<256x2xf32>
    %slice3A = vector.extract_strided_slice %get3A_93 {offsets = [0, 0], sizes = [256, 1], strides = [1, 1]} : vector<256x2xf32> to vector<256x1xf32>
    %get3A_94 = arith.constant 1 : index
    %get3A_95 = arith.constant 0 : index
    %get3A_96 = arith.constant 0 : index
    %get3A_97 = vector.load %arg2[%get3A_94, %get3A_95, %get3A_96] : memref<2x256x2xf32, #tpu.memory_space<vmem>>, vector<1x256x2xf32>
    %get3A_98 = vector.shape_cast %get3A_97 : vector<1x256x2xf32> to vector<256x2xf32>
    %slice3A_99 = vector.extract_strided_slice %get3A_98 {offsets = [0, 0], sizes = [256, 1], strides = [1, 1]} : vector<256x2xf32> to vector<256x1xf32>
    %concatenate3A_100 = tpu.concatenate %slice3A, %slice3A_99 in 0 : vector<256x1xf32>, vector<256x1xf32> -> vector<512x1xf32>
    %get3A_101 = arith.constant 0 : index
    %get3A_102 = arith.constant 0 : index
    %get3A_103 = arith.constant 0 : index
    %get3A_104 = vector.load %arg2[%get3A_101, %get3A_102, %get3A_103] : memref<2x256x2xf32, #tpu.memory_space<vmem>>, vector<1x256x2xf32>
    %get3A_105 = vector.shape_cast %get3A_104 : vector<1x256x2xf32> to vector<256x2xf32>
    %slice3A_106 = vector.extract_strided_slice %get3A_105 {offsets = [0, 1], sizes = [256, 1], strides = [1, 1]} : vector<256x2xf32> to vector<256x1xf32>
    %get3A_107 = arith.constant 1 : index
    %get3A_108 = arith.constant 0 : index
    %get3A_109 = arith.constant 0 : index
    %get3A_110 = vector.load %arg2[%get3A_107, %get3A_108, %get3A_109] : memref<2x256x2xf32, #tpu.memory_space<vmem>>, vector<1x256x2xf32>
    %get3A_111 = vector.shape_cast %get3A_110 : vector<1x256x2xf32> to vector<256x2xf32>
    %slice3A_112 = vector.extract_strided_slice %get3A_111 {offsets = [0, 1], sizes = [256, 1], strides = [1, 1]} : vector<256x2xf32> to vector<256x1xf32>
    %concatenate3A_113 = tpu.concatenate %slice3A_106, %slice3A_112 in 0 : vector<256x1xf32>, vector<256x1xf32> -> vector<512x1xf32>
    %iota3A_114 = tpu.iota {dimensions = array<i32: 1>} : vector<512x128xi32>
    %jit3A_115 = arith.constant 2 : i32
    %eq3A_116 = arith.constant 0 : i32
    %eq3A_117 = arith.cmpi eq, %jit3A_115, %eq3A_116 : i32
    %jit3A_118 = arith.constant 1 : i32
    %select_n3A_119 = arith.select %eq3A_117, %jit3A_118, %jit3A_115 : i32
    %rem3A_120 = vector.broadcast %select_n3A_119 : i32 to vector<512x128xi32>
    %rem3A_121 = arith.remsi %iota3A_114, %rem3A_120 : vector<512x128xi32>
    %ne3A_122 = arith.constant 0 : i32
    %ne3A_123 = vector.broadcast %ne3A_122 : i32 to vector<512x128xi32>
    %ne3A_124 = arith.cmpi ne, %rem3A_121, %ne3A_123 : vector<512x128xi32>
    %lt3A = arith.constant 0 : i32
    %lt3A_125 = vector.broadcast %lt3A : i32 to vector<512x128xi32>
    %lt3A_126 = arith.cmpi slt, %rem3A_121, %lt3A_125 : vector<512x128xi32>
    %lt3A_127 = arith.constant 0 : i32
    %lt3A_128 = arith.cmpi slt, %select_n3A_119, %lt3A_127 : i32
    %ne3A_129 = vector.broadcast %lt3A_128 : i1 to vector<512x128xi1>
    %ne3A_130 = vector.broadcast %ne3A_129 : vector<512x128xi1> to vector<512x128xi1>
    %ne3A_131 = arith.xori %lt3A_126, %ne3A_130 : vector<512x128xi1>
    %and3A_132 = arith.andi %ne3A_131, %ne3A_124 : vector<512x128xi1>
    %add3A_133 = vector.broadcast %select_n3A_119 : i32 to vector<512x128xi32>
    %add3A_134 = arith.addi %rem3A_121, %add3A_133 : vector<512x128xi32>
    %select_n3A_135 = arith.select %and3A_132, %add3A_134, %rem3A_121 : vector<512x128xi1>, vector<512x128xi32>
    %eq3A_136 = arith.constant 0 : i32
    %eq3A_137 = vector.broadcast %eq3A_136 : i32 to vector<512x128xi32>
    %eq3A_138 = arith.cmpi eq, %select_n3A_135, %eq3A_137 : vector<512x128xi32>
    %mul3A = arith.constant 5.000000e-01 : f32
    %mul3A_139 = vector.broadcast %mul3A : f32 to vector<512x1xf32>
    %mul3A_140 = arith.mulf %mul3A_139, %concatenate3A_113 : vector<512x1xf32>
    %sub3A_141 = arith.subf %concatenate3A_100, %mul3A_140 : vector<512x1xf32>
    %mul3A_142 = arith.constant 5.000000e-01 : f32
    %mul3A_143 = vector.broadcast %mul3A_142 : f32 to vector<512x1xf32>
    %mul3A_144 = arith.mulf %mul3A_143, %concatenate3A_113 : vector<512x1xf32>
    %add3A_145 = arith.addf %concatenate3A_100, %mul3A_144 : vector<512x1xf32>
    %broadcast_in_dim3A_146 = vector.shape_cast %sub3A_141 : vector<512x1xf32> to vector<512x1xf32>
    %broadcast_in_dim3A_147 = vector.broadcast %broadcast_in_dim3A_146 : vector<512x1xf32> to vector<512x128xf32>
    %broadcast_in_dim3A_148 = vector.shape_cast %add3A_145 : vector<512x1xf32> to vector<512x1xf32>
    %broadcast_in_dim3A_149 = vector.broadcast %broadcast_in_dim3A_148 : vector<512x1xf32> to vector<512x128xf32>
    %select_n3A_150 = arith.select %eq3A_138, %broadcast_in_dim3A_147, %broadcast_in_dim3A_149 : vector<512x128xi1>, vector<512x128xf32>
    %mul3A_151 = vector.broadcast %concatenate3A_113 : vector<512x1xf32> to vector<512x128xf32>
    %mul3A_152 = arith.mulf %add3A_16, %mul3A_151 : vector<512x128xf32>
    %mul3A_153 = arith.constant 5.000000e-01 : f32
    %mul3A_154 = vector.broadcast %mul3A_153 : f32 to vector<512x128xf32>
    %mul3A_155 = arith.mulf %mul3A_152, %mul3A_154 : vector<512x128xf32>
    %add3A_156 = arith.addf %select_n3A_150, %mul3A_155 : vector<512x128xf32>
    %jit3A_157 = arith.constant 0.000000e+00 : f32
    %jit3A_158 = arith.constant 1.000000e+00 : f32
    %max3A = vector.broadcast %jit3A_157 : f32 to vector<512x128xf32>
    %max3A_159 = arith.maximumf %max3A, %add3A_156 : vector<512x128xf32>
    %min3A = vector.broadcast %jit3A_158 : f32 to vector<512x128xf32>
    %min3A_160 = arith.minimumf %min3A, %max3A_159 : vector<512x128xf32>
    %mul3A_161 = arith.constant 4.096000e+03 : f32
    %mul3A_162 = vector.broadcast %mul3A_161 : f32 to vector<512x128xf32>
    %mul3A_163 = arith.mulf %min3A_160, %mul3A_162 : vector<512x128xf32>
    %sub3A_164 = arith.constant 5.000000e-01 : f32
    %sub3A_165 = vector.broadcast %sub3A_164 : f32 to vector<512x128xf32>
    %sub3A_166 = arith.subf %mul3A_163, %sub3A_165 : vector<512x128xf32>
    %floor3A = math.floor %sub3A_166 : vector<512x128xf32>
    %sub3A_167 = arith.subf %sub3A_166, %floor3A : vector<512x128xf32>
    %sub3A_168 = arith.constant 1.000000e+00 : f32
    %sub3A_169 = vector.broadcast %sub3A_168 : f32 to vector<512x128xf32>
    %sub3A_170 = arith.subf %sub3A_169, %sub3A_167 : vector<512x128xf32>
    %convert_element_type3A_171 = arith.fptosi %floor3A : vector<512x128xf32> to vector<512x128xi32>
    %add3A_172 = arith.constant 1 : i32
    %add3A_173 = vector.broadcast %add3A_172 : i32 to vector<512x128xi32>
    %add3A_174 = arith.addi %convert_element_type3A_171, %add3A_173 : vector<512x128xi32>
    %ge3A = arith.constant 0 : i32
    %ge3A_175 = vector.broadcast %ge3A : i32 to vector<512x128xi32>
    %ge3A_176 = arith.cmpi sge, %convert_element_type3A_171, %ge3A_175 : vector<512x128xi32>
    %lt3A_177 = arith.constant 4096 : i32
    %lt3A_178 = vector.broadcast %lt3A_177 : i32 to vector<512x128xi32>
    %lt3A_179 = arith.cmpi slt, %convert_element_type3A_171, %lt3A_178 : vector<512x128xi32>
    %and3A_180 = arith.andi %ge3A_176, %lt3A_179 : vector<512x128xi1>
    %convert_element_type3A_181 = arith.extui %and3A_180 : vector<512x128xi1> to vector<512x128xi32>
    %convert_element_type3A_182 = arith.sitofp %convert_element_type3A_181 : vector<512x128xi32> to vector<512x128xf32>
    %ge3A_183 = arith.constant 0 : i32
    %ge3A_184 = vector.broadcast %ge3A_183 : i32 to vector<512x128xi32>
    %ge3A_185 = arith.cmpi sge, %add3A_174, %ge3A_184 : vector<512x128xi32>
    %lt3A_186 = arith.constant 4096 : i32
    %lt3A_187 = vector.broadcast %lt3A_186 : i32 to vector<512x128xi32>
    %lt3A_188 = arith.cmpi slt, %add3A_174, %lt3A_187 : vector<512x128xi32>
    %and3A_189 = arith.andi %ge3A_185, %lt3A_188 : vector<512x128xi1>
    %convert_element_type3A_190 = arith.extui %and3A_189 : vector<512x128xi1> to vector<512x128xi32>
    %convert_element_type3A_191 = arith.sitofp %convert_element_type3A_190 : vector<512x128xi32> to vector<512x128xf32>
    %jit3A_192 = arith.constant 0 : i32
    %jit3A_193 = arith.constant 4095 : i32
    %max3A_194 = vector.broadcast %jit3A_192 : i32 to vector<512x128xi32>
    %max3A_195 = arith.maxsi %max3A_194, %convert_element_type3A_171 : vector<512x128xi32>
    %min3A_196 = vector.broadcast %jit3A_193 : i32 to vector<512x128xi32>
    %min3A_197 = arith.minsi %min3A_196, %max3A_195 : vector<512x128xi32>
    %jit3A_198 = arith.constant 8 : i32
    %div3A_199 = vector.broadcast %jit3A_198 : i32 to vector<512x128xi32>
    %div3A_200 = arith.divsi %iota3A_114, %div3A_199 : vector<512x128xi32>
    %sign3A_201 = arith.constant 0 : i32
    %sign3A_202 = vector.broadcast %sign3A_201 : i32 to vector<512x128xi32>
    %sign3A_203 = arith.cmpi sgt, %iota3A_114, %sign3A_202 : vector<512x128xi32>
    %sign3A_204 = arith.extui %sign3A_203 : vector<512x128xi1> to vector<512x128xi32>
    %sign3A_205 = arith.constant 0 : i32
    %sign3A_206 = vector.broadcast %sign3A_205 : i32 to vector<512x128xi32>
    %sign3A_207 = arith.cmpi slt, %iota3A_114, %sign3A_206 : vector<512x128xi32>
    %sign3A_208 = arith.extui %sign3A_207 : vector<512x128xi1> to vector<512x128xi32>
    %sign3A_209 = arith.subi %sign3A_204, %sign3A_208 : vector<512x128xi32>
    %sign3A_210 = arith.constant 0 : i32
    %sign3A_211 = arith.cmpi sgt, %jit3A_198, %sign3A_210 : i32
    %sign3A_212 = arith.extui %sign3A_211 : i1 to i32
    %sign3A_213 = arith.constant 0 : i32
    %sign3A_214 = arith.cmpi slt, %jit3A_198, %sign3A_213 : i32
    %sign3A_215 = arith.extui %sign3A_214 : i1 to i32
    %sign3A_216 = arith.subi %sign3A_212, %sign3A_215 : i32
    %ne3A_217 = vector.broadcast %sign3A_216 : i32 to vector<512x128xi32>
    %ne3A_218 = arith.cmpi ne, %sign3A_209, %ne3A_217 : vector<512x128xi32>
    %rem3A_219 = vector.broadcast %jit3A_198 : i32 to vector<512x128xi32>
    %rem3A_220 = arith.remsi %iota3A_114, %rem3A_219 : vector<512x128xi32>
    %ne3A_221 = arith.constant 0 : i32
    %ne3A_222 = vector.broadcast %ne3A_221 : i32 to vector<512x128xi32>
    %ne3A_223 = arith.cmpi ne, %rem3A_220, %ne3A_222 : vector<512x128xi32>
    %and3A_224 = arith.andi %ne3A_218, %ne3A_223 : vector<512x128xi1>
    %sub3A_225 = arith.constant 1 : i32
    %sub3A_226 = vector.broadcast %sub3A_225 : i32 to vector<512x128xi32>
    %sub3A_227 = arith.subi %div3A_200, %sub3A_226 : vector<512x128xi32>
    %select_n3A_228 = arith.select %and3A_224, %sub3A_227, %div3A_200 : vector<512x128xi1>, vector<512x128xi32>
    %iota3A_229 = tpu.iota {dimensions = array<i32: 0>} : vector<512x128xi32>
    %jit3A_230 = arith.constant 256 : i32
    %div3A_231 = vector.broadcast %jit3A_230 : i32 to vector<512x128xi32>
    %div3A_232 = arith.divsi %iota3A_229, %div3A_231 : vector<512x128xi32>
    %sign3A_233 = arith.constant 0 : i32
    %sign3A_234 = vector.broadcast %sign3A_233 : i32 to vector<512x128xi32>
    %sign3A_235 = arith.cmpi sgt, %iota3A_229, %sign3A_234 : vector<512x128xi32>
    %sign3A_236 = arith.extui %sign3A_235 : vector<512x128xi1> to vector<512x128xi32>
    %sign3A_237 = arith.constant 0 : i32
    %sign3A_238 = vector.broadcast %sign3A_237 : i32 to vector<512x128xi32>
    %sign3A_239 = arith.cmpi slt, %iota3A_229, %sign3A_238 : vector<512x128xi32>
    %sign3A_240 = arith.extui %sign3A_239 : vector<512x128xi1> to vector<512x128xi32>
    %sign3A_241 = arith.subi %sign3A_236, %sign3A_240 : vector<512x128xi32>
    %sign3A_242 = arith.constant 0 : i32
    %sign3A_243 = arith.cmpi sgt, %jit3A_230, %sign3A_242 : i32
    %sign3A_244 = arith.extui %sign3A_243 : i1 to i32
    %sign3A_245 = arith.constant 0 : i32
    %sign3A_246 = arith.cmpi slt, %jit3A_230, %sign3A_245 : i32
    %sign3A_247 = arith.extui %sign3A_246 : i1 to i32
    %sign3A_248 = arith.subi %sign3A_244, %sign3A_247 : i32
    %ne3A_249 = vector.broadcast %sign3A_248 : i32 to vector<512x128xi32>
    %ne3A_250 = arith.cmpi ne, %sign3A_241, %ne3A_249 : vector<512x128xi32>
    %rem3A_251 = vector.broadcast %jit3A_230 : i32 to vector<512x128xi32>
    %rem3A_252 = arith.remsi %iota3A_229, %rem3A_251 : vector<512x128xi32>
    %ne3A_253 = arith.constant 0 : i32
    %ne3A_254 = vector.broadcast %ne3A_253 : i32 to vector<512x128xi32>
    %ne3A_255 = arith.cmpi ne, %rem3A_252, %ne3A_254 : vector<512x128xi32>
    %and3A_256 = arith.andi %ne3A_250, %ne3A_255 : vector<512x128xi1>
    %sub3A_257 = arith.constant 1 : i32
    %sub3A_258 = vector.broadcast %sub3A_257 : i32 to vector<512x128xi32>
    %sub3A_259 = arith.subi %div3A_232, %sub3A_258 : vector<512x128xi32>
    %select_n3A_260 = arith.select %and3A_256, %sub3A_259, %div3A_232 : vector<512x128xi1>, vector<512x128xi32>
    %mul3A_261 = arith.constant 16 : i32
    %mul3A_262 = vector.broadcast %mul3A_261 : i32 to vector<512x128xi32>
    %mul3A_263 = arith.muli %select_n3A_260, %mul3A_262 : vector<512x128xi32>
    %add3A_264 = arith.addi %mul3A_263, %select_n3A_228 : vector<512x128xi32>
    %mul3A_265 = arith.constant 4096 : i32
    %mul3A_266 = vector.broadcast %mul3A_265 : i32 to vector<512x128xi32>
    %mul3A_267 = arith.muli %add3A_264, %mul3A_266 : vector<512x128xi32>
    %add3A_268 = arith.addi %mul3A_267, %min3A_197 : vector<512x128xi32>
    %mul3A_269 = arith.mulf %div3A_88, %sub3A_170 : vector<512x128xf32>
    %mul3A_270 = arith.mulf %mul3A_269, %convert_element_type3A_182 : vector<512x128xf32>
    %mul3A_271 = arith.mulf %div3A_88, %sub3A_167 : vector<512x128xf32>
    %mul3A_272 = arith.mulf %mul3A_271, %convert_element_type3A_191 : vector<512x128xf32>
    %lt3A_273 = arith.constant 0 : i32
    %lt3A_274 = vector.broadcast %lt3A_273 : i32 to vector<512x128xi32>
    %lt3A_275 = arith.cmpi slt, %convert_element_type3A_171, %lt3A_274 : vector<512x128xi32>
    %convert_element_type3A_276 = arith.extui %lt3A_275 : vector<512x128xi1> to vector<512x128xi32>
    %convert_element_type3A_277 = arith.sitofp %convert_element_type3A_276 : vector<512x128xi32> to vector<512x128xf32>
    %mul3A_278 = arith.mulf %convert_element_type3A_277, %mul3A_272 : vector<512x128xf32>
    %add3A_279 = arith.addf %mul3A_270, %mul3A_278 : vector<512x128xf32>
    %sub3A_280 = arith.constant 1.000000e+00 : f32
    %sub3A_281 = vector.broadcast %sub3A_280 : f32 to vector<512x128xf32>
    %sub3A_282 = arith.subf %sub3A_281, %convert_element_type3A_277 : vector<512x128xf32>
    %mul3A_283 = arith.mulf %sub3A_282, %mul3A_272 : vector<512x128xf32>
    %slice3A_284 = vector.extract_strided_slice %add3A_268 {offsets = [0, 0], sizes = [256, 128], strides = [1, 1]} : vector<512x128xi32> to vector<256x128xi32>
    %swap3A = arith.constant 0 : index
    %swap3A_285 = arith.constant 0 : index
    %swap3A_286 = arith.constant 0 : index
    %swap3A_287 = vector.load %arg7[%swap3A, %swap3A_285, %swap3A_286] : memref<256x2x128xi32, #tpu.memory_space<vmem>>, vector<256x1x128xi32>
    %swap3A_288 = vector.shape_cast %swap3A_287 : vector<256x1x128xi32> to vector<256x128xi32>
    %swap3A_289 = vector.shape_cast %slice3A_284 : vector<256x128xi32> to vector<256x1x128xi32>
    tpu.vector_store %arg7[%swap3A, %swap3A_285, %swap3A_286], %swap3A_289 {strides = array<i32>} : memref<256x2x128xi32, #tpu.memory_space<vmem>>, vector<256x1x128xi32>,
    %slice3A_290 = vector.extract_strided_slice %add3A_279 {offsets = [0, 0], sizes = [256, 128], strides = [1, 1]} : vector<512x128xf32> to vector<256x128xf32>
    %swap3A_291 = arith.constant 0 : index
    %swap3A_292 = arith.constant 0 : index
    %swap3A_293 = arith.constant 0 : index
    %swap3A_294 = vector.load %arg8[%swap3A_291, %swap3A_292, %swap3A_293] : memref<256x2x256xf32, #tpu.memory_space<vmem>>, vector<256x1x128xf32>
    %swap3A_295 = vector.shape_cast %swap3A_294 : vector<256x1x128xf32> to vector<256x128xf32>
    %swap3A_296 = vector.shape_cast %slice3A_290 : vector<256x128xf32> to vector<256x1x128xf32>
    tpu.vector_store %arg8[%swap3A_291, %swap3A_292, %swap3A_293], %swap3A_296 {strides = array<i32>} : memref<256x2x256xf32, #tpu.memory_space<vmem>>, vector<256x1x128xf32>,
    %slice3A_297 = vector.extract_strided_slice %mul3A_283 {offsets = [0, 0], sizes = [256, 128], strides = [1, 1]} : vector<512x128xf32> to vector<256x128xf32>
    %swap3A_298 = arith.constant 0 : index
    %swap3A_299 = arith.constant 0 : index
    %swap3A_300 = arith.constant 128 : index
    %swap3A_301 = vector.load %arg8[%swap3A_298, %swap3A_299, %swap3A_300] : memref<256x2x256xf32, #tpu.memory_space<vmem>>, vector<256x1x128xf32>
    %swap3A_302 = vector.shape_cast %swap3A_301 : vector<256x1x128xf32> to vector<256x128xf32>
    %swap3A_303 = vector.shape_cast %slice3A_297 : vector<256x128xf32> to vector<256x1x128xf32>
    tpu.vector_store %arg8[%swap3A_298, %swap3A_299, %swap3A_300], %swap3A_303 {strides = array<i32>} : memref<256x2x256xf32, #tpu.memory_space<vmem>>, vector<256x1x128xf32>,
    %slice3A_304 = vector.extract_strided_slice %add3A_268 {offsets = [256, 0], sizes = [256, 128], strides = [1, 1]} : vector<512x128xi32> to vector<256x128xi32>
    %swap3A_305 = arith.constant 0 : index
    %swap3A_306 = arith.constant 1 : index
    %swap3A_307 = arith.constant 0 : index
    %swap3A_308 = vector.load %arg7[%swap3A_305, %swap3A_306, %swap3A_307] : memref<256x2x128xi32, #tpu.memory_space<vmem>>, vector<256x1x128xi32>
    %swap3A_309 = vector.shape_cast %swap3A_308 : vector<256x1x128xi32> to vector<256x128xi32>
    %swap3A_310 = vector.shape_cast %slice3A_304 : vector<256x128xi32> to vector<256x1x128xi32>
    tpu.vector_store %arg7[%swap3A_305, %swap3A_306, %swap3A_307], %swap3A_310 {strides = array<i32>} : memref<256x2x128xi32, #tpu.memory_space<vmem>>, vector<256x1x128xi32>,
    %slice3A_311 = vector.extract_strided_slice %add3A_279 {offsets = [256, 0], sizes = [256, 128], strides = [1, 1]} : vector<512x128xf32> to vector<256x128xf32>
    %swap3A_312 = arith.constant 0 : index
    %swap3A_313 = arith.constant 1 : index
    %swap3A_314 = arith.constant 0 : index
    %swap3A_315 = vector.load %arg8[%swap3A_312, %swap3A_313, %swap3A_314] : memref<256x2x256xf32, #tpu.memory_space<vmem>>, vector<256x1x128xf32>
    %swap3A_316 = vector.shape_cast %swap3A_315 : vector<256x1x128xf32> to vector<256x128xf32>
    %swap3A_317 = vector.shape_cast %slice3A_311 : vector<256x128xf32> to vector<256x1x128xf32>
    tpu.vector_store %arg8[%swap3A_312, %swap3A_313, %swap3A_314], %swap3A_317 {strides = array<i32>} : memref<256x2x256xf32, #tpu.memory_space<vmem>>, vector<256x1x128xf32>,
    %slice3A_318 = vector.extract_strided_slice %mul3A_283 {offsets = [256, 0], sizes = [256, 128], strides = [1, 1]} : vector<512x128xf32> to vector<256x128xf32>
    %swap3A_319 = arith.constant 0 : index
    %swap3A_320 = arith.constant 1 : index
    %swap3A_321 = arith.constant 128 : index
    %swap3A_322 = vector.load %arg8[%swap3A_319, %swap3A_320, %swap3A_321] : memref<256x2x256xf32, #tpu.memory_space<vmem>>, vector<256x1x128xf32>
    %swap3A_323 = vector.shape_cast %swap3A_322 : vector<256x1x128xf32> to vector<256x128xf32>
    %swap3A_324 = vector.shape_cast %slice3A_318 : vector<256x128xf32> to vector<256x1x128xf32>
    tpu.vector_store %arg8[%swap3A_319, %swap3A_320, %swap3A_321], %swap3A_324 {strides = array<i32>} : memref<256x2x256xf32, #tpu.memory_space<vmem>>, vector<256x1x128xf32>,
    return
  }
  func.func @transform_0(%arg0: i32) -> (i32, i32, i32) {
    %c0_i32 = arith.constant 0 : i32
    %c0_i32_0 = arith.constant 0 : i32
    %c0_i32_1 = arith.constant 0 : i32
    return %arg0, %c0_i32, %c0_i32_0 : i32, i32, i32
  }
  func.func @transform_1(%arg0: i32) -> (i32, i32, i32) {
    %c0_i32 = arith.constant 0 : i32
    %c0_i32_0 = arith.constant 0 : i32
    %c0_i32_1 = arith.constant 0 : i32
    return %c0_i32, %arg0, %c0_i32_0 : i32, i32, i32
  }
  func.func @transform_2(%arg0: i32) -> (i32, i32) {
    %c0_i32 = arith.constant 0 : i32
    %c0_i32_0 = arith.constant 0 : i32
    %c0_i32_1 = arith.constant 0 : i32
    return %c0_i32, %c0_i32_0 : i32, i32
  }
  func.func @transform_3(%arg0: i32) -> (i32, i32) {
    %c0_i32 = arith.constant 0 : i32
    %c0_i32_0 = arith.constant 0 : i32
    %c0_i32_1 = arith.constant 0 : i32
    return %c0_i32, %c0_i32_0 : i32, i32
  }
  func.func @transform_4(%arg0: i32) -> (i32, i32) {
    %c0_i32 = arith.constant 0 : i32
    %c0_i32_0 = arith.constant 0 : i32
    %c0_i32_1 = arith.constant 0 : i32
    return %c0_i32, %c0_i32_0 : i32, i32
  }
  func.func @transform_5(%arg0: i32) -> (i32, i32) {
    %c0_i32 = arith.constant 0 : i32
    %c0_i32_0 = arith.constant 0 : i32
    %c0_i32_1 = arith.constant 0 : i32
    return %c0_i32, %c0_i32_0 : i32, i32
  }
  func.func @transform_6(%arg0: i32) -> (i32, i32, i32) {
    %c0_i32 = arith.constant 0 : i32
    %c0_i32_0 = arith.constant 0 : i32
    %c0_i32_1 = arith.constant 0 : i32
    return %arg0, %c0_i32, %c0_i32_0 : i32, i32, i32
  }
  func.func @transform_7(%arg0: i32) -> (i32, i32, i32) {
    %c0_i32 = arith.constant 0 : i32
    %c0_i32_0 = arith.constant 0 : i32
    %c0_i32_1 = arith.constant 0 : i32
    return %arg0, %c0_i32, %c0_i32_0 : i32, i32, i32
  }
}

module attributes {stable_mosaic.version = 14 : i64} {
  func.func @_outproj_body(%arg0: i32, %arg1: memref<512x1024xf32, #tpu.memory_space<vmem>>, %arg2: memref<1024x1024xf32, #tpu.memory_space<vmem>>, %arg3: memref<1x1024xf32, #tpu.memory_space<vmem>>, %arg4: memref<512x1024xf32, #tpu.memory_space<vmem>>) attributes {dimension_semantics = [#tpu.dimension_semantics<arbitrary>], iteration_bounds = array<i64: 4>, scalar_prefetch = 0 : i64, scratch_operands = 0 : i64, tpu.core_type = #tpu.core_type<tc>, window_params = [{transform_indices = @transform_0, window_bounds = array<i64: 512, 1024>}, {pipeline_mode = #tpu.pipeline_mode<synchronous>, transform_indices = @transform_1, window_bounds = array<i64: 1024, 1024>}, {pipeline_mode = #tpu.pipeline_mode<synchronous>, transform_indices = @transform_2, window_bounds = array<i64: 1, 1024>}, {transform_indices = @transform_3, window_bounds = array<i64: 512, 1024>}]} {
    %get3A = arith.constant 0 : index
    %get3A_0 = arith.constant 0 : index
    %get3A_1 = vector.load %arg1[%get3A, %get3A_0] : memref<512x1024xf32, #tpu.memory_space<vmem>>, vector<512x1024xf32>
    %get3A_2 = arith.constant 0 : index
    %get3A_3 = arith.constant 0 : index
    %get3A_4 = vector.load %arg2[%get3A_2, %get3A_3] : memref<1024x1024xf32, #tpu.memory_space<vmem>>, vector<1024x1024xf32>
    %dot_general3A = arith.constant dense<0.000000e+00> : vector<512x1024xf32>
    %dot_general3A_5 = tpu.matmul %get3A_1, %get3A_4, %dot_general3A {dimension_numbers = #tpu.dot_dimension_numbers<[1], [1], [0], [0], [0, 0, 1, 0], [], []>, transpose_lhs_hint = false} : vector<512x1024xf32>, vector<1024x1024xf32>, vector<512x1024xf32> -> vector<512x1024xf32>
    %get3A_6 = arith.constant 0 : index
    %get3A_7 = arith.constant 0 : index
    %get3A_8 = vector.load %arg3[%get3A_6, %get3A_7] : memref<1x1024xf32, #tpu.memory_space<vmem>>, vector<1x1024xf32>
    %add3A = vector.broadcast %get3A_8 : vector<1x1024xf32> to vector<512x1024xf32>
    %add3A_9 = arith.addf %dot_general3A_5, %add3A : vector<512x1024xf32>
    %swap3A = arith.constant 0 : index
    %swap3A_10 = arith.constant 0 : index
    %swap3A_11 = vector.load %arg4[%swap3A, %swap3A_10] : memref<512x1024xf32, #tpu.memory_space<vmem>>, vector<512x1024xf32>
    tpu.vector_store %arg4[%swap3A, %swap3A_10], %add3A_9 {strides = array<i32>} : memref<512x1024xf32, #tpu.memory_space<vmem>>, vector<512x1024xf32>,
    return
  }
  func.func @transform_0(%arg0: i32) -> (i32, i32) {
    %c0_i32 = arith.constant 0 : i32
    %c0_i32_0 = arith.constant 0 : i32
    return %arg0, %c0_i32 : i32, i32
  }
  func.func @transform_1(%arg0: i32) -> (i32, i32) {
    %c0_i32 = arith.constant 0 : i32
    %c0_i32_0 = arith.constant 0 : i32
    %c0_i32_1 = arith.constant 0 : i32
    return %c0_i32, %c0_i32_0 : i32, i32
  }
  func.func @transform_2(%arg0: i32) -> (i32, i32) {
    %c0_i32 = arith.constant 0 : i32
    %c0_i32_0 = arith.constant 0 : i32
    %c0_i32_1 = arith.constant 0 : i32
    return %c0_i32, %c0_i32_0 : i32, i32
  }
  func.func @transform_3(%arg0: i32) -> (i32, i32) {
    %c0_i32 = arith.constant 0 : i32
    %c0_i32_0 = arith.constant 0 : i32
    return %arg0, %c0_i32 : i32, i32
  }
}

</mosaic_0001>

<sc_bundles>
// kernel: kernel.6.cloned.1.call-start
scs
__scs_entry_jumppad:
0x0: {  	(pc) =	sbr.rel $0x88, $3  }
0x1: {  	(tag) =	ssettag $0x0;
	lr =	simm.s32 $0x1  }
0x2: {  	[smem:$0x3F96] =	sst lr;
	_ =	strace $0xD0000000  }
0x3: {  	_ = 	snop  }
0x4: {  	_ = 	snop  }
0x5: {  	_ = 	snop  }
0x6: {  	_ = 	snop  }
0x7: {  	_ = 	snop  }
__scs_overlays_trampoline_lowered:
0x8: {  	[smem:$0x3FA5] =	sst s0  }
0x9: {  	[smem:$0x3FA6] =	sst s1  }
0xa: {  	[smem:$0x3FA7] =	sst s2  }
0xb: {  	[smem:$0x3FA8] =	sst s3  }
0xc: {  	[smem:$0x3FA9] =	sst s4  }
0xd: {  	[smem:$0x3FAA] =	sst s5  }
0xe: {  	[smem:$0x3FAB] =	sst s6  }
0xf: {  	[smem:$0x3FAC] =	sst s7  }
0x10: {  	[smem:$0x3FAD] =	sst s8  }
0x11: {  	[smem:$0x3FAE] =	sst s9;
	s0 =	simm.s32 @!p0 $0x0  }
0x12: {  	s1 =	sld [smem:$0x3F94];
	s0 =	simm.s32 @p0 $0x1  }
0x13: {  	[smem:$0x3FAF] =	sst s0;
	s0 =	simm.s32 @!p1 $0x0  }
0x14: {  	s2 =	sld [smem:$0x3F93];
	s0 =	simm.s32 @p1 $0x1  }
0x15: {  	[smem:$0x3FB0] =	sst s0;
	s0 =	simm.s32 @!p2 $0x0  }
0x16: {  	s3 =	sld [smem:$0x3FDB];
	s0 =	simm.s32 @p2 $0x1  }
0x17: {  	s4 =	simm.s32 $0x1BF5;
	[smem:$0x3FB2] =	sst s0  }
0x18: {  	s0 =	sld [smem:$0x3F95];
	_ =	swait.ge [sflag:s4], $0x0  }
0x19: {  	s7 =	sld [smem:$0x3F96]  }
0x1a: {  	s8 =	sadd.s32 $0xFFFFE003, lr  }
0x1b: {  	s9 =	sadd.s32 $0xFFFFFEF7, lr;
	s5 =	simm.s32 $0xFFFFFFFF;
	p2 =	slt.u32 s8, $0xFFFFF086  }
0x1c: {  	p1 =	slt.u32 s9, $0xF7A;
	s5 =	simm.s32 @!p2 $0x0  }
0x1d: {  	s5 =	simm.s32 @p1 $0x1;
	p0 =	seq.s32 s7, s2  }
0x1e: {  	s7 =	smul.u32 @!p0 $0xF7A, s2;
	p2 =	seq.s32 @!p0 s5, $0x0  }
0x1f: {  	s9 =	smul.u32 $0xF7A, s1;
	s8 =	simm.s32 @!p0 $0x1BF5;
	p2 =	por !p2, p0  }
0x20: {  	[sflag:s8] =	ssyncset.s32 @!p0 $0xFFFFF086;
	s6 =	sadd.s32 @!p0 s3, s7;
	s7 =	simm.s32 @!p0 $0x108  }
0x21: {  	s3 =	sadd.s32 s3, s9;
	s6 =	sadd.s32 @!p0 $0x88, s6;
	s7 =	simm.s32 @p2 $0x1082  }
0x22: {  	[simem:s7], [sflag:s8] =	dma.local @!p0 [hbm:s6], $0xF7A  }
0x23: {  	s9 =	sor.u32 $0xD0000000, s2;
	s6 =	simm.s32 $0x108;
	_ =	swait.ge @!p0 [sflag:s8], $0x0  }
0x24: {  	s3 =	sadd.s32 $0x88, s3;
	s6 =	simm.s32 @!p1 $0x1082;
	[sflag:s4] =	ssyncset.s32 $0xFFFFF086  }
0x25: {  	[simem:s6], [sflag:s4] =	dma.local [hbm:s3], $0xF7A  }
0x26: {  	[smem:$0x3F96] =	sst s1;
	(tag) =	ssettag s2;
	_ =	strace s9  }
0x27: {  	s1 =	sld [smem:$0x3FA6]  }
0x28: {  	s2 =	sld [smem:$0x3FA7]  }
0x29: {  	s4 =	sld [smem:$0x3FA9]  }
0x2a: {  	p0 =	seq.s32 s5, $0x0;
	s5 =	sld [smem:$0x3FAA]  }
0x2b: {  	s6 =	sld [smem:$0x3FAB]  }
0x2c: {  	s7 =	sld [smem:$0x3FAC]  }
0x2d: {  	s3 =	simm.s32 $0x108;
	s8 =	sld [smem:$0x3FAD]  }
0x2e: {  	s3 =	simm.s32 @!p0 $0x1082;
	s9 =	sld [smem:$0x3FAE]  }
0x2f: {  	lr =	sadd.s32 s0, s3;
	s0 =	sld [smem:$0x3FA5]  }
0x30: {  	s3 =	sld [smem:$0x3FA8]  }
0x31: {  	[smem:$0x3FB1] =	sst s10  }
0x32: {  	s10 =	sld [smem:$0x3FAF];
	_ =	sdelay $0x3  }
0x33: {  	p0 =	seq.s32 s10, $0x1;
	s10 =	sld [smem:$0x3FB1];
	_ =	sdelay $0x3  }
0x34: {  	[smem:$0x3FB1] =	sst s10  }
0x35: {  	s10 =	sld [smem:$0x3FB0];
	_ =	sdelay $0x3  }
0x36: {  	p1 =	seq.s32 s10, $0x1;
	s10 =	sld [smem:$0x3FB1];
	_ =	sdelay $0x3  }
0x37: {  	[smem:$0x3FB1] =	sst s10  }
0x38: {  	s10 =	sld [smem:$0x3FB2]  }
0x39: {  	_ = 	snop;
	(pc) =	sbr.ind lr, $3  }
0x3a: {  	_ = 	snop  }
0x3b: {  	_ = 	snop  }
0x3c: {  	p2 =	seq.s32 s10, $0x1;
	s10 =	sld [smem:$0x3FB1]  }
0x3d: {  	_ =	shalt  }
0x3e: {  	_ =	shalt  }
0x3f: {  	_ =	shalt  }
0x40: {  	_ =	shalt  }
0x41: {  	_ =	shalt  }
0x42: {  	_ =	shalt  }
0x43: {  	_ =	shalt  }
0x44: {  	_ =	shalt  }
0x45: {  	_ =	shalt  }
0x46: {  	_ =	shalt  }
0x47: {  	_ =	shalt  }
0x48: {  	_ =	shalt  }
0x49: {  	_ =	shalt  }
0x4a: {  	_ =	shalt  }
0x4b: {  	_ =	shalt  }
0x4c: {  	_ =	shalt  }
0x4d: {  	_ =	shalt  }
0x4e: {  	_ =	shalt  }
0x4f: {  	_ =	shalt  }
0x50: {  	_ =	shalt  }
0x51: {  	_ =	shalt  }
0x52: {  	_ =	shalt  }
0x53: {  	_ =	shalt  }
0x54: {  	_ =	shalt  }
0x55: {  	_ =	shalt  }
0x56: {  	_ =	shalt  }
0x57: {  	_ =	shalt  }
0x58: {  	_ =	shalt  }
0x59: {  	_ =	shalt  }
0x5a: {  	_ =	shalt  }
0x5b: {  	_ =	shalt  }
0x5c: {  	_ =	shalt  }
0x5d: {  	_ =	shalt  }
0x5e: {  	_ =	shalt  }
0x5f: {  	_ =	shalt  }
0x60: {  	_ =	shalt  }
0x61: {  	_ =	shalt  }
0x62: {  	_ =	shalt  }
0x63: {  	_ =	shalt  }
0x64: {  	_ =	shalt  }
0x65: {  	_ =	shalt  }
0x66: {  	_ =	shalt  }
0x67: {  	_ =	shalt  }
0x68: {  	_ =	shalt  }
0x69: {  	_ =	shalt  }
0x6a: {  	_ =	shalt  }
0x6b: {  	_ =	shalt  }
0x6c: {  	_ =	shalt  }
0x6d: {  	_ =	shalt  }
0x6e: {  	_ =	shalt  }
0x6f: {  	_ =	shalt  }
0x70: {  	_ =	shalt  }
0x71: {  	_ =	shalt  }
0x72: {  	_ =	shalt  }
0x73: {  	_ =	shalt  }
0x74: {  	_ =	shalt  }
0x75: {  	_ =	shalt  }
0x76: {  	_ =	shalt  }
0x77: {  	_ =	shalt  }
0x78: {  	_ =	shalt  }
0x79: {  	_ =	shalt  }
0x7a: {  	_ =	shalt  }
0x7b: {  	_ =	shalt  }
0x7c: {  	_ =	shalt  }
0x7d: {  	_ =	shalt  }
0x7e: {  	_ =	shalt  }
0x7f: {  	_ =	shalt  }
0x80: {  	_ =	shalt  }
0x81: {  	_ =	shalt  }
0x82: {  	_ =	shalt  }
0x83: {  	_ =	shalt  }
0x84: {  	_ =	shalt  }
0x85: {  	_ =	shalt  }
0x86: {  	_ =	shalt  }
0x87: {  	_ =	shalt  }
.Lfunc_end0:
.L_simem_size_0:
called_computation.1_lowered:
.L_overlay_start_0:
0x88: {  	s2 =	sld [smem:$0x3FD9]  }
0x89: {  	s3 =	sld [smem:$0x3FFE];
	_ =	sdelay $0x1  }
0x8a: {  	s1 =	srdreg.scid  }
0x8b: {  	s0 =	sand.u32 $0x1, s1  }
0x8c: {  	s17 =	sshll.u32 s0, $0xA;
	s2 =	sadd.s32 s3, s2  }
0x8d: {  	s2 =	sadd.s32 s2, s17  }
0x8e: {  	[smem:$0x3FBD] =	sst s2  }
0x8f: {  	_ = 	snop  }
0x90: {  	s2 =	sld [smem:$0x3FD0];
	(tm) =	ssettm $0x1  }
0x91: {  	s18 =	sld [smem:$0x3FFB];
	_ =	sdelay $0x3  }
0x92: {  	_ =	strace s18  }
0x93: {  	s3 =	sld [smem:$0x3FFC];
	_ =	sdelay $0x3  }
0x94: {  	_ =	strace s3  }
0x95: {  	s3 =	sld [smem:$0x3FFD];
	_ =	sdelay $0x3  }
0x96: {  	_ =	strace s3  }
0x97: {  	_ =	strace $0x8FFFFFFF  }
0x98: {  	s19 =	sld [smem:$0x3FDB];
	_ =	sdelay $0x1  }
0x99: {  	s4 =	simm.s32 $_scs_section_size  }
0x9a: {  	s5 =	simm.s32 $_size__tile_overlayer_lowered;
	s6 =	simm.s32 $_tile_overlayer_lowered  }
0x9b: {  	s22 =	simm.s32 $0x1BFF;
	s21 =	sshll.u32 s6, $0x1;
	s3 =	sadd.s32 s4, s19  }
0x9c: {  	s7 =	simm.s32 $0x0;
	s20 =	sshll.u32 s5, $0x1;
	s5 =	sadd.s32 s21, s3  }
0x9d: {  	[timem:s7], [sflag:s22] =	dma.local [hbm:s5], s20  }
0x9e: {  	_ =	swait.ge [sflag:s22], s20  }
0x9f: {  	s4 =	ssub.s32 $0x0, s20;
	[sflag:s22] =	ssyncset.done $0x0  }
0xa0: {  	[sflag:s22] =	ssyncadd.s32 s4;
	_ =	sdelay $0x1  }
0xa1: {  	s23 =	simm.s32 $0x1B8B  }
0xa2: {  	_ =	swait.ge [sflag:s23], $0x1  }
0xa3: {  	[sflag:s23] =	ssyncset.done $0x0  }
0xa4: {  	s25 =	simm.s32 $0x1B8E;
	s24 =	sld [smem:$0x3FFE];
	[sflag:s23] =	ssyncadd.s32 $0xFFFFFFFF  }
0xa5: {  	s26 =	simm.s32 $execute0_lowered;
	[smem:$0x3FD2] =	sst s25  }
0xa6: {  	s5 =	sshll.u32 s26, $0x1;
	_ =	strace $0x80000049;
	[dreg:$0x1] =	wrdreg $0xFFFFFFFF  }
0xa7: {  	s28 =	simm.s32 $_size_execute0_lowered;
	s3 =	sadd.s32 s3, s5;
	[dreg:$0x0] =	wrdreg $0x0  }
0xa8: {  	s5 =	sshll.u32 s28, $0x1;
	[dreg:$0x2] =	wrdreg s3  }
0xa9: {  	[dreg:$0x3] =	wrdreg s5  }
0xaa: {  	[dreg:$0x4] =	wrdreg $0xC0  }
0xab: {  	_ =	task [dreg:s7], $0x5FFFF  }
0xac: {  	[dreg:$0x1] =	wrdreg $0xFFFFFFFF  }
0xad: {  	[dreg:$0x0] =	wrdreg $0x60  }
0xae: {  	[dreg:$0x2] =	wrdreg s24  }
0xaf: {  	[dreg:$0x3] =	wrdreg s2  }
0xb0: {  	[dreg:$0x4] =	wrdreg $0x9  }
0xb1: {  	_ =	task.clear_ibuf [dreg:s7], $0x5FFFF;
	_ =	strace $0x90000049  }
0xb2: {  	s29 =	simm.s32 $0x9;
	_ =	strace $0x8000004B  }
0xb3: {  	_ =	swait.ge [sflag:s29], $0x1  }
0xb4: {  	[sflag:s29] =	ssyncadd.s32 $0xFFFFFFFF  }
0xb5: {  	_ =	strace $0x9000004B  }
0xb6: {  	_ =	sfence  }
0xb7: {  	s30 =	sld [smem:$0x0];
	_ =	sdelay $0x2  }
0xb8: {  	s31 =	sshll.u32 s1, $0xD;
	s1 =	sshrl.u32 s1, $0x2  }
0xb9: {  	s3 =	sand.u32 $0x4000, s31;
	s1 =	sadd.s32 s1, s30  }
0xba: {  	s0 =	sor.u32 s3, s0;
	s1 =	sshll.u32 s1, $0x11  }
0xbb: {  	s0 =	sor.u32 s1, s0  }
0xbc: {  	s0 =	sadd.s32 $0x8F2B, s0  }
0xbd: {  	[sflag:s0] =	ssyncadd.remote.s32 $0x1  }
0xbe: {  	_ =	sfence.sel $0xFFFF  }
0xbf: {  	[dreg:$0x0] =	wrdreg $0xFFFFFFFF;
	(pc) =	sbr.abs _section_cstart, $3  }
0xc0: {  	[dreg:$0x1] =	wrdreg $0xFFFFFFFF  }
0xc1: {  	_ =	task.clear_ibuf [dreg:s7], $0x2FFFF;
	_ =	strace $0x9FFFFFFF  }
0xc2: {  	(tm) =	ssettm $0x7FFFFFFF  }
0xc3: {  	_ =	shalt  }
tec
execute0_lowered:
.L_overlay_start_1:
0x0: {  	(tag) =	ssettag $0x1  }
0x1: {  	s5 =	rddreg [dreg:$0x0]  }
0x2: {  	s2 =	rddreg [dreg:$0x1]  }
0x3: {  	s0 =	rddreg [dreg:$0x2];
	s3 =	simm.s32 $0x0;
	s4 =	srdreg.scid  }
0x4: {  	s1 =	stileid.u32;
	s11 =	simm.s32 $0x80;
	s12 =	simm.s32 $0x6000  }
0x5: {  	s13 =	simm.s32 $0x8000;
	s14 =	simm.s32 $0x1;
	s15 =	simm.s32 $0xA000  }
0x6: {  	s16 =	simm.s32 $0x2;
	s17 =	simm.s32 $0x4;
	s18 =	simm.s32 $0xA400  }
0x7: {  	s19 =	simm.s32 $0x3;
	s20 =	simm.s32 $0x0;
	[smem:$0x7FF] =	sst s3  }
0x8: {  	s6 =	sand.u32 $0x1, s4;
	s31 =	sshll.u32 s1, $0x1;
	s4 =	sadd.s32 $0x102600, s5  }
0x9: {  	_ =	strace $0x8000004A;
	s7 =	sor.u32 s6, s31;
	s6 =	ssub.s32 $0x2, s6  }
0xa: {  	s8 =	sshll.u32 s7, $0xA;
	s9 =	sshll.u32 s7, $0xB;
	s10 =	sshrl.u32 s6, $0x1  }
0xb: {  	s8 =	sadd.s32 s8, s5;
	s9 =	sadd.s32 s9, s5;
	s10 =	ssub.s32 s6, s10  }
0xc: {  	s5 =	sshll.u32 s7, $0x6;
	s6 =	sadd.s32 $0x202600, s8;
	s7 =	sadd.s32 $0x20A600, s9  }
0xd: {  	s8 =	smax.u32 s10, $0x1;
	s9 =	simm.s32 $0x5;
	s10 =	simm.s32 $0x2000  }
.LBB2_1:
0xe: {  	[tilespmem:s3], [sflag:$0x5] =	stream.linear.gather [hbm4b:s6+s3], $0x2000, $0x38;
	[tilespmem:$0xA800] =	vst v63  }
0xf: {  	_ =	swait.ge [sflag:s9], $0x2000  }
0x10: {  	[sflag:s9] =	ssyncset.done $0x0  }
0x11: {  	[sflag:s9] =	ssyncadd.s32 $0xFFFFE000  }
0x12: {  	[tilespmem:s10], [sflag:$0x5] =	stream.linear.gather [hbm4b:s7+s3], $0x4000, $0x38;
	[tilespmem:$0xA800] =	vst v63  }
0x13: {  	_ =	swait.ge [sflag:s9], $0x4000  }
0x14: {  	s21 =	simm.s32 $0x2080;
	[sflag:s9] =	ssyncset.done $0x0  }
0x15: {  	s22 =	simm.s32 $0x2180;
	s23 =	simm.s32 $0x0;
	[sflag:s9] =	ssyncadd.s32 $0xFFFFC000  }
0x16: {  	[tilespmem:s12], [sflag:$0x1] =	stream.indirect.gather [hbm4b:s4+s11], $0x40, s3, s11, $0xb8;
	[tilespmem:$0xA800] =	vst v63  }
.LBB2_2:
0x17: {  	s24 =	sshllo.u32 s23, $0x1  }
0x18: {  	s25 =	sshll.u32 s24, $0x7  }
0x19: {  	s25 =	sand.u32 $0x3FFFFF80, s25  }
0x1a: {  	[tilespmem:s13], [sflag:$0x2] =	stream.indirect.gather [hbm4b:s4+s11], $0x40, s25, s11, $0xb8;
	[tilespmem:$0xA800] =	vst v63  }
0x1b: {  	_ =	swait.ge [sflag:s14], $0x2000  }
0x1c: {  	p0 =	seq.s32 s23, $0x0;
	[sflag:s14] =	ssyncset.done $0x0  }
0x1d: {  	s26 =	simm.s32 @!p0 $0x3;
	[sflag:s14] =	ssyncadd.s32 $0xFFFFE000  }
0x1e: {  	_ =	swait.ge @!p0 [sflag:s26], $0x400  }
0x1f: {  	s28 =	simm.s32 $0x0;
	s29 =	simm.s32 $0x6200;
	[sflag:s26] =	ssyncset.done @!p0 $0x0  }
0x20: {  	v0 =	vmov s21;
	s25 =	sshll.u32 s23, $0x1;
	[sflag:s26] =	ssyncadd.s32 @!p0 $0xFFFFFC00;
	s26 =	simm.s32 $0xA040  }
.LBB2_3:
0x21: {  	v3 =	vld [tilespmem:s29+$0xFFFFFE00]  }
0x22: {  	v4 =	vld [tilespmem:s29+$0xFFFFFE20]  }
0x23: {  	v7 =	vld [tilespmem:s29+$0xFFFFFE10]  }
0x24: {  	v10 =	vld [tilespmem:s29+$0xFFFFFE30]  }
0x25: {  	v11 =	vld [tilespmem:s29+$0xFFFFFE40]  }
0x26: {  	v13 =	vld [tilespmem:s29+$0xFFFFFE60]  }
0x27: {  	v14 =	vld [tilespmem:s29+$0xFFFFFE50]  }
0x28: {  	v17 =	vld [tilespmem:s29+$0xFFFFFE70]  }
0x29: {  	v34 =	vld [tilespmem:s29+$0xFFFFFE80]  }
0x2a: {  	v39 =	vld [tilespmem:s29+$0xFFFFFEA0]  }
0x2b: {  	s30 =	sshra.s32 s28, $0x2;
	v46 =	vld [tilespmem:s29+$0xFFFFFE90];
	v5 =	vunpack.c.l.bf16.f32 v3;
	v3 =	vunpack.c.u.bf16.f32 v3  }
0x2c: {  	v2 =	vld.idx.msk [tilespmem:v0+s30+$0xFFFFFF80 ss:$0x1], $0xffff;
	v8 =	vunpack.c.u.bf16.f32 v4;
	v4 =	vunpack.c.l.bf16.f32 v4;
	v12 =	vunpack.c.u.bf16.f32 v7  }
0x2d: {  	v1 =	vld.idx.msk [tilespmem:v0+s30+$0x0 ss:$0x1], $0xffff;
	v7 =	vunpack.c.l.bf16.f32 v7;
	v30 =	vunpack.c.u.bf16.f32 v10;
	v31 =	vunpack.c.l.bf16.f32 v10  }
0x2e: {  	v50 =	vld [tilespmem:s29+$0xFFFFFEB0];
	v32 =	vunpack.c.l.bf16.f32 v11;
	v11 =	vunpack.c.u.bf16.f32 v11;
	v15 =	vunpack.c.u.bf16.f32 v13  }
0x2f: {  	v13 =	vunpack.c.l.bf16.f32 v13;
	v37 =	vunpack.c.u.bf16.f32 v14;
	v38 =	vunpack.c.l.bf16.f32 v14  }
0x30: {  	v51 =	vld [tilespmem:s29+$0xFFFFFEC0];
	v40 =	vunpack.c.u.bf16.f32 v17;
	v42 =	vunpack.c.l.bf16.f32 v17;
	v43 =	vunpack.c.l.bf16.f32 v34  }
0x31: {  	v45 =	vunpack.c.u.bf16.f32 v34;
	v48 =	vunpack.c.u.bf16.f32 v39;
	v6 =	vbroadcast v2, $0x0  }
0x32: {  	v54 =	vld [tilespmem:s29+$0xFFFFFEE0];
	v53 =	vunpack.c.u.bf16.f32 v46;
	v9 =	vbroadcast v1, $0x0;
	v33 =	vbroadcast v2, $0x1  }
0x33: {  	v60 =	vld [tilespmem:s29+$0xFFFFFED0];
	v55 =	vunpack.c.u.bf16.f32 v50;
	v16 =	vbroadcast v1, $0x1;
	v44 =	vbroadcast v2, $0x2  }
0x34: {  	v20 =	vld [tilespmem:s29+$0xFFFFFEF0];
	v56 =	vunpack.c.l.bf16.f32 v50;
	v49 =	vbroadcast v1, $0x2;
	v58 =	vbroadcast v2, $0x3  }
0x35: {  	v57 =	vunpack.c.l.bf16.f32 v51;
	v63 =	vbroadcast v1, $0x3;
	v28 =	vbroadcast v2, $0x4  }
0x36: {  	v21 =	vld [tilespmem:s29+$0xFFFFFF00];
	v59 =	vunpack.c.u.bf16.f32 v51;
	v34 =	vbroadcast v1, $0x4;
	v5 =	vmul.f32 v5, v6  }
0x37: {  	v62 =	vunpack.c.u.bf16.f32 v54;
	v3 =	vmul.f32 v3, v6;
	v4 =	vmul.f32 v4, v9  }
0x38: {  	v24 =	vld [tilespmem:s29+$0xFFFFFF20];
	v23 =	vunpack.c.u.bf16.f32 v60;
	v8 =	vmul.f32 v8, v9;
	v7 =	vmul.f32 v7, v6  }
0x39: {  	v25 =	vunpack.c.u.bf16.f32 v20;
	v6 =	vmul.f32 v12, v6;
	v10 =	vmul.f32 v32, v33  }
0x3a: {  	v26 =	vunpack.c.l.bf16.f32 v20;
	v11 =	vmul.f32 v11, v33;
	v35 =	vmul.f32 v13, v16  }
0x3b: {  	v27 =	vunpack.c.l.bf16.f32 v21;
	v36 =	vmul.f32 v15, v16;
	v41 =	vmul.f32 v38, v33  }
0x3c: {  	v29 =	vunpack.c.u.bf16.f32 v21;
	v47 =	vmul.f32 v42, v16;
	v12 =	vmul.f32 v43, v44  }
0x3d: {  	v13 =	vunpack.c.l.bf16.f32 v39;
	v61 =	vmul.f32 v56, v49;
	v32 =	vunpack.c.u.bf16.f32 v24  }
0x3e: {  	v18 =	vld [tilespmem:s29+$0xFFFFFFC0];
	v43 =	vbroadcast v2, $0x5;
	v5 =	vadd.f32 $0.0e+00, v5;
	v3 =	vadd.f32 $0.0e+00, v3  }
0x3f: {  	v7 =	vadd.f32 $0.0e+00, v7;
	v52 =	vmul.f32 v13, v49;
	v13 =	vmul.f32 v57, v58  }
0x40: {  	v4 =	vadd.f32 v4, v5;
	v3 =	vadd.f32 v8, v3;
	v8 =	vmul.f32 v31, v9  }
0x41: {  	v6 =	vadd.f32 $0.0e+00, v6;
	v5 =	vmul.f32 v30, v9;
	v9 =	vmul.f32 v40, v16  }
0x42: {  	v57 =	vld [tilespmem:s29+$0xFFFFFF90];
	v31 =	vmul.f32 v26, v63;
	v7 =	vadd.f32 v8, v7;
	v4 =	vadd.f32 v10, v4  }
0x43: {  	v26 =	vunpack.c.u.bf16.f32 v18;
	v3 =	vadd.f32 v11, v3;
	v5 =	vadd.f32 v5, v6  }
0x44: {  	v39 =	vld [tilespmem:s29+$0xFFFFFF60];
	v6 =	vmul.f32 v37, v33;
	v11 =	vmul.f32 v48, v49;
	v8 =	vunpack.c.l.bf16.f32 v46  }
0x45: {  	v33 =	vld [tilespmem:s29+$0xFFFFFF30];
	v48 =	vbroadcast v1, $0x5;
	v4 =	vadd.f32 v35, v4;
	v7 =	vadd.f32 v41, v7  }
0x46: {  	v3 =	vadd.f32 v36, v3;
	v5 =	vadd.f32 v6, v5;
	v6 =	vmul.f32 v45, v44  }
0x47: {  	v17 =	vunpack.c.l.bf16.f32 v57;
	v7 =	vadd.f32 v47, v7;
	v4 =	vadd.f32 v12, v4  }
0x48: {  	v8 =	vmul.f32 v8, v44;
	v3 =	vadd.f32 v6, v3;
	v5 =	vadd.f32 v9, v5  }
0x49: {  	v35 =	vld [tilespmem:s29+$0xFFFFFF40];
	v9 =	vmul.f32 v53, v44;
	v12 =	vunpack.c.l.bf16.f32 v54;
	v6 =	vmul.f32 v55, v49  }
0x4a: {  	v47 =	vunpack.c.u.bf16.f32 v39;
	v38 =	vunpack.c.u.bf16.f32 v33;
	v40 =	vunpack.c.l.bf16.f32 v33  }
0x4b: {  	v33 =	vbroadcast v1, $0x7;
	v4 =	vadd.f32 v52, v4;
	v3 =	vadd.f32 v11, v3  }
0x4c: {  	v7 =	vadd.f32 v8, v7;
	v5 =	vadd.f32 v9, v5;
	v8 =	vmul.f32 v59, v58  }
0x4d: {  	v41 =	vld [tilespmem:s29+$0xFFFFFF50];
	v22 =	vmul.f32 v12, v63;
	v11 =	vmul.f32 v62, v63;
	v9 =	vunpack.c.l.bf16.f32 v60  }
0x4e: {  	v12 =	vunpack.c.l.bf16.f32 v24;
	v59 =	vbroadcast v2, $0x6;
	v42 =	vunpack.c.u.bf16.f32 v35  }
0x4f: {  	v30 =	vld [tilespmem:s29+$0xFFFFFF10];
	v10 =	vunpack.c.l.bf16.f32 v35;
	v44 =	vmul.f32 v40, v34;
	v4 =	vadd.f32 v13, v4  }
0x50: {  	v51 =	vld [tilespmem:s29+$0xFFFFFF80];
	v5 =	vadd.f32 v6, v5;
	v9 =	vmul.f32 v9, v58;
	v6 =	vmul.f32 v23, v58  }
0x51: {  	v49 =	vld [tilespmem:s29+$0xFFFFFF70];
	v3 =	vadd.f32 v8, v3;
	v13 =	vmul.f32 v27, v28;
	v8 =	vmul.f32 v25, v63  }
0x52: {  	v53 =	vld [tilespmem:s29+$0xFFFFFFA0];
	v50 =	vunpack.c.l.bf16.f32 v41;
	v36 =	vmul.f32 v12, v34;
	v12 =	vmul.f32 v47, v48  }
0x53: {  	v7 =	vadd.f32 v61, v7;
	v61 =	vbroadcast v1, $0x6;
	v19 =	vmul.f32 v17, v59  }
0x54: {  	v37 =	vunpack.c.u.bf16.f32 v30;
	v27 =	vbroadcast v2, $0x7;
	v45 =	vmul.f32 v10, v43  }
0x55: {  	v62 =	vld [tilespmem:s29+$0xFFFFFFB0];
	v58 =	vunpack.c.l.bf16.f32 v51;
	v46 =	vmul.f32 v42, v43;
	v52 =	vmul.f32 v50, v43  }
0x56: {  	v55 =	vunpack.c.u.bf16.f32 v49;
	v56 =	vunpack.c.l.bf16.f32 v49;
	v10 =	vunpack.c.u.bf16.f32 v51  }
0x57: {  	v60 =	vunpack.c.l.bf16.f32 v53;
	v4 =	vadd.f32 v22, v4;
	v3 =	vadd.f32 v11, v3  }
0x58: {  	v7 =	vadd.f32 v9, v7;
	v5 =	vadd.f32 v6, v5;
	v6 =	vmul.f32 v29, v28  }
0x59: {  	v11 =	vmul.f32 v32, v34;
	v9 =	vunpack.c.l.bf16.f32 v30;
	v10 =	vmul.f32 v10, v59  }
0x5a: {  	v23 =	vld [tilespmem:s29+$0xFFFFFFD0];
	v63 =	vmul.f32 v60, v61;
	v20 =	vunpack.c.u.bf16.f32 v62;
	v7 =	vadd.f32 v31, v7  }
0x5b: {  	v21 =	vunpack.c.l.bf16.f32 v62;
	v4 =	vadd.f32 v13, v4;
	v3 =	vadd.f32 v6, v3  }
0x5c: {  	v22 =	vld [tilespmem:s29+$0xFFFFFFE0];
	v5 =	vadd.f32 v8, v5;
	v9 =	vmul.f32 v9, v28;
	v8 =	vmul.f32 v37, v28  }
0x5d: {  	v6 =	vmul.f32 v38, v34;
	v13 =	vunpack.c.u.bf16.f32 v41;
	v31 =	vmul.f32 v26, v27  }
0x5e: {  	v24 =	vmul.f32 v21, v61;
	v25 =	vmul.f32 v20, v61;
	v4 =	vadd.f32 v36, v4  }
0x5f: {  	v34 =	vunpack.c.l.bf16.f32 v23;
	v3 =	vadd.f32 v11, v3;
	v7 =	vadd.f32 v9, v7  }
0x60: {  	v5 =	vadd.f32 v8, v5;
	v11 =	vunpack.c.l.bf16.f32 v39;
	v54 =	vmul.f32 v13, v43  }
0x61: {  	v28 =	vld [tilespmem:s29+$0xFFFFFFF0];
	v9 =	vmul.f32 v58, v59;
	v8 =	vunpack.c.u.bf16.f32 v53;
	v29 =	vunpack.c.u.bf16.f32 v22  }
0x62: {  	v32 =	vunpack.c.l.bf16.f32 v22;
	v37 =	vmul.f32 v34, v27;
	v4 =	vadd.f32 v45, v4  }
0x63: {  	v3 =	vadd.f32 v46, v3;
	v11 =	vmul.f32 v11, v48;
	v7 =	vadd.f32 v44, v7  }
0x64: {  	v5 =	vadd.f32 v6, v5;
	v8 =	vmul.f32 v8, v61;
	v35 =	vmul.f32 v32, v33  }
0x65: {  	v3 =	vadd.f32 v12, v3;
	v6 =	vadd.f32 v52, v7;
	v12 =	vmul.f32 v56, v48  }
0x66: {  	v36 =	vunpack.c.l.bf16.f32 v28;
	v4 =	vadd.f32 v11, v4;
	v5 =	vadd.f32 v54, v5  }
0x67: {  	v11 =	vmul.f32 v55, v48;
	v7 =	vunpack.c.u.bf16.f32 v57;
	v6 =	vadd.f32 v12, v6  }
0x68: {  	v4 =	vadd.f32 v9, v4;
	v3 =	vadd.f32 v10, v3;
	v10 =	vunpack.c.l.bf16.f32 v18  }
0x69: {  	v14 =	vunpack.c.u.bf16.f32 v28;
	v5 =	vadd.f32 v11, v5;
	v7 =	vmul.f32 v7, v59  }
0x6a: {  	v4 =	vadd.f32 v63, v4;
	v6 =	vadd.f32 v19, v6;
	v30 =	vmul.f32 v10, v27  }
0x6b: {  	v3 =	vadd.f32 v8, v3;
	v5 =	vadd.f32 v7, v5;
	v8 =	vunpack.c.u.bf16.f32 v23  }
0x6c: {  	v7 =	vmul.f32 v29, v33;
	v6 =	vadd.f32 v24, v6;
	v4 =	vadd.f32 v30, v4  }
0x6d: {  	v5 =	vadd.f32 v25, v5;
	v3 =	vadd.f32 v31, v3;
	v8 =	vmul.f32 v8, v27  }
0x6e: {  	v38 =	vmul.f32 v36, v33;
	v4 =	vadd.f32 v35, v4;
	v6 =	vadd.f32 v37, v6  }
0x6f: {  	v39 =	vmul.f32 v14, v33;
	v3 =	vadd.f32 v7, v3;
	v5 =	vadd.f32 v8, v5  }
0x70: {  	v6 =	vadd.f32 v38, v6;
	[tilespmem:s26+$0xFFFFFFC0] =	vst v4  }
0x71: {  	v40 =	vadd.f32 v39, v5;
	[tilespmem:s26+$0xFFFFFFD0] =	vst v3  }
0x72: {  	[tilespmem:s26+$0xFFFFFFE0] =	vst v6  }
0x73: {  	[tilespmem:s26+$0xFFFFFFF0] =	vst v40  }
0x74: {  	v3 =	vld [tilespmem:s29+$0x0]  }
0x75: {  	v4 =	vld [tilespmem:s29+$0x20]  }
0x76: {  	v41 =	vld [tilespmem:s29+$0x10]  }
0x77: {  	v44 =	vld [tilespmem:s29+$0x30]  }
0x78: {  	v48 =	vld [tilespmem:s29+$0x40]  }
0x79: {  	v60 =	vbroadcast v1, $0x9;
	v50 =	vld [tilespmem:s29+$0x60]  }
0x7a: {  	v43 =	vbroadcast v2, $0x8;
	v34 =	vbroadcast v1, $0xA;
	v52 =	vld [tilespmem:s29+$0x50]  }
0x7b: {  	v46 =	vbroadcast v1, $0x8;
	v54 =	vbroadcast v2, $0x9;
	v57 =	vld [tilespmem:s29+$0x70]  }
0x7c: {  	v29 =	vbroadcast v2, $0xA;
	v63 =	vld [tilespmem:s29+$0x80];
	v42 =	vunpack.c.l.bf16.f32 v3;
	v3 =	vunpack.c.u.bf16.f32 v3  }
0x7d: {  	v45 =	vunpack.c.l.bf16.f32 v4;
	v47 =	vunpack.c.l.bf16.f32 v41;
	v4 =	vunpack.c.u.bf16.f32 v4  }
0x7e: {  	v25 =	vld [tilespmem:s29+$0xA0];
	v5 =	vunpack.c.u.bf16.f32 v41;
	v49 =	vunpack.c.l.bf16.f32 v44;
	v8 =	vunpack.c.u.bf16.f32 v44  }
0x7f: {  	v53 =	vunpack.c.l.bf16.f32 v48;
	v56 =	vunpack.c.u.bf16.f32 v48;
	v59 =	vunpack.c.l.bf16.f32 v50  }
0x80: {  	v26 =	vld [tilespmem:s29+$0x90];
	v61 =	vunpack.c.u.bf16.f32 v50;
	v62 =	vunpack.c.l.bf16.f32 v52;
	v21 =	vunpack.c.u.bf16.f32 v52  }
0x81: {  	v30 =	vld [tilespmem:s29+$0xB0];
	v22 =	vunpack.c.l.bf16.f32 v57;
	v24 =	vunpack.c.u.bf16.f32 v57;
	v27 =	vunpack.c.u.bf16.f32 v63  }
0x82: {  	v36 =	vld [tilespmem:s29+$0xC0];
	v28 =	vunpack.c.l.bf16.f32 v63;
	v41 =	vbroadcast v2, $0xB;
	v6 =	vmul.f32 v42, v43  }
0x83: {  	v38 =	vld [tilespmem:s29+$0xE0];
	v33 =	vunpack.c.u.bf16.f32 v25;
	v3 =	vmul.f32 v3, v43;
	v9 =	vmul.f32 v45, v46  }
0x84: {  	v12 =	vunpack.c.l.bf16.f32 v25;
	v11 =	vmul.f32 v47, v43;
	v4 =	vmul.f32 v4, v46  }
0x85: {  	v35 =	vunpack.c.l.bf16.f32 v26;
	v5 =	vmul.f32 v5, v43;
	v8 =	vmul.f32 v8, v46  }
0x86: {  	v37 =	vunpack.c.l.bf16.f32 v30;
	v58 =	vmul.f32 v53, v54;
	v20 =	vmul.f32 v59, v60  }
0x87: {  	v40 =	vunpack.c.l.bf16.f32 v36;
	v52 =	vld [tilespmem:s29+$0x120];
	v23 =	vmul.f32 v62, v54;
	v10 =	vmul.f32 v22, v60  }
0x88: {  	v44 =	vunpack.c.l.bf16.f32 v38;
	v57 =	vld [tilespmem:s29+$0x130];
	v31 =	vmul.f32 v28, v29;
	v32 =	vmul.f32 v27, v29  }
0x89: {  	v15 =	vunpack.c.u.bf16.f32 v38;
	v63 =	vld [tilespmem:s29+$0x140];
	v12 =	vmul.f32 v12, v34;
	v13 =	vmul.f32 v33, v34  }
0x8a: {  	v42 =	vunpack.c.u.bf16.f32 v36;
	v45 =	vbroadcast v1, $0xB;
	v6 =	vadd.f32 $0.0e+00, v6  }
0x8b: {  	v27 =	vbroadcast v2, $0xD;
	v3 =	vadd.f32 $0.0e+00, v3;
	v51 =	vadd.f32 $0.0e+00, v11  }
0x8c: {  	v39 =	vld [tilespmem:s29+$0xD0];
	v55 =	vadd.f32 $0.0e+00, v5;
	v5 =	vmul.f32 v56, v54;
	v11 =	vunpack.c.u.bf16.f32 v26  }
0x8d: {  	v47 =	vld [tilespmem:s29+$0x100];
	v48 =	vmul.f32 v44, v45;
	v50 =	vmul.f32 v15, v45;
	v59 =	vunpack.c.l.bf16.f32 v52  }
0x8e: {  	v53 =	vld [tilespmem:s29+$0x110];
	v22 =	vunpack.c.u.bf16.f32 v57;
	v25 =	vunpack.c.u.bf16.f32 v63;
	v26 =	vunpack.c.l.bf16.f32 v63  }
0x8f: {  	v6 =	vadd.f32 v9, v6;
	v9 =	vmul.f32 v49, v46;
	v3 =	vadd.f32 v4, v3  }
0x90: {  	v43 =	vld [tilespmem:s29+$0xF0];
	v4 =	vadd.f32 v8, v55;
	v8 =	vmul.f32 v61, v60;
	v11 =	vmul.f32 v11, v29  }
0x91: {  	v46 =	vunpack.c.l.bf16.f32 v39;
	v49 =	vunpack.c.u.bf16.f32 v39;
	v55 =	vbroadcast v2, $0xC  }
0x92: {  	v61 =	vunpack.c.u.bf16.f32 v52;
	v39 =	vbroadcast v2, $0xE;
	v2 =	vbroadcast v2, $0xF  }
0x93: {  	v56 =	vunpack.c.u.bf16.f32 v47;
	v62 =	vunpack.c.l.bf16.f32 v53;
	v6 =	vadd.f32 v58, v6  }
0x94: {  	v7 =	vadd.f32 v9, v51;
	v3 =	vadd.f32 v5, v3;
	v9 =	vmul.f32 v21, v54  }
0x95: {  	v28 =	vld [tilespmem:s29+$0x170];
	v51 =	vunpack.c.l.bf16.f32 v43;
	v54 =	vunpack.c.l.bf16.f32 v47;
	v5 =	vadd.f32 v20, v6  }
0x96: {  	v21 =	vmul.f32 v62, v55;
	v7 =	vadd.f32 v23, v7;
	v3 =	vadd.f32 v8, v3  }
0x97: {  	v4 =	vadd.f32 v9, v4;
	v6 =	vmul.f32 v24, v60;
	v9 =	vmul.f32 v35, v29  }
0x98: {  	v8 =	vunpack.c.u.bf16.f32 v30;
	v58 =	vmul.f32 v54, v55;
	v60 =	vbroadcast v1, $0xC  }
0x99: {  	v20 =	vunpack.c.l.bf16.f32 v57;
	v29 =	vmul.f32 v26, v27;
	v30 =	vmul.f32 v25, v27  }
0x9a: {  	v23 =	vld [tilespmem:s29+$0x160];
	v35 =	vunpack.c.l.bf16.f32 v28;
	v7 =	vadd.f32 v10, v7;
	v5 =	vadd.f32 v31, v5  }
0x9b: {  	v24 =	vld [tilespmem:s29+$0x150];
	v3 =	vadd.f32 v32, v3;
	v4 =	vadd.f32 v6, v4;
	v6 =	vmul.f32 v37, v34  }
0x9c: {  	v8 =	vmul.f32 v8, v34;
	v10 =	vunpack.c.u.bf16.f32 v43;
	v19 =	vmul.f32 v59, v60  }
0x9d: {  	v32 =	vbroadcast v1, $0xD;
	v43 =	vbroadcast v1, $0xE;
	v5 =	vadd.f32 v12, v5  }
0x9e: {  	v36 =	vld [tilespmem:s29+$0x1A0];
	v1 =	vbroadcast v1, $0xF;
	v3 =	vadd.f32 v13, v3;
	v7 =	vadd.f32 v9, v7  }
0x9f: {  	v4 =	vadd.f32 v11, v4;
	v9 =	vmul.f32 v40, v41;
	v10 =	vmul.f32 v10, v45  }
0xa0: {  	v34 =	vld [tilespmem:s29+$0x180];
	v31 =	vunpack.c.u.bf16.f32 v23;
	v12 =	vunpack.c.l.bf16.f32 v23;
	v33 =	vunpack.c.l.bf16.f32 v24  }
0xa1: {  	v37 =	vld [tilespmem:s29+$0x190];
	v11 =	vunpack.c.u.bf16.f32 v24;
	v6 =	vadd.f32 v6, v7;
	v4 =	vadd.f32 v8, v4  }
0xa2: {  	v7 =	vmul.f32 v42, v41;
	v5 =	vadd.f32 v9, v5;
	v8 =	vmul.f32 v46, v41  }
0xa3: {  	v9 =	vmul.f32 v51, v45;
	v42 =	vunpack.c.l.bf16.f32 v36;
	v12 =	vmul.f32 v12, v32  }
0xa4: {  	v46 =	vunpack.c.u.bf16.f32 v36;
	v13 =	vmul.f32 v31, v32;
	v11 =	vmul.f32 v11, v27  }
0xa5: {  	v45 =	vld [tilespmem:s29+$0x1C0];
	v38 =	vunpack.c.l.bf16.f32 v34;
	v40 =	vunpack.c.u.bf16.f32 v34;
	v3 =	vadd.f32 v7, v3  }
0xa6: {  	v44 =	vunpack.c.l.bf16.f32 v37;
	v7 =	vmul.f32 v49, v41;
	v6 =	vadd.f32 v8, v6  }
0xa7: {  	v5 =	vadd.f32 v48, v5;
	v8 =	vunpack.c.u.bf16.f32 v53;
	v41 =	vld [tilespmem:s29+$0x1B0];
	v3 =	vadd.f32 v50, v3  }
0xa8: {  	v47 =	vunpack.c.u.bf16.f32 v37;
	v49 =	vld [tilespmem:s29+$0x1E0];
	v4 =	vadd.f32 v7, v4;
	v6 =	vadd.f32 v9, v6  }
0xa9: {  	v7 =	vmul.f32 v56, v55;
	v5 =	vadd.f32 v58, v5;
	v8 =	vmul.f32 v8, v55  }
0xaa: {  	v9 =	vmul.f32 v20, v60;
	v52 =	vunpack.c.l.bf16.f32 v45;
	v54 =	vunpack.c.u.bf16.f32 v45  }
0xab: {  	v50 =	vld [tilespmem:s29+$0x1D0];
	v4 =	vadd.f32 v10, v4;
	v3 =	vadd.f32 v7, v3;
	v10 =	vmul.f32 v61, v60  }
0xac: {  	v55 =	vld [tilespmem:s29+$0x1F0];
	v5 =	vadd.f32 v19, v5;
	v6 =	vadd.f32 v21, v6;
	v7 =	vmul.f32 v22, v60  }
0xad: {  	v48 =	vunpack.c.l.bf16.f32 v41;
	v56 =	vmul.f32 v52, v2;
	v57 =	vunpack.c.l.bf16.f32 v49  }
0xae: {  	v59 =	vunpack.c.u.bf16.f32 v49;
	v3 =	vadd.f32 v10, v3;
	v4 =	vadd.f32 v8, v4  }
0xaf: {  	v6 =	vadd.f32 v9, v6;
	v5 =	vadd.f32 v29, v5;
	v9 =	vmul.f32 v33, v27  }
0xb0: {  	v8 =	vunpack.c.u.bf16.f32 v28;
	v10 =	vunpack.c.u.bf16.f32 v41;
	v51 =	vmul.f32 v48, v43  }
0xb1: {  	v58 =	vunpack.c.l.bf16.f32 v50;
	v60 =	vunpack.c.l.bf16.f32 v55;
	v3 =	vadd.f32 v30, v3  }
0xb2: {  	v61 =	vunpack.c.u.bf16.f32 v55;
	v4 =	vadd.f32 v7, v4;
	v5 =	vadd.f32 v12, v5  }
0xb3: {  	v6 =	vadd.f32 v9, v6;
	v7 =	vmul.f32 v35, v32;
	v8 =	vmul.f32 v8, v32  }
0xb4: {  	v9 =	vmul.f32 v38, v39;
	v53 =	vmul.f32 v10, v43;
	v4 =	vadd.f32 v11, v4  }
0xb5: {  	v3 =	vadd.f32 v13, v3;
	v6 =	vadd.f32 v7, v6;
	v7 =	vmul.f32 v40, v39  }
0xb6: {  	v5 =	vadd.f32 v9, v5;
	v13 =	vmul.f32 v42, v43;
	v4 =	vadd.f32 v8, v4  }
0xb7: {  	v3 =	vadd.f32 v7, v3;
	v8 =	vmul.f32 v44, v39;
	v7 =	vmul.f32 v47, v39  }
0xb8: {  	v10 =	vmul.f32 v54, v2;
	v9 =	vmul.f32 v46, v43;
	v5 =	vadd.f32 v13, v5  }
0xb9: {  	v11 =	vmul.f32 v59, v1;
	v6 =	vadd.f32 v8, v6;
	v4 =	vadd.f32 v7, v4  }
0xba: {  	v3 =	vadd.f32 v9, v3;
	v5 =	vadd.f32 v56, v5;
	v8 =	vunpack.c.u.bf16.f32 v50  }
0xbb: {  	v7 =	vmul.f32 v57, v1;
	v9 =	vmul.f32 v58, v2;
	v6 =	vadd.f32 v51, v6  }
0xbc: {  	v4 =	vadd.f32 v53, v4;
	v3 =	vadd.f32 v10, v3;
	v2 =	vmul.f32 v8, v2  }
0xbd: {  	p1 =	sne.s32 s28, $0x1C0;
	v62 =	vmul.f32 v60, v1;
	v5 =	vadd.f32 v7, v5;
	v6 =	vadd.f32 v9, v6  }
.Ltmp0:
0xbe: {  	v1 =	vmul.f32 v61, v1;
	v3 =	vadd.f32 v11, v3;
	v2 =	vadd.f32 v2, v4;
	(pc) =	sbr.rel @p1 .LBB2_3-.Ltmp0, $4  }
0xbf: {  	[tilespmem:s26+$0x0] =	vst v5;
	v63 =	vadd.f32 v62, v6  }
0xc0: {  	v1 =	vadd.f32 v1, v2;
	[tilespmem:s26+$0x10] =	vst v3  }
0xc1: {  	[tilespmem:s26+$0x20] =	vst v63  }
0xc2: {  	s28 =	sadd.s32 $0x40, s28;
	s29 =	sadd.s32 $0x400, s29;
	[tilespmem:s26+$0x30] =	vst v1;
	s26 =	sadd.s32 $0x80, s26  }
0xc3: {  	p1 =	sne.s32 s23, $0x1F  }
.Ltmp1:
0xc4: {  	_ = 	snop;
	(pc) =	sbr.rel @p1 .LBB2_6-.Ltmp1, $4  }
0xc5: {  	s25 =	sadd.s32 s5, s25  }
0xc6: {  	s25 =	sshll.u32 s25, $0x7  }
0xc7: {  	s25 =	sadd.s32 s2, s25  }
0xc8: {  	[hbm4b:s25+s3] =	stream.linear.scatter [tilespmem:s15], [sflag:$0x3], $0x400, $0x38;
	[tilespmem:$0xA800] =	vst v63  }
.Ltmp2:
0xc9: {  	(pc) =	sbr.rel .LBB2_7-.Ltmp2, $4  }
0xca: {  	_ = 	snop  }
0xcb: {  	_ =	swait.ge [sflag:s16], $0x2000  }
0xcc: {  	[sflag:s16] =	ssyncset.done $0x0  }
0xcd: {  	[sflag:s16] =	ssyncadd.s32 $0xFFFFE000  }
.LBB2_6:
0xce: {  	s25 =	sshll.u32 s23, $0x8  }
0xcf: {  	s25 =	sand.u32 $0x3FFFFF00, s25  }
.Ltmp3:
0xd0: {  	s25 =	sadd.s32 $0x100, s25;
	(pc) =	sbr.rel @p0 .LBB2_8-.Ltmp3, $4  }
0xd1: {  	[tilespmem:s12], [sflag:$0x1] =	stream.indirect.gather [hbm4b:s4+s11], $0x40, s25, s11, $0xb8;
	[tilespmem:$0xA800] =	vst v63  }
0xd2: {  	_ =	swait.ge [sflag:s16], $0x2000  }
0xd3: {  	[sflag:s16] =	ssyncset.done $0x0  }
0xd4: {  	[sflag:s16] =	ssyncadd.s32 $0xFFFFE000  }
.LBB2_7:
0xd5: {  	_ =	swait.ge [sflag:s17], $0x400  }
0xd6: {  	[sflag:s17] =	ssyncset.done $0x0  }
0xd7: {  	[sflag:s17] =	ssyncadd.s32 $0xFFFFFC00  }
.LBB2_8:
0xd8: {  	s25 =	simm.s32 $0xA440;
	s26 =	simm.s32 $0x0;
	s28 =	simm.s32 $0x8200;
	v0 =	vmov s22  }
.LBB2_9:
0xd9: {  	v3 =	vld [tilespmem:s28+$0xFFFFFE00]  }
0xda: {  	v4 =	vld [tilespmem:s28+$0xFFFFFE20]  }
0xdb: {  	v7 =	vld [tilespmem:s28+$0xFFFFFE10]  }
0xdc: {  	v10 =	vld [tilespmem:s28+$0xFFFFFE30]  }
0xdd: {  	v11 =	vld [tilespmem:s28+$0xFFFFFE40]  }
0xde: {  	v13 =	vld [tilespmem:s28+$0xFFFFFE60]  }
0xdf: {  	v14 =	vld [tilespmem:s28+$0xFFFFFE50]  }
0xe0: {  	v17 =	vld [tilespmem:s28+$0xFFFFFE70]  }
0xe1: {  	v34 =	vld [tilespmem:s28+$0xFFFFFE80]  }
0xe2: {  	v39 =	vld [tilespmem:s28+$0xFFFFFEA0]  }
0xe3: {  	s29 =	sshra.s32 s26, $0x2;
	v46 =	vld [tilespmem:s28+$0xFFFFFE90];
	v5 =	vunpack.c.l.bf16.f32 v3;
	v3 =	vunpack.c.u.bf16.f32 v3  }
0xe4: {  	v2 =	vld.idx.msk [tilespmem:v0+s29+$0xFFFFFF80 ss:$0x1], $0xffff;
	v8 =	vunpack.c.u.bf16.f32 v4;
	v4 =	vunpack.c.l.bf16.f32 v4;
	v12 =	vunpack.c.u.bf16.f32 v7  }
0xe5: {  	v1 =	vld.idx.msk [tilespmem:v0+s29+$0x0 ss:$0x1], $0xffff;
	v7 =	vunpack.c.l.bf16.f32 v7;
	v30 =	vunpack.c.u.bf16.f32 v10;
	v31 =	vunpack.c.l.bf16.f32 v10  }
0xe6: {  	v50 =	vld [tilespmem:s28+$0xFFFFFEB0];
	v32 =	vunpack.c.l.bf16.f32 v11;
	v11 =	vunpack.c.u.bf16.f32 v11;
	v15 =	vunpack.c.u.bf16.f32 v13  }
0xe7: {  	v13 =	vunpack.c.l.bf16.f32 v13;
	v37 =	vunpack.c.u.bf16.f32 v14;
	v38 =	vunpack.c.l.bf16.f32 v14  }
0xe8: {  	v51 =	vld [tilespmem:s28+$0xFFFFFEC0];
	v40 =	vunpack.c.u.bf16.f32 v17;
	v42 =	vunpack.c.l.bf16.f32 v17;
	v43 =	vunpack.c.l.bf16.f32 v34  }
0xe9: {  	v45 =	vunpack.c.u.bf16.f32 v34;
	v48 =	vunpack.c.u.bf16.f32 v39;
	v6 =	vbroadcast v2, $0x0  }
0xea: {  	v54 =	vld [tilespmem:s28+$0xFFFFFEE0];
	v53 =	vunpack.c.u.bf16.f32 v46;
	v9 =	vbroadcast v1, $0x0;
	v33 =	vbroadcast v2, $0x1  }
0xeb: {  	v60 =	vld [tilespmem:s28+$0xFFFFFED0];
	v55 =	vunpack.c.u.bf16.f32 v50;
	v16 =	vbroadcast v1, $0x1;
	v44 =	vbroadcast v2, $0x2  }
0xec: {  	v20 =	vld [tilespmem:s28+$0xFFFFFEF0];
	v56 =	vunpack.c.l.bf16.f32 v50;
	v49 =	vbroadcast v1, $0x2;
	v58 =	vbroadcast v2, $0x3  }
0xed: {  	v57 =	vunpack.c.l.bf16.f32 v51;
	v63 =	vbroadcast v1, $0x3;
	v28 =	vbroadcast v2, $0x4  }
0xee: {  	v21 =	vld [tilespmem:s28+$0xFFFFFF00];
	v59 =	vunpack.c.u.bf16.f32 v51;
	v34 =	vbroadcast v1, $0x4;
	v5 =	vmul.f32 v5, v6  }
0xef: {  	v62 =	vunpack.c.u.bf16.f32 v54;
	v3 =	vmul.f32 v3, v6;
	v4 =	vmul.f32 v4, v9  }
0xf0: {  	v24 =	vld [tilespmem:s28+$0xFFFFFF20];
	v23 =	vunpack.c.u.bf16.f32 v60;
	v8 =	vmul.f32 v8, v9;
	v7 =	vmul.f32 v7, v6  }
0xf1: {  	v25 =	vunpack.c.u.bf16.f32 v20;
	v6 =	vmul.f32 v12, v6;
	v10 =	vmul.f32 v32, v33  }
0xf2: {  	v26 =	vunpack.c.l.bf16.f32 v20;
	v11 =	vmul.f32 v11, v33;
	v35 =	vmul.f32 v13, v16  }
0xf3: {  	v27 =	vunpack.c.l.bf16.f32 v21;
	v36 =	vmul.f32 v15, v16;
	v41 =	vmul.f32 v38, v33  }
0xf4: {  	v29 =	vunpack.c.u.bf16.f32 v21;
	v47 =	vmul.f32 v42, v16;
	v12 =	vmul.f32 v43, v44  }
0xf5: {  	v13 =	vunpack.c.l.bf16.f32 v39;
	v61 =	vmul.f32 v56, v49;
	v32 =	vunpack.c.u.bf16.f32 v24  }
0xf6: {  	v18 =	vld [tilespmem:s28+$0xFFFFFFC0];
	v43 =	vbroadcast v2, $0x5;
	v5 =	vadd.f32 $0.0e+00, v5;
	v3 =	vadd.f32 $0.0e+00, v3  }
0xf7: {  	v7 =	vadd.f32 $0.0e+00, v7;
	v52 =	vmul.f32 v13, v49;
	v13 =	vmul.f32 v57, v58  }
0xf8: {  	v4 =	vadd.f32 v4, v5;
	v3 =	vadd.f32 v8, v3;
	v8 =	vmul.f32 v31, v9  }
0xf9: {  	v6 =	vadd.f32 $0.0e+00, v6;
	v5 =	vmul.f32 v30, v9;
	v9 =	vmul.f32 v40, v16  }
0xfa: {  	v57 =	vld [tilespmem:s28+$0xFFFFFF90];
	v31 =	vmul.f32 v26, v63;
	v7 =	vadd.f32 v8, v7;
	v4 =	vadd.f32 v10, v4  }
0xfb: {  	v26 =	vunpack.c.u.bf16.f32 v18;
	v3 =	vadd.f32 v11, v3;
	v5 =	vadd.f32 v5, v6  }
0xfc: {  	v39 =	vld [tilespmem:s28+$0xFFFFFF60];
	v6 =	vmul.f32 v37, v33;
	v11 =	vmul.f32 v48, v49;
	v8 =	vunpack.c.l.bf16.f32 v46  }
0xfd: {  	v33 =	vld [tilespmem:s28+$0xFFFFFF30];
	v48 =	vbroadcast v1, $0x5;
	v4 =	vadd.f32 v35, v4;
	v7 =	vadd.f32 v41, v7  }
0xfe: {  	v3 =	vadd.f32 v36, v3;
	v5 =	vadd.f32 v6, v5;
	v6 =	vmul.f32 v45, v44  }
0xff: {  	v17 =	vunpack.c.l.bf16.f32 v57;
	v7 =	vadd.f32 v47, v7;
	v4 =	vadd.f32 v12, v4  }
0x100: {  	v8 =	vmul.f32 v8, v44;
	v3 =	vadd.f32 v6, v3;
	v5 =	vadd.f32 v9, v5  }
0x101: {  	v35 =	vld [tilespmem:s28+$0xFFFFFF40];
	v9 =	vmul.f32 v53, v44;
	v12 =	vunpack.c.l.bf16.f32 v54;
	v6 =	vmul.f32 v55, v49  }
0x102: {  	v47 =	vunpack.c.u.bf16.f32 v39;
	v38 =	vunpack.c.u.bf16.f32 v33;
	v40 =	vunpack.c.l.bf16.f32 v33  }
0x103: {  	v33 =	vbroadcast v1, $0x7;
	v4 =	vadd.f32 v52, v4;
	v3 =	vadd.f32 v11, v3  }
0x104: {  	v7 =	vadd.f32 v8, v7;
	v5 =	vadd.f32 v9, v5;
	v8 =	vmul.f32 v59, v58  }
0x105: {  	v41 =	vld [tilespmem:s28+$0xFFFFFF50];
	v22 =	vmul.f32 v12, v63;
	v11 =	vmul.f32 v62, v63;
	v9 =	vunpack.c.l.bf16.f32 v60  }
0x106: {  	v12 =	vunpack.c.l.bf16.f32 v24;
	v59 =	vbroadcast v2, $0x6;
	v42 =	vunpack.c.u.bf16.f32 v35  }
0x107: {  	v30 =	vld [tilespmem:s28+$0xFFFFFF10];
	v10 =	vunpack.c.l.bf16.f32 v35;
	v44 =	vmul.f32 v40, v34;
	v4 =	vadd.f32 v13, v4  }
0x108: {  	v51 =	vld [tilespmem:s28+$0xFFFFFF80];
	v5 =	vadd.f32 v6, v5;
	v9 =	vmul.f32 v9, v58;
	v6 =	vmul.f32 v23, v58  }
0x109: {  	v49 =	vld [tilespmem:s28+$0xFFFFFF70];
	v3 =	vadd.f32 v8, v3;
	v13 =	vmul.f32 v27, v28;
	v8 =	vmul.f32 v25, v63  }
0x10a: {  	v53 =	vld [tilespmem:s28+$0xFFFFFFA0];
	v50 =	vunpack.c.l.bf16.f32 v41;
	v36 =	vmul.f32 v12, v34;
	v12 =	vmul.f32 v47, v48  }
0x10b: {  	v7 =	vadd.f32 v61, v7;
	v61 =	vbroadcast v1, $0x6;
	v19 =	vmul.f32 v17, v59  }
0x10c: {  	v37 =	vunpack.c.u.bf16.f32 v30;
	v27 =	vbroadcast v2, $0x7;
	v45 =	vmul.f32 v10, v43  }
0x10d: {  	v62 =	vld [tilespmem:s28+$0xFFFFFFB0];
	v58 =	vunpack.c.l.bf16.f32 v51;
	v46 =	vmul.f32 v42, v43;
	v52 =	vmul.f32 v50, v43  }
0x10e: {  	v55 =	vunpack.c.u.bf16.f32 v49;
	v56 =	vunpack.c.l.bf16.f32 v49;
	v10 =	vunpack.c.u.bf16.f32 v51  }
0x10f: {  	v60 =	vunpack.c.l.bf16.f32 v53;
	v4 =	vadd.f32 v22, v4;
	v3 =	vadd.f32 v11, v3  }
0x110: {  	v7 =	vadd.f32 v9, v7;
	v5 =	vadd.f32 v6, v5;
	v6 =	vmul.f32 v29, v28  }
0x111: {  	v11 =	vmul.f32 v32, v34;
	v9 =	vunpack.c.l.bf16.f32 v30;
	v10 =	vmul.f32 v10, v59  }
0x112: {  	v23 =	vld [tilespmem:s28+$0xFFFFFFD0];
	v63 =	vmul.f32 v60, v61;
	v20 =	vunpack.c.u.bf16.f32 v62;
	v7 =	vadd.f32 v31, v7  }
0x113: {  	v21 =	vunpack.c.l.bf16.f32 v62;
	v4 =	vadd.f32 v13, v4;
	v3 =	vadd.f32 v6, v3  }
0x114: {  	v22 =	vld [tilespmem:s28+$0xFFFFFFE0];
	v5 =	vadd.f32 v8, v5;
	v9 =	vmul.f32 v9, v28;
	v8 =	vmul.f32 v37, v28  }
0x115: {  	v6 =	vmul.f32 v38, v34;
	v13 =	vunpack.c.u.bf16.f32 v41;
	v31 =	vmul.f32 v26, v27  }
0x116: {  	v24 =	vmul.f32 v21, v61;
	v25 =	vmul.f32 v20, v61;
	v4 =	vadd.f32 v36, v4  }
0x117: {  	v34 =	vunpack.c.l.bf16.f32 v23;
	v3 =	vadd.f32 v11, v3;
	v7 =	vadd.f32 v9, v7  }
0x118: {  	v5 =	vadd.f32 v8, v5;
	v11 =	vunpack.c.l.bf16.f32 v39;
	v54 =	vmul.f32 v13, v43  }
0x119: {  	v28 =	vld [tilespmem:s28+$0xFFFFFFF0];
	v9 =	vmul.f32 v58, v59;
	v8 =	vunpack.c.u.bf16.f32 v53;
	v29 =	vunpack.c.u.bf16.f32 v22  }
0x11a: {  	v32 =	vunpack.c.l.bf16.f32 v22;
	v37 =	vmul.f32 v34, v27;
	v4 =	vadd.f32 v45, v4  }
0x11b: {  	v3 =	vadd.f32 v46, v3;
	v11 =	vmul.f32 v11, v48;
	v7 =	vadd.f32 v44, v7  }
0x11c: {  	v5 =	vadd.f32 v6, v5;
	v8 =	vmul.f32 v8, v61;
	v35 =	vmul.f32 v32, v33  }
0x11d: {  	v3 =	vadd.f32 v12, v3;
	v6 =	vadd.f32 v52, v7;
	v12 =	vmul.f32 v56, v48  }
0x11e: {  	v36 =	vunpack.c.l.bf16.f32 v28;
	v4 =	vadd.f32 v11, v4;
	v5 =	vadd.f32 v54, v5  }
0x11f: {  	v11 =	vmul.f32 v55, v48;
	v7 =	vunpack.c.u.bf16.f32 v57;
	v6 =	vadd.f32 v12, v6  }
0x120: {  	v4 =	vadd.f32 v9, v4;
	v3 =	vadd.f32 v10, v3;
	v10 =	vunpack.c.l.bf16.f32 v18  }
0x121: {  	v14 =	vunpack.c.u.bf16.f32 v28;
	v5 =	vadd.f32 v11, v5;
	v7 =	vmul.f32 v7, v59  }
0x122: {  	v4 =	vadd.f32 v63, v4;
	v6 =	vadd.f32 v19, v6;
	v30 =	vmul.f32 v10, v27  }
0x123: {  	v3 =	vadd.f32 v8, v3;
	v5 =	vadd.f32 v7, v5;
	v8 =	vunpack.c.u.bf16.f32 v23  }
0x124: {  	v7 =	vmul.f32 v29, v33;
	v6 =	vadd.f32 v24, v6;
	v4 =	vadd.f32 v30, v4  }
0x125: {  	v5 =	vadd.f32 v25, v5;
	v3 =	vadd.f32 v31, v3;
	v8 =	vmul.f32 v8, v27  }
0x126: {  	v38 =	vmul.f32 v36, v33;
	v4 =	vadd.f32 v35, v4;
	v6 =	vadd.f32 v37, v6  }
0x127: {  	v39 =	vmul.f32 v14, v33;
	v3 =	vadd.f32 v7, v3;
	v5 =	vadd.f32 v8, v5  }
0x128: {  	v6 =	vadd.f32 v38, v6;
	[tilespmem:s25+$0xFFFFFFC0] =	vst v4  }
0x129: {  	v40 =	vadd.f32 v39, v5;
	[tilespmem:s25+$0xFFFFFFD0] =	vst v3  }
0x12a: {  	[tilespmem:s25+$0xFFFFFFE0] =	vst v6  }
0x12b: {  	[tilespmem:s25+$0xFFFFFFF0] =	vst v40  }
0x12c: {  	v3 =	vld [tilespmem:s28+$0x0]  }
0x12d: {  	v4 =	vld [tilespmem:s28+$0x20]  }
0x12e: {  	v41 =	vld [tilespmem:s28+$0x10]  }
0x12f: {  	v44 =	vld [tilespmem:s28+$0x30]  }
0x130: {  	v48 =	vld [tilespmem:s28+$0x40]  }
0x131: {  	v60 =	vbroadcast v1, $0x9;
	v50 =	vld [tilespmem:s28+$0x60]  }
0x132: {  	v43 =	vbroadcast v2, $0x8;
	v34 =	vbroadcast v1, $0xA;
	v52 =	vld [tilespmem:s28+$0x50]  }
0x133: {  	v46 =	vbroadcast v1, $0x8;
	v54 =	vbroadcast v2, $0x9;
	v57 =	vld [tilespmem:s28+$0x70]  }
0x134: {  	v29 =	vbroadcast v2, $0xA;
	v63 =	vld [tilespmem:s28+$0x80];
	v42 =	vunpack.c.l.bf16.f32 v3;
	v3 =	vunpack.c.u.bf16.f32 v3  }
0x135: {  	v45 =	vunpack.c.l.bf16.f32 v4;
	v47 =	vunpack.c.l.bf16.f32 v41;
	v4 =	vunpack.c.u.bf16.f32 v4  }
0x136: {  	v25 =	vld [tilespmem:s28+$0xA0];
	v5 =	vunpack.c.u.bf16.f32 v41;
	v49 =	vunpack.c.l.bf16.f32 v44;
	v8 =	vunpack.c.u.bf16.f32 v44  }
0x137: {  	v53 =	vunpack.c.l.bf16.f32 v48;
	v56 =	vunpack.c.u.bf16.f32 v48;
	v59 =	vunpack.c.l.bf16.f32 v50  }
0x138: {  	v26 =	vld [tilespmem:s28+$0x90];
	v61 =	vunpack.c.u.bf16.f32 v50;
	v62 =	vunpack.c.l.bf16.f32 v52;
	v21 =	vunpack.c.u.bf16.f32 v52  }
0x139: {  	v30 =	vld [tilespmem:s28+$0xB0];
	v22 =	vunpack.c.l.bf16.f32 v57;
	v24 =	vunpack.c.u.bf16.f32 v57;
	v27 =	vunpack.c.u.bf16.f32 v63  }
0x13a: {  	v36 =	vld [tilespmem:s28+$0xC0];
	v28 =	vunpack.c.l.bf16.f32 v63;
	v41 =	vbroadcast v2, $0xB;
	v6 =	vmul.f32 v42, v43  }
0x13b: {  	v38 =	vld [tilespmem:s28+$0xE0];
	v33 =	vunpack.c.u.bf16.f32 v25;
	v3 =	vmul.f32 v3, v43;
	v9 =	vmul.f32 v45, v46  }
0x13c: {  	v12 =	vunpack.c.l.bf16.f32 v25;
	v11 =	vmul.f32 v47, v43;
	v4 =	vmul.f32 v4, v46  }
0x13d: {  	v35 =	vunpack.c.l.bf16.f32 v26;
	v5 =	vmul.f32 v5, v43;
	v8 =	vmul.f32 v8, v46  }
0x13e: {  	v37 =	vunpack.c.l.bf16.f32 v30;
	v58 =	vmul.f32 v53, v54;
	v20 =	vmul.f32 v59, v60  }
0x13f: {  	v40 =	vunpack.c.l.bf16.f32 v36;
	v52 =	vld [tilespmem:s28+$0x120];
	v23 =	vmul.f32 v62, v54;
	v10 =	vmul.f32 v22, v60  }
0x140: {  	v44 =	vunpack.c.l.bf16.f32 v38;
	v57 =	vld [tilespmem:s28+$0x130];
	v31 =	vmul.f32 v28, v29;
	v32 =	vmul.f32 v27, v29  }
0x141: {  	v15 =	vunpack.c.u.bf16.f32 v38;
	v63 =	vld [tilespmem:s28+$0x140];
	v12 =	vmul.f32 v12, v34;
	v13 =	vmul.f32 v33, v34  }
0x142: {  	v42 =	vunpack.c.u.bf16.f32 v36;
	v45 =	vbroadcast v1, $0xB;
	v6 =	vadd.f32 $0.0e+00, v6  }
0x143: {  	v27 =	vbroadcast v2, $0xD;
	v3 =	vadd.f32 $0.0e+00, v3;
	v51 =	vadd.f32 $0.0e+00, v11  }
0x144: {  	v39 =	vld [tilespmem:s28+$0xD0];
	v55 =	vadd.f32 $0.0e+00, v5;
	v5 =	vmul.f32 v56, v54;
	v11 =	vunpack.c.u.bf16.f32 v26  }
0x145: {  	v47 =	vld [tilespmem:s28+$0x100];
	v48 =	vmul.f32 v44, v45;
	v50 =	vmul.f32 v15, v45;
	v59 =	vunpack.c.l.bf16.f32 v52  }
0x146: {  	v53 =	vld [tilespmem:s28+$0x110];
	v22 =	vunpack.c.u.bf16.f32 v57;
	v25 =	vunpack.c.u.bf16.f32 v63;
	v26 =	vunpack.c.l.bf16.f32 v63  }
0x147: {  	v6 =	vadd.f32 v9, v6;
	v9 =	vmul.f32 v49, v46;
	v3 =	vadd.f32 v4, v3  }
0x148: {  	v43 =	vld [tilespmem:s28+$0xF0];
	v4 =	vadd.f32 v8, v55;
	v8 =	vmul.f32 v61, v60;
	v11 =	vmul.f32 v11, v29  }
0x149: {  	v46 =	vunpack.c.l.bf16.f32 v39;
	v49 =	vunpack.c.u.bf16.f32 v39;
	v55 =	vbroadcast v2, $0xC  }
0x14a: {  	v61 =	vunpack.c.u.bf16.f32 v52;
	v39 =	vbroadcast v2, $0xE;
	v2 =	vbroadcast v2, $0xF  }
0x14b: {  	v56 =	vunpack.c.u.bf16.f32 v47;
	v62 =	vunpack.c.l.bf16.f32 v53;
	v6 =	vadd.f32 v58, v6  }
0x14c: {  	v7 =	vadd.f32 v9, v51;
	v3 =	vadd.f32 v5, v3;
	v9 =	vmul.f32 v21, v54  }
0x14d: {  	v28 =	vld [tilespmem:s28+$0x170];
	v51 =	vunpack.c.l.bf16.f32 v43;
	v54 =	vunpack.c.l.bf16.f32 v47;
	v5 =	vadd.f32 v20, v6  }
0x14e: {  	v21 =	vmul.f32 v62, v55;
	v7 =	vadd.f32 v23, v7;
	v3 =	vadd.f32 v8, v3  }
0x14f: {  	v4 =	vadd.f32 v9, v4;
	v6 =	vmul.f32 v24, v60;
	v9 =	vmul.f32 v35, v29  }
0x150: {  	v8 =	vunpack.c.u.bf16.f32 v30;
	v58 =	vmul.f32 v54, v55;
	v60 =	vbroadcast v1, $0xC  }
0x151: {  	v20 =	vunpack.c.l.bf16.f32 v57;
	v29 =	vmul.f32 v26, v27;
	v30 =	vmul.f32 v25, v27  }
0x152: {  	v23 =	vld [tilespmem:s28+$0x160];
	v35 =	vunpack.c.l.bf16.f32 v28;
	v7 =	vadd.f32 v10, v7;
	v5 =	vadd.f32 v31, v5  }
0x153: {  	v24 =	vld [tilespmem:s28+$0x150];
	v3 =	vadd.f32 v32, v3;
	v4 =	vadd.f32 v6, v4;
	v6 =	vmul.f32 v37, v34  }
0x154: {  	v8 =	vmul.f32 v8, v34;
	v10 =	vunpack.c.u.bf16.f32 v43;
	v19 =	vmul.f32 v59, v60  }
0x155: {  	v32 =	vbroadcast v1, $0xD;
	v43 =	vbroadcast v1, $0xE;
	v5 =	vadd.f32 v12, v5  }
0x156: {  	v36 =	vld [tilespmem:s28+$0x1A0];
	v1 =	vbroadcast v1, $0xF;
	v3 =	vadd.f32 v13, v3;
	v7 =	vadd.f32 v9, v7  }
0x157: {  	v4 =	vadd.f32 v11, v4;
	v9 =	vmul.f32 v40, v41;
	v10 =	vmul.f32 v10, v45  }
0x158: {  	v34 =	vld [tilespmem:s28+$0x180];
	v31 =	vunpack.c.u.bf16.f32 v23;
	v12 =	vunpack.c.l.bf16.f32 v23;
	v33 =	vunpack.c.l.bf16.f32 v24  }
0x159: {  	v37 =	vld [tilespmem:s28+$0x190];
	v11 =	vunpack.c.u.bf16.f32 v24;
	v6 =	vadd.f32 v6, v7;
	v4 =	vadd.f32 v8, v4  }
0x15a: {  	v7 =	vmul.f32 v42, v41;
	v5 =	vadd.f32 v9, v5;
	v8 =	vmul.f32 v46, v41  }
0x15b: {  	v9 =	vmul.f32 v51, v45;
	v42 =	vunpack.c.l.bf16.f32 v36;
	v12 =	vmul.f32 v12, v32  }
0x15c: {  	v46 =	vunpack.c.u.bf16.f32 v36;
	v13 =	vmul.f32 v31, v32;
	v11 =	vmul.f32 v11, v27  }
0x15d: {  	v45 =	vld [tilespmem:s28+$0x1C0];
	v38 =	vunpack.c.l.bf16.f32 v34;
	v40 =	vunpack.c.u.bf16.f32 v34;
	v3 =	vadd.f32 v7, v3  }
0x15e: {  	v44 =	vunpack.c.l.bf16.f32 v37;
	v7 =	vmul.f32 v49, v41;
	v6 =	vadd.f32 v8, v6  }
0x15f: {  	v5 =	vadd.f32 v48, v5;
	v8 =	vunpack.c.u.bf16.f32 v53;
	v41 =	vld [tilespmem:s28+$0x1B0];
	v3 =	vadd.f32 v50, v3  }
0x160: {  	v47 =	vunpack.c.u.bf16.f32 v37;
	v49 =	vld [tilespmem:s28+$0x1E0];
	v4 =	vadd.f32 v7, v4;
	v6 =	vadd.f32 v9, v6  }
0x161: {  	v7 =	vmul.f32 v56, v55;
	v5 =	vadd.f32 v58, v5;
	v8 =	vmul.f32 v8, v55  }
0x162: {  	v9 =	vmul.f32 v20, v60;
	v52 =	vunpack.c.l.bf16.f32 v45;
	v54 =	vunpack.c.u.bf16.f32 v45  }
0x163: {  	v50 =	vld [tilespmem:s28+$0x1D0];
	v4 =	vadd.f32 v10, v4;
	v3 =	vadd.f32 v7, v3;
	v10 =	vmul.f32 v61, v60  }
0x164: {  	v55 =	vld [tilespmem:s28+$0x1F0];
	v5 =	vadd.f32 v19, v5;
	v6 =	vadd.f32 v21, v6;
	v7 =	vmul.f32 v22, v60  }
0x165: {  	v48 =	vunpack.c.l.bf16.f32 v41;
	v56 =	vmul.f32 v52, v2;
	v57 =	vunpack.c.l.bf16.f32 v49  }
0x166: {  	v59 =	vunpack.c.u.bf16.f32 v49;
	v3 =	vadd.f32 v10, v3;
	v4 =	vadd.f32 v8, v4  }
0x167: {  	v6 =	vadd.f32 v9, v6;
	v5 =	vadd.f32 v29, v5;
	v9 =	vmul.f32 v33, v27  }
0x168: {  	v8 =	vunpack.c.u.bf16.f32 v28;
	v10 =	vunpack.c.u.bf16.f32 v41;
	v51 =	vmul.f32 v48, v43  }
0x169: {  	v58 =	vunpack.c.l.bf16.f32 v50;
	v60 =	vunpack.c.l.bf16.f32 v55;
	v3 =	vadd.f32 v30, v3  }
0x16a: {  	v61 =	vunpack.c.u.bf16.f32 v55;
	v4 =	vadd.f32 v7, v4;
	v5 =	vadd.f32 v12, v5  }
0x16b: {  	v6 =	vadd.f32 v9, v6;
	v7 =	vmul.f32 v35, v32;
	v8 =	vmul.f32 v8, v32  }
0x16c: {  	v9 =	vmul.f32 v38, v39;
	v53 =	vmul.f32 v10, v43;
	v4 =	vadd.f32 v11, v4  }
0x16d: {  	v3 =	vadd.f32 v13, v3;
	v6 =	vadd.f32 v7, v6;
	v7 =	vmul.f32 v40, v39  }
0x16e: {  	v5 =	vadd.f32 v9, v5;
	v13 =	vmul.f32 v42, v43;
	v4 =	vadd.f32 v8, v4  }
0x16f: {  	v3 =	vadd.f32 v7, v3;
	v8 =	vmul.f32 v44, v39;
	v7 =	vmul.f32 v47, v39  }
0x170: {  	v10 =	vmul.f32 v54, v2;
	v9 =	vmul.f32 v46, v43;
	v5 =	vadd.f32 v13, v5  }
0x171: {  	v11 =	vmul.f32 v59, v1;
	v6 =	vadd.f32 v8, v6;
	v4 =	vadd.f32 v7, v4  }
0x172: {  	v3 =	vadd.f32 v9, v3;
	v5 =	vadd.f32 v56, v5;
	v8 =	vunpack.c.u.bf16.f32 v50  }
0x173: {  	v7 =	vmul.f32 v57, v1;
	v9 =	vmul.f32 v58, v2;
	v6 =	vadd.f32 v51, v6  }
0x174: {  	v4 =	vadd.f32 v53, v4;
	v3 =	vadd.f32 v10, v3;
	v2 =	vmul.f32 v8, v2  }
0x175: {  	p0 =	sne.s32 s26, $0x1C0;
	v62 =	vmul.f32 v60, v1;
	v5 =	vadd.f32 v7, v5;
	v6 =	vadd.f32 v9, v6  }
.Ltmp4:
0x176: {  	v1 =	vmul.f32 v61, v1;
	v3 =	vadd.f32 v11, v3;
	v2 =	vadd.f32 v2, v4;
	(pc) =	sbr.rel @p0 .LBB2_9-.Ltmp4, $4  }
0x177: {  	[tilespmem:s25+$0x0] =	vst v5;
	v63 =	vadd.f32 v62, v6  }
0x178: {  	v1 =	vadd.f32 v1, v2;
	[tilespmem:s25+$0x10] =	vst v3  }
0x179: {  	[tilespmem:s25+$0x20] =	vst v63  }
0x17a: {  	s26 =	sadd.s32 $0x40, s26;
	s28 =	sadd.s32 $0x400, s28;
	[tilespmem:s25+$0x30] =	vst v1;
	s25 =	sadd.s32 $0x80, s25  }
0x17b: {  	s23 =	sadd.s32 $0x1, s23  }
0x17c: {  	p0 =	sne.s32 s23, $0x20  }
.Ltmp5:
0x17d: {  	s24 =	sadd.s32 s5, s24;
	(pc) =	sbr.rel @p0 .LBB2_2-.Ltmp5, $4  }
0x17e: {  	s24 =	sshll.u32 s24, $0x7  }
0x17f: {  	s24 =	sand.u32 $0x1FFFFF80, s24  }
0x180: {  	s21 =	sadd.s32 $0x200, s21;
	s22 =	sadd.s32 $0x200, s22;
	s24 =	sadd.s32 s2, s24  }
0x181: {  	[hbm4b:s24+s3] =	stream.linear.scatter [tilespmem:s18], [sflag:$0x4], $0x400, $0x38;
	[tilespmem:$0xA800] =	vst v63  }
0x182: {  	s20 =	sadd.s32 $0x1, s20  }
0x183: {  	_ =	swait.ge [sflag:s19], $0x400;
	p0 =	sne.s32 s20, s8  }
.Ltmp6:
0x184: {  	[sflag:s19] =	ssyncset.done $0x0;
	(pc) =	sbr.rel @p0 .LBB2_1-.Ltmp6, $4  }
0x185: {  	[sflag:s19] =	ssyncadd.s32 $0xFFFFFC00  }
0x186: {  	_ =	swait.ge [sflag:s17], $0x400  }
0x187: {  	[sflag:s17] =	ssyncset.done $0x0  }
0x188: {  	[sflag:s17] =	ssyncadd.s32 $0xFFFFFC00  }
0x189: {  	_ =	sfence.sel $0x180000  }
0x18a: {  	[bflag:$0x0] =	sbarrier.arrive $0xFFFF  }
0x18b: {  	p0 =	sne.s32 s1, $0x0;
	_ =	strace $0x9000004A  }
0x18c: {  	s0 =	sadd.s32 @!p0 $0x100000, s0;
	[bflag:$0x2] =	sbarrier.arrive $0xFFFF  }
0x18d: {  	[sflag:s0] =	ssyncadd.tile.s32 @!p0 $0x1;
	_ =	shalt  }
.Lfunc_end2:
_tile_overlayer_lowered:
.L_overlay_start_2:
0x18e: {  	(tag) =	ssettag $0x2  }
0x18f: {  	s0 =	rddreg [dreg:$0x0];
	s2 =	stileid.u32  }
0x190: {  	s1 =	rddreg [dreg:$0x1];
	p0 =	sne.s32 s2, $0x0  }
0x191: {  	s3 =	rddreg [dreg:$0x2];
	[bflag:$0x3] =	sbarrier.arrive $0xFFFF;
	s2 =	simm.s32 @!p0 $0x1C05  }
0x192: {  	[timem:s3], [sflag:s2] =	dma.local @!p0 [hbm:s0], s1  }
0x193: {  	s0 =	simm.s32 @!p0 $0x5  }
0x194: {  	_ =	swait.ge @!p0 [sflag:s0], s1  }
0x195: {  	s1 =	ssub.s32 @!p0 $0x0, s1;
	[sflag:s0] =	ssyncset.done @!p0 $0x0  }
0x196: {  	[sflag:s0] =	ssyncadd.s32 @!p0 s1  }
0x197: {  	[bflag:$0x3] =	sbarrier.arrive $0xFFFF  }
0x198: {  	_ =	shalt  }

// kernel: sparse-core-data-format-call.cloned.1.call-start
scs
called_computation_lowered:
.L_overlay_start_0:
0x0: {  	s1 =	sld [smem:$0x3FD9]  }
0x1: {  	s2 =	sld [smem:$0x3FFE];
	_ =	sdelay $0x1  }
0x2: {  	s3 =	srdreg.scid  }
0x3: {  	s0 =	sand.u32 $0x1, s3  }
0x4: {  	s17 =	sshll.u32 s0, $0xA;
	s1 =	sadd.s32 s2, s1  }
0x5: {  	s1 =	sadd.s32 s1, s17  }
0x6: {  	[smem:$0x3FBD] =	sst s1  }
0x7: {  	_ = 	snop  }
0x8: {  	(tm) =	ssettm $0x1  }
0x9: {  	s18 =	sld [smem:$0x3FFB];
	_ =	sdelay $0x3  }
0xa: {  	_ =	strace s18  }
0xb: {  	s1 =	sld [smem:$0x3FFC];
	_ =	sdelay $0x3  }
0xc: {  	_ =	strace s1  }
0xd: {  	s1 =	sld [smem:$0x3FFD];
	_ =	sdelay $0x3  }
0xe: {  	_ =	strace s1  }
0xf: {  	_ =	strace $0x8FFFFFFF  }
0x10: {  	s19 =	sld [smem:$0x3FDB];
	_ =	sdelay $0x1  }
0x11: {  	s20 =	simm.s32 $_scs_section_size  }
0x12: {  	s4 =	simm.s32 $_size__tile_overlayer_lowered;
	s5 =	simm.s32 $_tile_overlayer_lowered  }
0x13: {  	s23 =	simm.s32 $0x1BFF;
	s22 =	sshll.u32 s5, $0x1;
	s1 =	sadd.s32 s20, s19  }
0x14: {  	s6 =	simm.s32 $0x0;
	s21 =	sshll.u32 s4, $0x1;
	s4 =	sadd.s32 s22, s1  }
0x15: {  	[timem:s6], [sflag:s23] =	dma.local [hbm:s4], s21  }
0x16: {  	_ =	swait.ge [sflag:s23], s21  }
0x17: {  	s2 =	ssub.s32 $0x0, s21;
	[sflag:s23] =	ssyncset.done $0x0  }
0x18: {  	[sflag:s23] =	ssyncadd.s32 s2;
	_ =	sdelay $0x1  }
0x19: {  	s24 =	simm.s32 $0x1B8B  }
0x1a: {  	_ =	swait.ge [sflag:s24], $0x1  }
0x1b: {  	[sflag:s24] =	ssyncset.done $0x0  }
0x1c: {  	s26 =	simm.s32 $0x1B8E;
	s25 =	sld [smem:$0x3FFE];
	[sflag:s24] =	ssyncadd.s32 $0xFFFFFFFF  }
0x1d: {  	s27 =	simm.s32 $execute0_lowered;
	[smem:$0x3FD2] =	sst s26  }
0x1e: {  	s4 =	sshll.u32 s27, $0x1;
	_ =	strace $0x80000046;
	[dreg:$0x1] =	wrdreg $0xFFFFFFFF  }
0x1f: {  	s28 =	simm.s32 $_size_execute0_lowered;
	s1 =	sadd.s32 s1, s4;
	[dreg:$0x0] =	wrdreg $0x0  }
0x20: {  	s4 =	sshll.u32 s28, $0x1;
	[dreg:$0x2] =	wrdreg s1  }
0x21: {  	[dreg:$0x3] =	wrdreg s4  }
0x22: {  	[dreg:$0x4] =	wrdreg $0xC0  }
0x23: {  	_ =	task [dreg:s6], $0x5FFFF  }
0x24: {  	[dreg:$0x1] =	wrdreg $0xFFFFFFFF  }
0x25: {  	[dreg:$0x0] =	wrdreg $0x60  }
0x26: {  	[dreg:$0x2] =	wrdreg s25  }
0x27: {  	[dreg:$0x3] =	wrdreg $0x9  }
0x28: {  	_ =	task.clear_ibuf [dreg:s6], $0x4FFFF;
	_ =	strace $0x90000046  }
0x29: {  	s29 =	simm.s32 $0x9;
	_ =	strace $0x80000048  }
0x2a: {  	_ =	swait.ge [sflag:s29], $0x1  }
0x2b: {  	[sflag:s29] =	ssyncadd.s32 $0xFFFFFFFF  }
0x2c: {  	_ =	strace $0x90000048  }
0x2d: {  	_ =	sfence  }
0x2e: {  	s30 =	sld [smem:$0x0];
	_ =	sdelay $0x2  }
0x2f: {  	s31 =	sshll.u32 s3, $0xD;
	s3 =	sshrl.u32 s3, $0x2  }
0x30: {  	s2 =	sand.u32 $0x4000, s31;
	s1 =	sadd.s32 s3, s30  }
0x31: {  	s0 =	sor.u32 s2, s0;
	s1 =	sshll.u32 s1, $0x11  }
0x32: {  	s0 =	sor.u32 s1, s0  }
0x33: {  	s0 =	sadd.s32 $0x8F2B, s0  }
0x34: {  	[sflag:s0] =	ssyncadd.remote.s32 $0x1  }
0x35: {  	_ =	sfence.sel $0xFFFF  }
0x36: {  	[dreg:$0x0] =	wrdreg $0xFFFFFFFF;
	(pc) =	sbr.abs _section_cstart, $3  }
0x37: {  	[dreg:$0x1] =	wrdreg $0xFFFFFFFF  }
0x38: {  	_ =	task.clear_ibuf [dreg:s6], $0x2FFFF;
	_ =	strace $0x9FFFFFFF  }
0x39: {  	(tm) =	ssettm $0x7FFFFFFF  }
tec
execute0_lowered:
.L_overlay_start_1:
0x0: {  	(tag) =	ssettag $0x1  }
0x1: {  	s0 =	srdreg.scid  }
0x2: {  	s1 =	sshll.u32 s0, $0x4  }
0x3: {  	s4 =	rddreg [dreg:$0x0];
	s0 =	stileid.u32;
	s1 =	sand.u32 $0x10, s1  }
0x4: {  	s7 =	simm.s32 $0x1;
	s8 =	simm.s32 $0x2;
	s1 =	sor.u32 s0, s1  }
0x5: {  	s9 =	simm.s32 $0x0;
	s12 =	simm.s32 $0x0;
	s2 =	sshll.u32 s1, $0x4  }
0x6: {  	s11 =	simm.s32 $0x0;
	s3 =	sadd.s32 $0x2600, s4;
	s6 =	ssub.s32 $0x2000, s2  }
.Ltmp0:
0x7: {  	s4 =	sadd.s32 $0x102600, s4;
	s5 =	sand.u32 $0x1F0, s6;
	(pc) =	sbr.rel .LBB1_1-.Ltmp0, $4  }
0x8: {  	s1 =	rddreg [dreg:$0x1];
	_ =	strace $0x80000047;
	p0 =	sne.s32 s5, $0x0  }
0x9: {  	s6 =	sshrl.u32 s6, $0x9;
	s5 =	simm.s32 $0x1;
	s7 =	simm.s32 @!p0 $0x0  }
0xa: {  	s10 =	smov.u32 s2;
	[sflag:s5] =	ssyncpa.u1 $0x0;
	s6 =	sadd.s32 s7, s6  }
0xb: {  	[sflag:s8] =	ssyncpa.u1 $0x0;
	s8 =	simm.s32 $0x0;
	s7 =	sadd.s32 $0x1, s6  }
.LBB1_7:
0xc: {  	s14 =	sadd.s32 $0x200, s10  }
0xd: {  	p1 =	sgt.s32 s14, $0x1FFF  }
0xe: {  	s14 =	smov.u32 @p1 s2;
	p1 =	sne.s32 s11, s7  }
.Ltmp1:
0xf: {  	p0 =	slt.u32 s11, $0x2;
	(pc) =	sbr.rel @!p1 .LBB1_8-.Ltmp1, $4  }
0x10: {  	s13 =	simm.s32 @!p0 $0x2  }
0x11: {  	s15 =	sadd.s32 $0x1, s11;
	_ =	swait.ge @!p0 [sflag:s13], $0x4000  }
0x12: {  	s12 =	smov.u32 s10;
	s9 =	sadd.s32 $0x8000, s9;
	[sflag:s13] =	ssyncset.done @!p0 $0x0  }
0x13: {  	s11 =	smov.u32 s15;
	s10 =	smov.u32 s14;
	[sflag:s13] =	ssyncadd.s32 @!p0 $0xFFFFC000  }
.LBB1_1:
0x14: {  	p0 =	sge.u32 s11, s6  }
0x15: {  	s13 =	sxor.u32 @!p0 $0xFFFFFFFF, s11  }
0x16: {  	s31 =	sadd.s32 $0xFFFFFFFF, s11;
	s14 =	sshll.u32 @!p0 s10, $0x7;
	s13 =	sshll.u32 @!p0 s13, $0xE  }
0x17: {  	s15 =	simm.s32 @!p0 $0x0;
	s14 =	sadd.s32 @!p0 s3, s14;
	s13 =	sand.u32 @!p0 $0x4000, s13  }
0x18: {  	[tilespmem:s13], [sflag:$0x1] =	stream.linear.gather @!p0 [hbm4b:s14+s15], $0x4000, $0x38;
	[tilespmem:$0x10000] =	vst v63  }
0x19: {  	p0 =	sge.u32 s31, s6  }
.Ltmp2:
0x1a: {  	_ = 	snop;
	(pc) =	sbr.rel @p0 .LBB1_7-.Ltmp2, $1  }
0x1b: {  	_ =	sdelay $0x3  }
0x1c: {  	s13 =	sshrl.u32 s9, $0x1;
	_ =	swait.ge [sflag:s5], $0x4000  }
0x1d: {  	s15 =	sshll.u32 s11, $0xE;
	s16 =	simm.s32 $0x0;
	s14 =	sand.u32 $0x4000, s13  }
0x1e: {  	[sflag:s5] =	ssyncset.done $0x0;
	s15 =	sand.u32 $0x4000, s15;
	s13 =	sor.u32 $0x200, s14  }
0x1f: {  	s14 =	sor.u32 $0x8080, s14;
	[sflag:s5] =	ssyncadd.s32 $0xFFFFC000;
	s15 =	sor.u32 $0x8000, s15  }
.LBB1_3:
0x20: {  	v0 =	vld [tilespmem:s13+$0xFFFFFE70]  }
0x21: {  	v1 =	vld [tilespmem:s13+$0x70]  }
0x22: {  	v2 =	vld [tilespmem:s13+$0x0]  }
0x23: {  	v3 =	vld [tilespmem:s13+$0xFFFFFE10]  }
0x24: {  	v4 =	vld [tilespmem:s13+$0x10]  }
0x25: {  	v5 =	vld [tilespmem:s13+$0xFFFFFE20]  }
0x26: {  	v7 =	vld [tilespmem:s13+$0x20]  }
0x27: {  	v11 =	vld [tilespmem:s13+$0x30];
	v6 =	vunpack.i.l.s16.s32 v0;
	v8 =	vunpack.i.u.s16.s32 v0;
	v9 =	vunpack.i.u.s16.s32 v1  }
0x28: {  	v10 =	vunpack.i.l.s16.s32 v1;
	v0 =	vunpack.i.u.s16.s32 v2;
	v1 =	vunpack.i.l.s16.s32 v2;
	v2 =	vld [tilespmem:s13+$0xFFFFFE30]  }
0x29: {  	v8 =	vpack.i.b32.b16 v9, v8;
	v9 =	vunpack.i.u.s16.s32 v3;
	v3 =	vunpack.i.l.s16.s32 v3  }
0x2a: {  	v12 =	vld [tilespmem:s13+$0xFFFFFE40];
	v6 =	vpack.i.b32.b16 v10, v6;
	[tilespmem:s14+$0x70] =	vst v8;
	v8 =	vunpack.i.u.s16.s32 v4;
	v4 =	vunpack.i.l.s16.s32 v4  }
0x2b: {  	v13 =	vld [tilespmem:s13+$0x40];
	v10 =	vunpack.i.u.s16.s32 v5;
	v5 =	vunpack.i.l.s16.s32 v5;
	[tilespmem:s14+$0xFFFFFFF0] =	vst v6;
	v3 =	vpack.i.b32.b16 v4, v3  }
0x2c: {  	v6 =	vunpack.i.l.s16.s32 v7;
	v4 =	vld [tilespmem:s13+$0xFFFFFE50];
	[tilespmem:s14+$0xFFFFFF90] =	vst v3;
	v3 =	vpack.i.b32.b16 v8, v9;
	v8 =	vunpack.i.u.s16.s32 v7  }
0x2d: {  	v7 =	vunpack.i.l.s16.s32 v11;
	[tilespmem:s14+$0x10] =	vst v3;
	v3 =	vpack.i.b32.b16 v6, v5;
	v9 =	vunpack.i.u.s16.s32 v2;
	v6 =	vld [tilespmem:s13+$0x50]  }
0x2e: {  	v5 =	vunpack.i.l.s16.s32 v2;
	v2 =	vld [tilespmem:s13+$0xFFFFFE60];
	[tilespmem:s14+$0xFFFFFFA0] =	vst v3;
	v3 =	vpack.i.b32.b16 v8, v10;
	v10 =	vunpack.i.u.s16.s32 v11  }
0x2f: {  	s19 =	simm.s32 $0x0;
	v11 =	vpack.i.b32.b16 v7, v5;
	v7 =	vunpack.i.u.s16.s32 v12;
	v8 =	vunpack.i.l.s16.s32 v12;
	[tilespmem:s14+$0x20] =	vst v3;
	v3 =	vld [tilespmem:s13+$0x60]  }
0x30: {  	s20 =	sadd.s32 $0x80, s13;
	s18 =	smov.u32 s14;
	s17 =	smov.u32 s14;
	v5 =	vld [tilespmem:s13+$0xFFFFFE00];
	[tilespmem:s14+$0xFFFFFFB0] =	vst v11;
	v10 =	vpack.i.b32.b16 v10, v9;
	v9 =	vunpack.i.u.s16.s32 v13;
	v11 =	vunpack.i.l.s16.s32 v13  }
.LBB1_4:
0x31: {  	v12 =	vld [tilespmem:s20+$0xFFFFFE70];
	[tilespmem:s18+$0x30] =	vst v10;
	v8 =	vpack.i.b32.b16 v11, v8;
	v10 =	vunpack.i.u.s16.s32 v4;
	v4 =	vunpack.i.l.s16.s32 v4  }
0x32: {  	s19 =	sadd.s32 $0x2, s19;
	v7 =	vpack.i.b32.b16 v9, v7;
	v11 =	vld [tilespmem:s20+$0x70];
	[tilespmem:s18+$0xFFFFFFC0] =	vst v8;
	v8 =	vunpack.i.u.s16.s32 v6;
	v6 =	vunpack.i.l.s16.s32 v6  }
0x33: {  	p0 =	slt.u32 s19, $0x6;
	v9 =	vld [tilespmem:s20+$0x0];
	[tilespmem:s18+$0x40] =	vst v7;
	v4 =	vpack.i.b32.b16 v6, v4;
	v6 =	vunpack.i.u.s16.s32 v2;
	v2 =	vunpack.i.l.s16.s32 v2  }
0x34: {  	v7 =	vld [tilespmem:s20+$0xFFFFFE10];
	[tilespmem:s18+$0xFFFFFFD0] =	vst v4;
	v4 =	vpack.i.b32.b16 v8, v10;
	v8 =	vunpack.i.u.s16.s32 v3;
	v3 =	vunpack.i.l.s16.s32 v3  }
0x35: {  	v10 =	vld [tilespmem:s20+$0x10];
	v13 =	vunpack.i.u.s16.s32 v5;
	v5 =	vunpack.i.l.s16.s32 v5;
	[tilespmem:s18+$0x50] =	vst v4;
	v2 =	vpack.i.b32.b16 v3, v2  }
0x36: {  	v3 =	vld [tilespmem:s20+$0xFFFFFE20];
	v4 =	vunpack.i.l.s16.s32 v12;
	v1 =	vpack.i.b32.b16 v1, v5;
	v5 =	vpack.i.b32.b16 v0, v13;
	[tilespmem:s18+$0xFFFFFFE0] =	vst v2  }
0x37: {  	v12 =	vunpack.i.u.s16.s32 v12;
	v2 =	vld [tilespmem:s20+$0x20];
	v13 =	vunpack.i.u.s16.s32 v11;
	v11 =	vunpack.i.l.s16.s32 v11;
	[tilespmem:s18+$0xFFFFFF80] =	vst v1  }
0x38: {  	s18 =	sadd.s32 $0x100, s18;
	v0 =	vunpack.i.u.s16.s32 v9;
	v1 =	vunpack.i.l.s16.s32 v9;
	v9 =	vld [tilespmem:s20+$0xFFFFFE30];
	v12 =	vpack.i.b32.b16 v13, v12;
	[tilespmem:s17+$0x0] =	vst v5  }
0x39: {  	v6 =	vpack.i.b32.b16 v8, v6;
	v5 =	vunpack.i.u.s16.s32 v7;
	v7 =	vunpack.i.l.s16.s32 v7;
	v13 =	vld [tilespmem:s20+$0x30];
	[tilespmem:s18+$0x70] =	vst v12  }
0x3a: {  	v4 =	vpack.i.b32.b16 v11, v4;
	v8 =	vunpack.i.u.s16.s32 v10;
	v10 =	vunpack.i.l.s16.s32 v10;
	v12 =	vld [tilespmem:s20+$0xFFFFFE40];
	[tilespmem:s17+$0x60] =	vst v6;
	s17 =	smov.u32 s18  }
0x3b: {  	v6 =	vpack.i.b32.b16 v10, v7;
	v7 =	vunpack.i.u.s16.s32 v3;
	v3 =	vunpack.i.l.s16.s32 v3;
	v11 =	vld [tilespmem:s20+$0x40];
	[tilespmem:s18+$0xFFFFFFF0] =	vst v4  }
.Ltmp3:
0x3c: {  	v5 =	vpack.i.b32.b16 v8, v5;
	[tilespmem:s18+$0xFFFFFF90] =	vst v6;
	v8 =	vunpack.i.u.s16.s32 v2;
	v2 =	vunpack.i.l.s16.s32 v2;
	v4 =	vld [tilespmem:s20+$0xFFFFFE50];
	(pc) =	sbr.rel @p0 .LBB1_4-.Ltmp3, $4  }
0x3d: {  	[tilespmem:s18+$0x10] =	vst v5;
	v2 =	vpack.i.b32.b16 v2, v3;
	v10 =	vunpack.i.u.s16.s32 v9;
	v3 =	vunpack.i.l.s16.s32 v9;
	v6 =	vld [tilespmem:s20+$0x50]  }
0x3e: {  	v5 =	vpack.i.b32.b16 v8, v7;
	[tilespmem:s18+$0xFFFFFFA0] =	vst v2;
	v9 =	vunpack.i.u.s16.s32 v13;
	v7 =	vunpack.i.l.s16.s32 v13;
	v2 =	vld [tilespmem:s20+$0xFFFFFE60]  }
0x3f: {  	[tilespmem:s18+$0x20] =	vst v5;
	v13 =	vpack.i.b32.b16 v7, v3;
	v7 =	vunpack.i.u.s16.s32 v12;
	v8 =	vunpack.i.l.s16.s32 v12;
	v3 =	vld [tilespmem:s20+$0x60]  }
0x40: {  	v10 =	vpack.i.b32.b16 v9, v10;
	v5 =	vld [tilespmem:s20+$0xFFFFFE00];
	[tilespmem:s18+$0xFFFFFFB0] =	vst v13;
	v9 =	vunpack.i.u.s16.s32 v11;
	v11 =	vunpack.i.l.s16.s32 v11;
	s20 =	sadd.s32 $0x80, s20  }
0x41: {  	[tilespmem:s18+$0x30] =	vst v10;
	v8 =	vpack.i.b32.b16 v11, v8  }
0x42: {  	v51 =	vunpack.i.l.s16.s32 v4;
	v7 =	vpack.i.b32.b16 v9, v7;
	[tilespmem:s18+$0xFFFFFFC0] =	vst v8;
	v52 =	vunpack.i.l.s16.s32 v6  }
0x43: {  	v53 =	vunpack.i.u.s16.s32 v4;
	s16 =	sadd.s32 $0x1, s16;
	v54 =	vunpack.i.u.s16.s32 v6;
	[tilespmem:s18+$0x40] =	vst v7;
	v55 =	vpack.i.b32.b16 v52, v51  }
0x44: {  	p0 =	sne.s32 s16, $0x10;
	v56 =	vunpack.i.l.s16.s32 v2;
	v4 =	vpack.i.b32.b16 v54, v53;
	[tilespmem:s18+$0xFFFFFFD0] =	vst v55;
	v57 =	vunpack.i.l.s16.s32 v3  }
.Ltmp4:
0x45: {  	[tilespmem:s18+$0x50] =	vst v4;
	v58 =	vunpack.i.l.s16.s32 v5;
	v59 =	vpack.i.b32.b16 v57, v56;
	(pc) =	sbr.rel @p0 .LBB1_3-.Ltmp4, $4  }
0x46: {  	v61 =	vunpack.i.u.s16.s32 v2;
	v62 =	vunpack.i.u.s16.s32 v3;
	v1 =	vpack.i.b32.b16 v1, v58;
	[tilespmem:s18+$0xFFFFFFE0] =	vst v59  }
0x47: {  	v60 =	vunpack.i.u.s16.s32 v5;
	v63 =	vpack.i.b32.b16 v62, v61;
	[tilespmem:s18+$0xFFFFFF80] =	vst v1  }
0x48: {  	v0 =	vpack.i.b32.b16 v0, v60;
	[tilespmem:s17+$0x60] =	vst v63  }
0x49: {  	s13 =	sadd.s32 $0x400, s13;
	s14 =	sadd.s32 $0x400, s14;
	[tilespmem:s17+$0x0] =	vst v0  }
.Ltmp5:
0x4a: {  	(pc) =	sbr.rel .LBB1_7-.Ltmp5, $4  }
0x4b: {  	_ = 	snop  }
0x4c: {  	s12 =	sshll.u32 s12, $0x7  }
0x4d: {  	s12 =	sadd.s32 s4, s12  }
0x4e: {  	[hbm4b:s12+s8] =	stream.linear.scatter [tilespmem:s15], [sflag:$0x2], $0x4000, $0x38;
	[tilespmem:$0x10000] =	vst v63  }
.LBB1_8:
0x4f: {  	_ =	sfence.sel $0x180000  }
0x50: {  	s2 =	simm.s32 $0x1;
	[bflag:$0x0] =	sbarrier.arrive $0xFFFF  }
0x51: {  	s31 =	simm.s32 $0x2;
	[sflag:s2] =	ssyncpa.u1 $0x1  }
0x52: {  	[sflag:s31] =	ssyncpa.u1 $0x1  }
0x53: {  	p0 =	sne.s32 s0, $0x0;
	_ =	strace $0x90000047  }
0x54: {  	s0 =	sadd.s32 @!p0 $0x100000, s1;
	[bflag:$0x2] =	sbarrier.arrive $0xFFFF  }
0x55: {  	[sflag:s0] =	ssyncadd.tile.s32 @!p0 $0x1;
	_ =	shalt  }
.Lfunc_end1:
_tile_overlayer_lowered:
.L_overlay_start_2:
0x56: {  	(tag) =	ssettag $0x2  }
0x57: {  	s0 =	rddreg [dreg:$0x0];
	s2 =	stileid.u32  }
0x58: {  	s1 =	rddreg [dreg:$0x1];
	p0 =	sne.s32 s2, $0x0  }
0x59: {  	s3 =	rddreg [dreg:$0x2];
	[bflag:$0x3] =	sbarrier.arrive $0xFFFF;
	s2 =	simm.s32 @!p0 $0x1C01  }
0x5a: {  	[timem:s3], [sflag:s2] =	dma.local @!p0 [hbm:s0], s1  }
0x5b: {  	s0 =	simm.s32 @!p0 $0x1  }
0x5c: {  	_ =	swait.ge @!p0 [sflag:s0], s1  }
0x5d: {  	s1 =	ssub.s32 @!p0 $0x0, s1;
	[sflag:s0] =	ssyncset.done @!p0 $0x0  }
0x5e: {  	[sflag:s0] =	ssyncadd.s32 @!p0 s1  }
0x5f: {  	[bflag:$0x3] =	sbarrier.arrive $0xFFFF  }
0x60: {  	_ =	shalt  }

</sc_bundles>
